<compile_context>
chip_gen: v7x
topology: tpu7x:2x2x1
jax: 0.10.2.dev20260603
libtpu: 0.0.44.dev20260713+nightly
codegen_flags: <defaults>
</compile_context>

<pallas_src>
import functools

import jax
import jax.numpy as jnp
from jax import lax
from jax.experimental import pallas as pl
from jax.experimental.pallas import tpu as pltpu
from jax.experimental.pallas import tpu_sc as plsc

N_NODES = 10000
E_EDGES = 320000
CH = 128
NW = 32
EPW = E_EDGES // NW
C = 40
NCHUNK = EPW // C
NPAD = 10240
ROWS_PER_SUB = NPAD // 16


def _proj_body(q_ref, wl_ref, wr_ref, gl_ref, gr_ref):
    x = q_ref[...]
    dn = (((1,), (1,)), ((), ()))
    gl_ref[...] = lax.dot_general(x, wl_ref[...], dn, preferred_element_type=jnp.float32)
    gr_ref[...] = lax.dot_general(x, wr_ref[...], dn, preferred_element_type=jnp.float32)


def _project(q, W_l, W_r):
    grid = 25
    rb = N_NODES // grid
    return pl.pallas_call(
        _proj_body,
        grid=(grid,),
        in_specs=[
            pl.BlockSpec((rb, CH), lambda i: (i, 0)),
            pl.BlockSpec((CH, CH), lambda i: (0, 0)),
            pl.BlockSpec((CH, CH), lambda i: (0, 0)),
        ],
        out_specs=[
            pl.BlockSpec((rb, CH), lambda i: (i, 0)),
            pl.BlockSpec((rb, CH), lambda i: (i, 0)),
        ],
        out_shape=[
            jax.ShapeDtypeStruct((N_NODES, CH), jnp.float32),
            jax.ShapeDtypeStruct((N_NODES, CH), jnp.float32),
        ],
    )(q, W_l, W_r)


def _takev(a, idx):
    dn = lax.GatherDimensionNumbers(offset_dims=(), collapsed_slice_dims=(0,),
                                    start_index_map=(0,))
    return lax.gather(a, idx.reshape(16, 1), dn, (1,),
                      mode=lax.GatherScatterMode.PROMISE_IN_BOUNDS)


def _edge_body(gl_hbm, gr_hbm, src_hbm, dst_hbm, env_hbm, a_hbm, zeros_hbm,
               num_hbm, den_hbm,
               src_a, dst_a, env_a, src_b, dst_b, env_b, dstv,
               glv_a, grv_a, glv_b, grv_b, out_a, out_b, dstv_b, wrow, a_v,
               denbuf, acc_sp, semA1, semA2, semB1, semB2, semIA, semIB,
               semSA, semSB):
    cid = lax.axis_index("c")
    sid = lax.axis_index("s")
    wid = sid * 2 + cid
    base = wid * EPW

    pltpu.sync_copy(zeros_hbm.at[pl.ds(sid * ROWS_PER_SUB, ROWS_PER_SUB)],
                    acc_sp.at[pl.ds(sid * ROWS_PER_SUB, ROWS_PER_SUB)])
    pltpu.sync_copy(a_hbm, a_v)

    zero16 = jnp.zeros((16,), jnp.float32)

    def zero_den(i, carry_z):
        denbuf[pl.ds(i * 16, 16)] = zero16
        return carry_z
    lax.fori_loop(0, (NPAD + 16) // 16, zero_den, 0)
    plsc.subcore_barrier()

    a_chunks = [a_v[pl.ds(16 * j, 16)] for j in range(8)]
    iota16 = lax.iota(jnp.int32, 16)
    onehot0 = jnp.where(iota16 == 0, 1.0, 0.0)
    bfly = [lax.bitwise_xor(iota16, k) for k in (8, 4, 2, 1)]

    def issue_idx(off, srcv, dstv_c, envv, sem):
        pltpu.async_copy(src_hbm.at[pl.ds(base + off, C)], srcv, sem)
        pltpu.async_copy(dst_hbm.at[pl.ds(base + off, C)], dstv_c.at[pl.ds(0, C)], sem)
        pltpu.async_copy(env_hbm.at[pl.ds(base + off, C)], envv.at[pl.ds(0, C)], sem)

    def wait_idx(off, srcv, dstv_c, envv, sem):
        pltpu.make_async_copy(src_hbm.at[pl.ds(base + off, C)], srcv, sem).wait()
        pltpu.make_async_copy(dst_hbm.at[pl.ds(base + off, C)], dstv_c.at[pl.ds(0, C)], sem).wait()
        pltpu.make_async_copy(env_hbm.at[pl.ds(base + off, C)], envv.at[pl.ds(0, C)], sem).wait()

    def issue_g(srcv, dstv_c, glv, grv, s1, s2):
        pltpu.async_copy(gl_hbm.at[srcv], glv, s1)
        pltpu.async_copy(gr_hbm.at[dstv_c.at[pl.ds(0, C)]], grv, s2)

    def wait_g(srcv, dstv_c, glv, grv, s1, s2):
        pltpu.make_async_copy(gl_hbm.at[srcv], glv, s1).wait()
        pltpu.make_async_copy(gr_hbm.at[dstv_c.at[pl.ds(0, C)]], grv, s2).wait()

    def compute_and_scatter(glv, grv, dst_c, env_c, outb, dstvx, semS, do_wait):
        @pl.when(do_wait)
        def _drain():
            pltpu.make_async_copy(outb, acc_sp.at[dstvx], semS).wait()

        def edge(e):
            gl_c = [glv[e, pl.ds(16 * j, 16)] for j in range(8)]
            t = []
            for j in range(8):
                s = gl_c[j] + grv[e, pl.ds(16 * j, 16)]
                es = jnp.exp(s)
                r = (s * es) / (1.0 + es)
                t.append(r * a_chunks[j])
            acc = ((t[0] + t[1]) + (t[2] + t[3])) + ((t[4] + t[5]) + (t[6] + t[7]))
            for idx in bfly:
                acc = acc + _takev(acc, idx)
            env_e = env_c[pl.ds(e, 16)][0]
            w = (env_e + 1e-7) * jnp.exp(acc)
            for j in range(8):
                outb[e, pl.ds(16 * j, 16)] = w * gl_c[j]
            wrow[pl.ds(16 * e, 16)] = w
        plsc.parallel_loop(0, C, 1, unroll=2)(edge)

        def den_edge(i, carry_e):
            e0 = 2 * i
            e1 = e0 + 1
            w0 = wrow[pl.ds(16 * e0, 16)]
            w1 = wrow[pl.ds(16 * e1, 16)]
            d0 = dst_c[pl.ds(e0, 16)][0]
            tden0 = denbuf[pl.ds(d0, 16)]
            denbuf[pl.ds(d0, 16)] = tden0 + w0 * onehot0
            d1 = dst_c[pl.ds(e1, 16)][0]
            tden1 = denbuf[pl.ds(d1, 16)]
            denbuf[pl.ds(d1, 16)] = tden1 + w1 * onehot0
            return carry_e
        lax.fori_loop(0, C // 2, den_edge, 0)
        dstvx[pl.ds(0, 16)] = dst_c[pl.ds(0, 16)]
        dstvx[pl.ds(16, 16)] = dst_c[pl.ds(16, 16)]
        dstvx[pl.ds(C - 16, 16)] = dst_c[pl.ds(C - 16, 16)]
        pltpu.async_copy(outb, acc_sp.at[dstvx], semS, add=True)

    pltpu.sync_copy(src_hbm.at[pl.ds(base, C)], src_a)
    pltpu.sync_copy(dst_hbm.at[pl.ds(base, C)], dst_a.at[pl.ds(0, C)])
    pltpu.sync_copy(env_hbm.at[pl.ds(base, C)], env_a.at[pl.ds(0, C)])
    issue_g(src_a, dst_a, glv_a, grv_a, semA1, semA2)
    issue_idx(C, src_b, dst_b, env_b, semIB)

    npair = NCHUNK // 2

    def pair(i, carry):
        offa = (2 * i) * C
        offb = offa + C
        offn = offa + 2 * C
        wait_idx(offb, src_b, dst_b, env_b, semIB)
        issue_g(src_b, dst_b, glv_b, grv_b, semB1, semB2)
        wait_g(src_a, dst_a, glv_a, grv_a, semA1, semA2)
        compute_and_scatter(glv_a, grv_a, dst_a, env_a, out_a, dstv, semSA, i > 0)

        @pl.when(i < npair - 1)
        def _steady():
            issue_idx(offn, src_a, dst_a, env_a, semIA)

        wait_g(src_b, dst_b, glv_b, grv_b, semB1, semB2)
        compute_and_scatter(glv_b, grv_b, dst_b, env_b, out_b, dstv_b, semSB, i > 0)

        @pl.when(i < npair - 1)
        def _steady2():
            wait_idx(offn, src_a, dst_a, env_a, semIA)
            issue_g(src_a, dst_a, glv_a, grv_a, semA1, semA2)
            issue_idx(offn + C, src_b, dst_b, env_b, semIB)
        return carry

    lax.fori_loop(0, npair, pair, 0)
    pltpu.make_async_copy(out_a, acc_sp.at[dstv], semSA).wait()
    pltpu.make_async_copy(out_b, acc_sp.at[dstv_b], semSB).wait()

    plsc.subcore_barrier()
    pltpu.sync_copy(acc_sp.at[pl.ds(sid * ROWS_PER_SUB, ROWS_PER_SUB)],
                    num_hbm.at[cid, pl.ds(sid * ROWS_PER_SUB, ROWS_PER_SUB)])
    pltpu.sync_copy(denbuf.at[pl.ds(0, NPAD)], den_hbm.at[wid])


@functools.partial(
    pl.kernel,
    mesh=plsc.VectorSubcoreMesh(core_axis_name="c", subcore_axis_name="s"),
    out_type=[
        jax.ShapeDtypeStruct((2, NPAD, CH), jnp.float32),
        jax.ShapeDtypeStruct((NW, NPAD), jnp.float32),
    ],
    scratch_types=[
        pltpu.VMEM((C,), jnp.int32),
        pltpu.VMEM((C + 16,), jnp.int32),
        pltpu.VMEM((C + 16,), jnp.float32),
        pltpu.VMEM((C,), jnp.int32),
        pltpu.VMEM((C + 16,), jnp.int32),
        pltpu.VMEM((C + 16,), jnp.float32),
        pltpu.VMEM((C,), jnp.int32),
        pltpu.VMEM((C, CH), jnp.float32),
        pltpu.VMEM((C, CH), jnp.float32),
        pltpu.VMEM((C, CH), jnp.float32),
        pltpu.VMEM((C, CH), jnp.float32),
        pltpu.VMEM((C, CH), jnp.float32),
        pltpu.VMEM((C, CH), jnp.float32),
        pltpu.VMEM((C,), jnp.int32),
        pltpu.VMEM((C * 16,), jnp.float32),
        pltpu.VMEM((CH,), jnp.float32),
        pltpu.VMEM((NPAD + 16,), jnp.float32),
        pltpu.VMEM_SHARED((NPAD, CH), jnp.float32),
        pltpu.SemaphoreType.DMA,
        pltpu.SemaphoreType.DMA,
        pltpu.SemaphoreType.DMA,
        pltpu.SemaphoreType.DMA,
        pltpu.SemaphoreType.DMA,
        pltpu.SemaphoreType.DMA,
        pltpu.SemaphoreType.DMA,
        pltpu.SemaphoreType.DMA,
    ],
)
def _edge_pass(gl_hbm, gr_hbm, src_hbm, dst_hbm, env_hbm, a_hbm, zeros_hbm,
               num_hbm, den_hbm, *rest):
    _edge_body(gl_hbm, gr_hbm, src_hbm, dst_hbm, env_hbm, a_hbm, zeros_hbm,
               num_hbm, den_hbm, *rest)


def _norm_body(num_ref, den_ref, o_ref):
    p = num_ref[...]
    num = p[0] + p[1]
    d = den_ref[...]
    den = jnp.sum(d, axis=0)
    o_ref[...] = jnp.where(den > 0, num / den, 0.0)


def _normalize(num_partials, den_col):
    grid = 25
    rb = N_NODES // grid
    return pl.pallas_call(
        _norm_body,
        grid=(grid,),
        in_specs=[
            pl.BlockSpec((2, rb, CH), lambda i: (0, i, 0)),
            pl.BlockSpec((NW, rb, 1), lambda i: (0, i, 0)),
        ],
        out_specs=pl.BlockSpec((rb, CH), lambda i: (i, 0)),
        out_shape=jax.ShapeDtypeStruct((N_NODES, CH), jnp.float32),
    )(num_partials, den_col)


def kernel(q, k, v, envelope, edge_index, W_l, W_r, a):
    del k, v
    g_l, g_r = _project(q, W_l, W_r)
    src = edge_index[0].astype(jnp.int32)
    dst = edge_index[1].astype(jnp.int32)
    a_flat = a.reshape(CH).astype(jnp.float32)
    zeros = jnp.zeros((NPAD, CH), jnp.float32)
    num_p, den_p = _edge_pass(g_l, g_r, src, dst, envelope, a_flat, zeros)
    den_col = den_p.reshape(NW, NPAD, 1)
    return _normalize(num_p, den_col)

# --- scband reference (transcript-rebuilt; emitter-appended) ---
"""Pipeline reference for scband-inv-attention-gatv2-11948599018110 (READ-ONLY COPY).

The authoritative reference and input builder live on the scoring server;
editing this copy changes nothing except your own understanding.
"""

import jax, jax.numpy as jnp
import numpy as np

N_NODES = 10000
E_EDGES = 320000
IN_CH = 128
H_CH = 128


def setup_inputs(seed: int = 0) -> dict:
    key = jax.random.key(seed)
    ks = jax.random.split(key, 8)
    q = jax.random.normal(ks[0], (N_NODES, IN_CH), dtype=jnp.float32)
    k = jax.random.normal(ks[1], (N_NODES, IN_CH), dtype=jnp.float32)
    v = jax.random.normal(ks[2], (N_NODES, IN_CH), dtype=jnp.float32)
    envelope = jax.random.uniform(ks[3], (E_EDGES,), dtype=jnp.float32)
    edge_index = jax.random.randint(ks[4], (2, E_EDGES), 0, N_NODES, dtype=jnp.int64)
    s = 1.0 / np.sqrt(IN_CH)
    W_l = jax.random.uniform(ks[5], (H_CH, IN_CH), dtype=jnp.float32, minval=-s, maxval=s)
    W_r = jax.random.uniform(ks[6], (H_CH, IN_CH), dtype=jnp.float32, minval=-s, maxval=s)
    sa = 1.0 / np.sqrt(H_CH)
    a = jax.random.uniform(ks[7], (1, H_CH), dtype=jnp.float32, minval=-sa, maxval=sa)
    return {"q": q, "k": k, "v": v, "envelope": envelope, "edge_index": edge_index, "W_l": W_l, "W_r": W_r, "a": a}


def reference(q, k, v, envelope, edge_index, W_l, W_r, a):
    src = edge_index[0]
    dst = edge_index[1]
    N = q.shape[0]
    g_l = q @ W_l.T
    g_r = q @ W_r.T
    g_l_src = jnp.take(g_l, src, axis=0)
    g_r_dst = jnp.take(g_r, dst, axis=0)
    g_sum = g_l_src + g_r_dst
    act = g_sum * jax.nn.sigmoid(g_sum)  # SiLU
    e = (act @ a.T).squeeze(-1)
    e = e + jnp.log(envelope + 1e-07)
    # scatter_softmax over dst groups
    seg_max = jax.ops.segment_max(e, dst, num_segments=N)
    e_shift = e - jnp.take(seg_max, dst, axis=0)
    ex = jnp.exp(e_shift)
    denom = jax.ops.segment_sum(ex, dst, num_segments=N)
    attn = ex / jnp.take(denom, dst, axis=0)
    out_e = attn[:, None] * g_l_src
    out = jax.ops.segment_sum(out_e, dst, num_segments=N)
    return out.reshape(N, -1)

if __name__ == "__main__":
    import jax
    _d = setup_inputs()
    print(jax.jit(kernel)(*tuple(_d.values())))

</pallas_src>

<mosaic_0001>
#map = affine_map<(d0, d1) -> (0, 0)>
#map1 = affine_map<(d0, d1) -> (0)>
#map2 = affine_map<(d0, d1) -> (0, 0, 0)>
module attributes {stable_mosaic.version = 14 : i64} {
  func.func @_edge_pass(%arg0: i32, %arg1: i32, %arg2: memref<10000x128xf32, #tpu.memory_space<hbm>>, %arg3: memref<10000x128xf32, #tpu.memory_space<hbm>>, %arg4: memref<320000xi32, #tpu.memory_space<hbm>>, %arg5: memref<320000xi32, #tpu.memory_space<hbm>>, %arg6: memref<320000xf32, #tpu.memory_space<hbm>>, %arg7: memref<128xf32, #tpu.memory_space<hbm>>, %arg8: memref<10240x128xf32, #tpu.memory_space<hbm>>, %arg9: memref<2x10240x128xf32, #tpu.memory_space<hbm>>, %arg10: memref<32x10240xf32, #tpu.memory_space<hbm>>, %arg11: memref<40xi32, #tpu.memory_space<vmem>>, %arg12: memref<56xi32, #tpu.memory_space<vmem>>, %arg13: memref<56xf32, #tpu.memory_space<vmem>>, %arg14: memref<40xi32, #tpu.memory_space<vmem>>, %arg15: memref<56xi32, #tpu.memory_space<vmem>>, %arg16: memref<56xf32, #tpu.memory_space<vmem>>, %arg17: memref<40xi32, #tpu.memory_space<vmem>>, %arg18: memref<40x128xf32, #tpu.memory_space<vmem>>, %arg19: memref<40x128xf32, #tpu.memory_space<vmem>>, %arg20: memref<40x128xf32, #tpu.memory_space<vmem>>, %arg21: memref<40x128xf32, #tpu.memory_space<vmem>>, %arg22: memref<40x128xf32, #tpu.memory_space<vmem>>, %arg23: memref<40x128xf32, #tpu.memory_space<vmem>>, %arg24: memref<40xi32, #tpu.memory_space<vmem>>, %arg25: memref<640xf32, #tpu.memory_space<vmem>>, %arg26: memref<128xf32, #tpu.memory_space<vmem>>, %arg27: memref<10256xf32, #tpu.memory_space<vmem>>, %arg28: memref<10240x128xf32, #tpu.memory_space<vmem_shared>>, %arg29: memref<!tpu.dma_semaphore, #tpu.memory_space<semaphore_mem>>, %arg30: memref<!tpu.dma_semaphore, #tpu.memory_space<semaphore_mem>>, %arg31: memref<!tpu.dma_semaphore, #tpu.memory_space<semaphore_mem>>, %arg32: memref<!tpu.dma_semaphore, #tpu.memory_space<semaphore_mem>>, %arg33: memref<!tpu.dma_semaphore, #tpu.memory_space<semaphore_mem>>, %arg34: memref<!tpu.dma_semaphore, #tpu.memory_space<semaphore_mem>>, %arg35: memref<!tpu.dma_semaphore, #tpu.memory_space<semaphore_mem>>, %arg36: memref<!tpu.dma_semaphore, #tpu.memory_space<semaphore_mem>>) attributes {dimension_semantics = [#tpu.dimension_semantics<core_parallel>, #tpu.dimension_semantics<subcore_parallel>], iteration_bounds = array<i64: 2, 16>, scalar_prefetch = 0 : i64, scratch_operands = 26 : i64, tpu.core_type = #tpu.core_type<sc_vector_subcore>, window_params = [{transform_indices = #map}, {transform_indices = #map}, {transform_indices = #map1}, {transform_indices = #map1}, {transform_indices = #map1}, {transform_indices = #map1}, {transform_indices = #map}, {transform_indices = #map2}, {transform_indices = #map}]} {
    %mul3A = arith.constant 2 : i32
    %mul3A_0 = arith.muli %arg1, %mul3A : i32
    %add3A = arith.addi %mul3A_0, %arg0 : i32
    %mul3A_1 = arith.constant 10000 : i32
    %mul3A_2 = arith.muli %add3A, %mul3A_1 : i32
    %mul3A_3 = arith.constant 640 : i32
    %mul3A_4 = arith.muli %arg1, %mul3A_3 : i32
    %mul3A_5 = arith.constant 640 : i32
    %mul3A_6 = arith.muli %arg1, %mul3A_5 : i32
    "tpu.region"() ({
      %run_scoped3A = tpu.sem_alloc : memref<!tpu.dma_semaphore, #tpu.memory_space<semaphore_mem>>
      %dma_start3A_95 = arith.constant 0 : i32
      %dma_start3A_96 = tpu.memref_slice %arg28[%mul3A_6, %dma_start3A_95] : memref<10240x128xf32, #tpu.memory_space<vmem_shared>> -> memref<640x128xf32, #tpu.memory_space<vmem_shared>>
      %dma_start3A_97 = arith.constant 0 : i32
      %dma_start3A_98 = tpu.memref_slice %arg8[%mul3A_4, %dma_start3A_97] : memref<10240x128xf32, #tpu.memory_space<hbm>> -> memref<640x128xf32, #tpu.memory_space<hbm>>
      tpu.enqueue_dma source(%dma_start3A_98 : memref<640x128xf32, #tpu.memory_space<hbm>>) target(%dma_start3A_96 : memref<640x128xf32, #tpu.memory_space<vmem_shared>>) target_semaphore(%run_scoped3A : memref<!tpu.dma_semaphore, #tpu.memory_space<semaphore_mem>>)
      %dma_wait3A_99 = arith.constant 0 : i32
      %dma_wait3A_100 = tpu.memref_slice %arg28[%mul3A_6, %dma_wait3A_99] : memref<10240x128xf32, #tpu.memory_space<vmem_shared>> -> memref<640x128xf32, #tpu.memory_space<vmem_shared>>
      %dma_wait3A_101 = arith.constant 0 : i32
      %dma_wait3A_102 = tpu.memref_slice %arg8[%mul3A_4, %dma_wait3A_101] : memref<10240x128xf32, #tpu.memory_space<hbm>> -> memref<640x128xf32, #tpu.memory_space<hbm>>
      tpu.wait_dma2 semaphore(%run_scoped3A : memref<!tpu.dma_semaphore, #tpu.memory_space<semaphore_mem>>) src(%dma_wait3A_102 : memref<640x128xf32, #tpu.memory_space<hbm>>) dst(%dma_wait3A_100 : memref<640x128xf32, #tpu.memory_space<vmem_shared>>)
      tpu.yield
    }) : () -> ()
    "tpu.region"() ({
      %run_scoped3A = tpu.sem_alloc : memref<!tpu.dma_semaphore, #tpu.memory_space<semaphore_mem>>
      tpu.enqueue_dma source(%arg7 : memref<128xf32, #tpu.memory_space<hbm>>) target(%arg26 : memref<128xf32, #tpu.memory_space<vmem>>) target_semaphore(%run_scoped3A : memref<!tpu.dma_semaphore, #tpu.memory_space<semaphore_mem>>)
      tpu.wait_dma2 semaphore(%run_scoped3A : memref<!tpu.dma_semaphore, #tpu.memory_space<semaphore_mem>>) src(%arg7 : memref<128xf32, #tpu.memory_space<hbm>>) dst(%arg26 : memref<128xf32, #tpu.memory_space<vmem>>)
      tpu.yield
    }) : () -> ()
    %broadcast_in_dim3A = arith.constant 0.000000e+00 : f32
    %broadcast_in_dim3A_7 = vector.broadcast %broadcast_in_dim3A : f32 to vector<16xf32>
    %scan3A = arith.constant 0 : i32
    %scan3A_8 = arith.constant 0 : i32
    %scan3A_9 = arith.constant 641 : i32
    %scan3A_10 = arith.addi %scan3A_8, %scan3A_9 : i32
    %scan3A_11 = arith.constant 1 : i32
    scf.for %scan3A_95 = %scan3A_8 to %scan3A_10 step %scan3A_11  : i32 {
      %mul3A_96 = arith.constant 16 : i32
      %mul3A_97 = arith.muli %scan3A_95, %mul3A_96 : i32
      %swap3A = arith.index_cast %mul3A_97 : i32 to index
      %swap3A_98 = tpu.vector_load %arg27[%swap3A] {strides = array<i32>} : memref<10256xf32, #tpu.memory_space<vmem>>, vector<16xf32>,
      %swap3A_99 = vector.shape_cast %swap3A_98 : vector<16xf32> to vector<16xf32>
      %swap3A_100 = vector.shape_cast %broadcast_in_dim3A_7 : vector<16xf32> to vector<16xf32>
      tpu.vector_store %arg27[%swap3A], %swap3A_100 {strides = array<i32>} : memref<10256xf32, #tpu.memory_space<vmem>>, vector<16xf32>,
    }
    %scan3A_12 = arith.constant 641 : i32
    %barrier3A = arith.constant 0 : index
    tpu.barrier barrier_id(%barrier3A)
    %get3A = arith.constant 0 : index
    %get3A_13 = tpu.vector_load %arg26[%get3A] {strides = array<i32>} : memref<128xf32, #tpu.memory_space<vmem>>, vector<16xf32>,
    %get3A_14 = vector.shape_cast %get3A_13 : vector<16xf32> to vector<16xf32>
    %get3A_15 = arith.constant 16 : index
    %get3A_16 = tpu.vector_load %arg26[%get3A_15] {strides = array<i32>} : memref<128xf32, #tpu.memory_space<vmem>>, vector<16xf32>,
    %get3A_17 = vector.shape_cast %get3A_16 : vector<16xf32> to vector<16xf32>
    %get3A_18 = arith.constant 32 : index
    %get3A_19 = tpu.vector_load %arg26[%get3A_18] {strides = array<i32>} : memref<128xf32, #tpu.memory_space<vmem>>, vector<16xf32>,
    %get3A_20 = vector.shape_cast %get3A_19 : vector<16xf32> to vector<16xf32>
    %get3A_21 = arith.constant 48 : index
    %get3A_22 = tpu.vector_load %arg26[%get3A_21] {strides = array<i32>} : memref<128xf32, #tpu.memory_space<vmem>>, vector<16xf32>,
    %get3A_23 = vector.shape_cast %get3A_22 : vector<16xf32> to vector<16xf32>
    %get3A_24 = arith.constant 64 : index
    %get3A_25 = tpu.vector_load %arg26[%get3A_24] {strides = array<i32>} : memref<128xf32, #tpu.memory_space<vmem>>, vector<16xf32>,
    %get3A_26 = vector.shape_cast %get3A_25 : vector<16xf32> to vector<16xf32>
    %get3A_27 = arith.constant 80 : index
    %get3A_28 = tpu.vector_load %arg26[%get3A_27] {strides = array<i32>} : memref<128xf32, #tpu.memory_space<vmem>>, vector<16xf32>,
    %get3A_29 = vector.shape_cast %get3A_28 : vector<16xf32> to vector<16xf32>
    %get3A_30 = arith.constant 96 : index
    %get3A_31 = tpu.vector_load %arg26[%get3A_30] {strides = array<i32>} : memref<128xf32, #tpu.memory_space<vmem>>, vector<16xf32>,
    %get3A_32 = vector.shape_cast %get3A_31 : vector<16xf32> to vector<16xf32>
    %get3A_33 = arith.constant 112 : index
    %get3A_34 = tpu.vector_load %arg26[%get3A_33] {strides = array<i32>} : memref<128xf32, #tpu.memory_space<vmem>>, vector<16xf32>,
    %get3A_35 = vector.shape_cast %get3A_34 : vector<16xf32> to vector<16xf32>
    %iota3A = tpu.iota {dimensions = array<i32: 0>} : vector<16xi32>
    %eq3A = arith.constant 0 : i32
    %eq3A_36 = vector.broadcast %eq3A : i32 to vector<16xi32>
    %eq3A_37 = arith.cmpi eq, %iota3A, %eq3A_36 : vector<16xi32>
    %jit3A = arith.constant 1.000000e+00 : f32
    %jit3A_38 = arith.constant 0.000000e+00 : f32
    %broadcast_in_dim3A_39 = vector.broadcast %jit3A : f32 to vector<16xf32>
    %broadcast_in_dim3A_40 = vector.broadcast %jit3A_38 : f32 to vector<16xf32>
    %select_n3A = arith.select %eq3A_37, %broadcast_in_dim3A_39, %broadcast_in_dim3A_40 : vector<16xi1>, vector<16xf32>
    %xor3A = arith.constant 8 : i32
    %xor3A_41 = vector.broadcast %xor3A : i32 to vector<16xi32>
    %xor3A_42 = arith.xori %iota3A, %xor3A_41 : vector<16xi32>
    %xor3A_43 = arith.constant 4 : i32
    %xor3A_44 = vector.broadcast %xor3A_43 : i32 to vector<16xi32>
    %xor3A_45 = arith.xori %iota3A, %xor3A_44 : vector<16xi32>
    %xor3A_46 = arith.constant 2 : i32
    %xor3A_47 = vector.broadcast %xor3A_46 : i32 to vector<16xi32>
    %xor3A_48 = arith.xori %iota3A, %xor3A_47 : vector<16xi32>
    %xor3A_49 = arith.constant 1 : i32
    %xor3A_50 = vector.broadcast %xor3A_49 : i32 to vector<16xi32>
    %xor3A_51 = arith.xori %iota3A, %xor3A_50 : vector<16xi32>
    "tpu.region"() ({
      %run_scoped3A = tpu.sem_alloc : memref<!tpu.dma_semaphore, #tpu.memory_space<semaphore_mem>>
      %dma_start3A_95 = tpu.memref_slice %arg4[%mul3A_2] : memref<320000xi32, #tpu.memory_space<hbm>> -> memref<40xi32, #tpu.memory_space<hbm>>
      %dma_start3A_96 = tpu.memref_slice %arg4[%mul3A_2] : memref<320000xi32, #tpu.memory_space<hbm>> -> memref<40xi32, #tpu.memory_space<hbm>>
      tpu.enqueue_dma source(%dma_start3A_96 : memref<40xi32, #tpu.memory_space<hbm>>) target(%arg11 : memref<40xi32, #tpu.memory_space<vmem>>) target_semaphore(%run_scoped3A : memref<!tpu.dma_semaphore, #tpu.memory_space<semaphore_mem>>)
      %dma_wait3A_97 = tpu.memref_slice %arg4[%mul3A_2] : memref<320000xi32, #tpu.memory_space<hbm>> -> memref<40xi32, #tpu.memory_space<hbm>>
      %dma_wait3A_98 = tpu.memref_slice %arg4[%mul3A_2] : memref<320000xi32, #tpu.memory_space<hbm>> -> memref<40xi32, #tpu.memory_space<hbm>>
      tpu.wait_dma2 semaphore(%run_scoped3A : memref<!tpu.dma_semaphore, #tpu.memory_space<semaphore_mem>>) src(%dma_wait3A_98 : memref<40xi32, #tpu.memory_space<hbm>>) dst(%arg11 : memref<40xi32, #tpu.memory_space<vmem>>)
      tpu.yield
    }) : () -> ()
    "tpu.region"() ({
      %run_scoped3A = tpu.sem_alloc : memref<!tpu.dma_semaphore, #tpu.memory_space<semaphore_mem>>
      %dma_start3A_95 = arith.constant 0 : i32
      %dma_start3A_96 = tpu.memref_slice %arg12[%dma_start3A_95] : memref<56xi32, #tpu.memory_space<vmem>> -> memref<40xi32, #tpu.memory_space<vmem>>
      %dma_start3A_97 = tpu.memref_slice %arg5[%mul3A_2] : memref<320000xi32, #tpu.memory_space<hbm>> -> memref<40xi32, #tpu.memory_space<hbm>>
      %dma_start3A_98 = arith.constant 0 : i32
      %dma_start3A_99 = tpu.memref_slice %arg12[%dma_start3A_98] : memref<56xi32, #tpu.memory_space<vmem>> -> memref<40xi32, #tpu.memory_space<vmem>>
      %dma_start3A_100 = tpu.memref_slice %arg5[%mul3A_2] : memref<320000xi32, #tpu.memory_space<hbm>> -> memref<40xi32, #tpu.memory_space<hbm>>
      tpu.enqueue_dma source(%dma_start3A_100 : memref<40xi32, #tpu.memory_space<hbm>>) target(%dma_start3A_99 : memref<40xi32, #tpu.memory_space<vmem>>) target_semaphore(%run_scoped3A : memref<!tpu.dma_semaphore, #tpu.memory_space<semaphore_mem>>)
      %dma_wait3A_101 = arith.constant 0 : i32
      %dma_wait3A_102 = tpu.memref_slice %arg12[%dma_wait3A_101] : memref<56xi32, #tpu.memory_space<vmem>> -> memref<40xi32, #tpu.memory_space<vmem>>
      %dma_wait3A_103 = tpu.memref_slice %arg5[%mul3A_2] : memref<320000xi32, #tpu.memory_space<hbm>> -> memref<40xi32, #tpu.memory_space<hbm>>
      %dma_wait3A_104 = arith.constant 0 : i32
      %dma_wait3A_105 = tpu.memref_slice %arg12[%dma_wait3A_104] : memref<56xi32, #tpu.memory_space<vmem>> -> memref<40xi32, #tpu.memory_space<vmem>>
      %dma_wait3A_106 = tpu.memref_slice %arg5[%mul3A_2] : memref<320000xi32, #tpu.memory_space<hbm>> -> memref<40xi32, #tpu.memory_space<hbm>>
      tpu.wait_dma2 semaphore(%run_scoped3A : memref<!tpu.dma_semaphore, #tpu.memory_space<semaphore_mem>>) src(%dma_wait3A_106 : memref<40xi32, #tpu.memory_space<hbm>>) dst(%dma_wait3A_105 : memref<40xi32, #tpu.memory_space<vmem>>)
      tpu.yield
    }) : () -> ()
    "tpu.region"() ({
      %run_scoped3A = tpu.sem_alloc : memref<!tpu.dma_semaphore, #tpu.memory_space<semaphore_mem>>
      %dma_start3A_95 = arith.constant 0 : i32
      %dma_start3A_96 = tpu.memref_slice %arg13[%dma_start3A_95] : memref<56xf32, #tpu.memory_space<vmem>> -> memref<40xf32, #tpu.memory_space<vmem>>
      %dma_start3A_97 = tpu.memref_slice %arg6[%mul3A_2] : memref<320000xf32, #tpu.memory_space<hbm>> -> memref<40xf32, #tpu.memory_space<hbm>>
      %dma_start3A_98 = arith.constant 0 : i32
      %dma_start3A_99 = tpu.memref_slice %arg13[%dma_start3A_98] : memref<56xf32, #tpu.memory_space<vmem>> -> memref<40xf32, #tpu.memory_space<vmem>>
      %dma_start3A_100 = tpu.memref_slice %arg6[%mul3A_2] : memref<320000xf32, #tpu.memory_space<hbm>> -> memref<40xf32, #tpu.memory_space<hbm>>
      tpu.enqueue_dma source(%dma_start3A_100 : memref<40xf32, #tpu.memory_space<hbm>>) target(%dma_start3A_99 : memref<40xf32, #tpu.memory_space<vmem>>) target_semaphore(%run_scoped3A : memref<!tpu.dma_semaphore, #tpu.memory_space<semaphore_mem>>)
      %dma_wait3A_101 = arith.constant 0 : i32
      %dma_wait3A_102 = tpu.memref_slice %arg13[%dma_wait3A_101] : memref<56xf32, #tpu.memory_space<vmem>> -> memref<40xf32, #tpu.memory_space<vmem>>
      %dma_wait3A_103 = tpu.memref_slice %arg6[%mul3A_2] : memref<320000xf32, #tpu.memory_space<hbm>> -> memref<40xf32, #tpu.memory_space<hbm>>
      %dma_wait3A_104 = arith.constant 0 : i32
      %dma_wait3A_105 = tpu.memref_slice %arg13[%dma_wait3A_104] : memref<56xf32, #tpu.memory_space<vmem>> -> memref<40xf32, #tpu.memory_space<vmem>>
      %dma_wait3A_106 = tpu.memref_slice %arg6[%mul3A_2] : memref<320000xf32, #tpu.memory_space<hbm>> -> memref<40xf32, #tpu.memory_space<hbm>>
      tpu.wait_dma2 semaphore(%run_scoped3A : memref<!tpu.dma_semaphore, #tpu.memory_space<semaphore_mem>>) src(%dma_wait3A_106 : memref<40xf32, #tpu.memory_space<hbm>>) dst(%dma_wait3A_105 : memref<40xf32, #tpu.memory_space<vmem>>)
      tpu.yield
    }) : () -> ()
    %dma_start3A = arith.constant 0 : i32
    %dma_start3A_52 = arith.constant 0 : i32
    %dma_start3A_53 = tpu.memref_slice %arg2[%dma_start3A, %dma_start3A_52] : memref<10000x128xf32, #tpu.memory_space<hbm>> -> memref<10000x128xf32, #tpu.memory_space<hbm>>
    tpu.enqueue_indirect_dma source(%dma_start3A_53 : memref<10000x128xf32, #tpu.memory_space<hbm>>) target(%arg18 : memref<40x128xf32, #tpu.memory_space<vmem>>) offsets(%arg11 : memref<40xi32, #tpu.memory_space<vmem>>) semaphore(%arg29 : memref<!tpu.dma_semaphore, #tpu.memory_space<semaphore_mem>>)
    %dma_start3A_54 = arith.constant 0 : i32
    %dma_start3A_55 = tpu.memref_slice %arg12[%dma_start3A_54] : memref<56xi32, #tpu.memory_space<vmem>> -> memref<40xi32, #tpu.memory_space<vmem>>
    %dma_start3A_56 = arith.constant 0 : i32
    %dma_start3A_57 = arith.constant 0 : i32
    %dma_start3A_58 = tpu.memref_slice %arg3[%dma_start3A_56, %dma_start3A_57] : memref<10000x128xf32, #tpu.memory_space<hbm>> -> memref<10000x128xf32, #tpu.memory_space<hbm>>
    tpu.enqueue_indirect_dma source(%dma_start3A_58 : memref<10000x128xf32, #tpu.memory_space<hbm>>) target(%arg19 : memref<40x128xf32, #tpu.memory_space<vmem>>) offsets(%dma_start3A_55 : memref<40xi32, #tpu.memory_space<vmem>>) semaphore(%arg30 : memref<!tpu.dma_semaphore, #tpu.memory_space<semaphore_mem>>)
    %add3A_59 = arith.constant 40 : i32
    %add3A_60 = arith.addi %mul3A_2, %add3A_59 : i32
    %dma_start3A_61 = tpu.memref_slice %arg4[%add3A_60] : memref<320000xi32, #tpu.memory_space<hbm>> -> memref<40xi32, #tpu.memory_space<hbm>>
    %dma_start3A_62 = tpu.memref_slice %arg4[%add3A_60] : memref<320000xi32, #tpu.memory_space<hbm>> -> memref<40xi32, #tpu.memory_space<hbm>>
    tpu.enqueue_dma source(%dma_start3A_62 : memref<40xi32, #tpu.memory_space<hbm>>) target(%arg14 : memref<40xi32, #tpu.memory_space<vmem>>) target_semaphore(%arg34 : memref<!tpu.dma_semaphore, #tpu.memory_space<semaphore_mem>>)
    %add3A_63 = arith.constant 40 : i32
    %add3A_64 = arith.addi %mul3A_2, %add3A_63 : i32
    %dma_start3A_65 = arith.constant 0 : i32
    %dma_start3A_66 = tpu.memref_slice %arg15[%dma_start3A_65] : memref<56xi32, #tpu.memory_space<vmem>> -> memref<40xi32, #tpu.memory_space<vmem>>
    %dma_start3A_67 = tpu.memref_slice %arg5[%add3A_64] : memref<320000xi32, #tpu.memory_space<hbm>> -> memref<40xi32, #tpu.memory_space<hbm>>
    %dma_start3A_68 = arith.constant 0 : i32
    %dma_start3A_69 = tpu.memref_slice %arg15[%dma_start3A_68] : memref<56xi32, #tpu.memory_space<vmem>> -> memref<40xi32, #tpu.memory_space<vmem>>
    %dma_start3A_70 = tpu.memref_slice %arg5[%add3A_64] : memref<320000xi32, #tpu.memory_space<hbm>> -> memref<40xi32, #tpu.memory_space<hbm>>
    tpu.enqueue_dma source(%dma_start3A_70 : memref<40xi32, #tpu.memory_space<hbm>>) target(%dma_start3A_69 : memref<40xi32, #tpu.memory_space<vmem>>) target_semaphore(%arg34 : memref<!tpu.dma_semaphore, #tpu.memory_space<semaphore_mem>>)
    %add3A_71 = arith.constant 40 : i32
    %add3A_72 = arith.addi %mul3A_2, %add3A_71 : i32
    %dma_start3A_73 = arith.constant 0 : i32
    %dma_start3A_74 = tpu.memref_slice %arg16[%dma_start3A_73] : memref<56xf32, #tpu.memory_space<vmem>> -> memref<40xf32, #tpu.memory_space<vmem>>
    %dma_start3A_75 = tpu.memref_slice %arg6[%add3A_72] : memref<320000xf32, #tpu.memory_space<hbm>> -> memref<40xf32, #tpu.memory_space<hbm>>
    %dma_start3A_76 = arith.constant 0 : i32
    %dma_start3A_77 = tpu.memref_slice %arg16[%dma_start3A_76] : memref<56xf32, #tpu.memory_space<vmem>> -> memref<40xf32, #tpu.memory_space<vmem>>
    %dma_start3A_78 = tpu.memref_slice %arg6[%add3A_72] : memref<320000xf32, #tpu.memory_space<hbm>> -> memref<40xf32, #tpu.memory_space<hbm>>
    tpu.enqueue_dma source(%dma_start3A_78 : memref<40xf32, #tpu.memory_space<hbm>>) target(%dma_start3A_77 : memref<40xf32, #tpu.memory_space<vmem>>) target_semaphore(%arg34 : memref<!tpu.dma_semaphore, #tpu.memory_space<semaphore_mem>>)
    %scan3A_79 = arith.constant 0 : i32
    %scan3A_80 = arith.constant 0 : i32
    %scan3A_81 = arith.constant 125 : i32
    %scan3A_82 = arith.addi %scan3A_80, %scan3A_81 : i32
    %scan3A_83 = arith.constant 1 : i32
    scf.for %scan3A_95 = %scan3A_80 to %scan3A_82 step %scan3A_83  : i32 {
      %mul3A_96 = arith.constant 2 : i32
      %mul3A_97 = arith.muli %mul3A_96, %scan3A_95 : i32
      %mul3A_98 = arith.constant 40 : i32
      %mul3A_99 = arith.muli %mul3A_97, %mul3A_98 : i32
      %add3A_100 = arith.constant 40 : i32
      %add3A_101 = arith.addi %mul3A_99, %add3A_100 : i32
      %add3A_102 = arith.constant 80 : i32
      %add3A_103 = arith.addi %mul3A_99, %add3A_102 : i32
      %add3A_104 = arith.addi %mul3A_2, %add3A_101 : i32
      %dma_wait3A_105 = tpu.memref_slice %arg4[%add3A_104] : memref<320000xi32, #tpu.memory_space<hbm>> -> memref<40xi32, #tpu.memory_space<hbm>>
      %dma_wait3A_106 = tpu.memref_slice %arg4[%add3A_104] : memref<320000xi32, #tpu.memory_space<hbm>> -> memref<40xi32, #tpu.memory_space<hbm>>
      tpu.wait_dma2 semaphore(%arg34 : memref<!tpu.dma_semaphore, #tpu.memory_space<semaphore_mem>>) src(%dma_wait3A_106 : memref<40xi32, #tpu.memory_space<hbm>>) dst(%arg14 : memref<40xi32, #tpu.memory_space<vmem>>)
      %add3A_107 = arith.addi %mul3A_2, %add3A_101 : i32
      %dma_wait3A_108 = arith.constant 0 : i32
      %dma_wait3A_109 = tpu.memref_slice %arg15[%dma_wait3A_108] : memref<56xi32, #tpu.memory_space<vmem>> -> memref<40xi32, #tpu.memory_space<vmem>>
      %dma_wait3A_110 = tpu.memref_slice %arg5[%add3A_107] : memref<320000xi32, #tpu.memory_space<hbm>> -> memref<40xi32, #tpu.memory_space<hbm>>
      %dma_wait3A_111 = arith.constant 0 : i32
      %dma_wait3A_112 = tpu.memref_slice %arg15[%dma_wait3A_111] : memref<56xi32, #tpu.memory_space<vmem>> -> memref<40xi32, #tpu.memory_space<vmem>>
      %dma_wait3A_113 = tpu.memref_slice %arg5[%add3A_107] : memref<320000xi32, #tpu.memory_space<hbm>> -> memref<40xi32, #tpu.memory_space<hbm>>
      tpu.wait_dma2 semaphore(%arg34 : memref<!tpu.dma_semaphore, #tpu.memory_space<semaphore_mem>>) src(%dma_wait3A_113 : memref<40xi32, #tpu.memory_space<hbm>>) dst(%dma_wait3A_112 : memref<40xi32, #tpu.memory_space<vmem>>)
      %add3A_114 = arith.addi %mul3A_2, %add3A_101 : i32
      %dma_wait3A_115 = arith.constant 0 : i32
      %dma_wait3A_116 = tpu.memref_slice %arg16[%dma_wait3A_115] : memref<56xf32, #tpu.memory_space<vmem>> -> memref<40xf32, #tpu.memory_space<vmem>>
      %dma_wait3A_117 = tpu.memref_slice %arg6[%add3A_114] : memref<320000xf32, #tpu.memory_space<hbm>> -> memref<40xf32, #tpu.memory_space<hbm>>
      %dma_wait3A_118 = arith.constant 0 : i32
      %dma_wait3A_119 = tpu.memref_slice %arg16[%dma_wait3A_118] : memref<56xf32, #tpu.memory_space<vmem>> -> memref<40xf32, #tpu.memory_space<vmem>>
      %dma_wait3A_120 = tpu.memref_slice %arg6[%add3A_114] : memref<320000xf32, #tpu.memory_space<hbm>> -> memref<40xf32, #tpu.memory_space<hbm>>
      tpu.wait_dma2 semaphore(%arg34 : memref<!tpu.dma_semaphore, #tpu.memory_space<semaphore_mem>>) src(%dma_wait3A_120 : memref<40xf32, #tpu.memory_space<hbm>>) dst(%dma_wait3A_119 : memref<40xf32, #tpu.memory_space<vmem>>)
      %dma_start3A_121 = arith.constant 0 : i32
      %dma_start3A_122 = arith.constant 0 : i32
      %dma_start3A_123 = tpu.memref_slice %arg2[%dma_start3A_121, %dma_start3A_122] : memref<10000x128xf32, #tpu.memory_space<hbm>> -> memref<10000x128xf32, #tpu.memory_space<hbm>>
      tpu.enqueue_indirect_dma source(%dma_start3A_123 : memref<10000x128xf32, #tpu.memory_space<hbm>>) target(%arg20 : memref<40x128xf32, #tpu.memory_space<vmem>>) offsets(%arg14 : memref<40xi32, #tpu.memory_space<vmem>>) semaphore(%arg31 : memref<!tpu.dma_semaphore, #tpu.memory_space<semaphore_mem>>)
      %dma_start3A_124 = arith.constant 0 : i32
      %dma_start3A_125 = tpu.memref_slice %arg15[%dma_start3A_124] : memref<56xi32, #tpu.memory_space<vmem>> -> memref<40xi32, #tpu.memory_space<vmem>>
      %dma_start3A_126 = arith.constant 0 : i32
      %dma_start3A_127 = arith.constant 0 : i32
      %dma_start3A_128 = tpu.memref_slice %arg3[%dma_start3A_126, %dma_start3A_127] : memref<10000x128xf32, #tpu.memory_space<hbm>> -> memref<10000x128xf32, #tpu.memory_space<hbm>>
      tpu.enqueue_indirect_dma source(%dma_start3A_128 : memref<10000x128xf32, #tpu.memory_space<hbm>>) target(%arg21 : memref<40x128xf32, #tpu.memory_space<vmem>>) offsets(%dma_start3A_125 : memref<40xi32, #tpu.memory_space<vmem>>) semaphore(%arg32 : memref<!tpu.dma_semaphore, #tpu.memory_space<semaphore_mem>>)
      %dma_wait3A_129 = arith.constant 0 : i32
      %dma_wait3A_130 = arith.constant 0 : i32
      %dma_wait3A_131 = tpu.memref_slice %arg2[%dma_wait3A_129, %dma_wait3A_130] : memref<10000x128xf32, #tpu.memory_space<hbm>> -> memref<10000x128xf32, #tpu.memory_space<hbm>>
      tpu.wait_indirect_dma semaphore(%arg29 : memref<!tpu.dma_semaphore, #tpu.memory_space<semaphore_mem>>) src(%dma_wait3A_131 : memref<10000x128xf32, #tpu.memory_space<hbm>>) dst(%arg18 : memref<40x128xf32, #tpu.memory_space<vmem>>)
      %dma_wait3A_132 = arith.constant 0 : i32
      %dma_wait3A_133 = tpu.memref_slice %arg12[%dma_wait3A_132] : memref<56xi32, #tpu.memory_space<vmem>> -> memref<40xi32, #tpu.memory_space<vmem>>
      %dma_wait3A_134 = arith.constant 0 : i32
      %dma_wait3A_135 = arith.constant 0 : i32
      %dma_wait3A_136 = tpu.memref_slice %arg3[%dma_wait3A_134, %dma_wait3A_135] : memref<10000x128xf32, #tpu.memory_space<hbm>> -> memref<10000x128xf32, #tpu.memory_space<hbm>>
      tpu.wait_indirect_dma semaphore(%arg30 : memref<!tpu.dma_semaphore, #tpu.memory_space<semaphore_mem>>) src(%dma_wait3A_136 : memref<10000x128xf32, #tpu.memory_space<hbm>>) dst(%arg19 : memref<40x128xf32, #tpu.memory_space<vmem>>)
      %gt3A = arith.constant 0 : i32
      %gt3A_137 = arith.cmpi sgt, %scan3A_95, %gt3A : i32
      %convert_element_type3A = arith.extui %gt3A_137 : i1 to i32
      %cond3A = arith.constant 0 : i32
      %cond3A_138 = arith.cmpi ne, %convert_element_type3A, %cond3A : i32
      scf.if %cond3A_138 {
        %dma_wait3A_225 = arith.constant 0 : i32
        %dma_wait3A_226 = arith.constant 0 : i32
        %dma_wait3A_227 = tpu.memref_slice %arg28[%dma_wait3A_225, %dma_wait3A_226] : memref<10240x128xf32, #tpu.memory_space<vmem_shared>> -> memref<10240x128xf32, #tpu.memory_space<vmem_shared>>
        tpu.wait_indirect_dma semaphore(%arg35 : memref<!tpu.dma_semaphore, #tpu.memory_space<semaphore_mem>>) src(%arg22 : memref<40x128xf32, #tpu.memory_space<vmem>>) dst(%dma_wait3A_227 : memref<10240x128xf32, #tpu.memory_space<vmem_shared>>)
      } else {
      }
      %parallel_loop3A = arith.constant 0 : i32
      %parallel_loop3A_139 = arith.constant 40 : i32
      %parallel_loop3A_140 = arith.constant 1 : i32
      scf.for %parallel_loop3A_225 = %parallel_loop3A to %parallel_loop3A_139 step %parallel_loop3A_140  : i32 {
        %parallel_loop3A_226 = arith.index_cast %parallel_loop3A_225 : i32 to index
        %parallel_loop3A_227 = arith.constant 0 : index
        %parallel_loop3A_228 = tpu.vector_load %arg18[%parallel_loop3A_226, %parallel_loop3A_227] {strides = array<i32>} : memref<40x128xf32, #tpu.memory_space<vmem>>, vector<1x16xf32>,
        %parallel_loop3A_229 = vector.shape_cast %parallel_loop3A_228 : vector<1x16xf32> to vector<16xf32>
        %parallel_loop3A_230 = arith.index_cast %parallel_loop3A_225 : i32 to index
        %parallel_loop3A_231 = arith.constant 16 : index
        %parallel_loop3A_232 = tpu.vector_load %arg18[%parallel_loop3A_230, %parallel_loop3A_231] {strides = array<i32>} : memref<40x128xf32, #tpu.memory_space<vmem>>, vector<1x16xf32>,
        %parallel_loop3A_233 = vector.shape_cast %parallel_loop3A_232 : vector<1x16xf32> to vector<16xf32>
        %parallel_loop3A_234 = arith.index_cast %parallel_loop3A_225 : i32 to index
        %parallel_loop3A_235 = arith.constant 32 : index
        %parallel_loop3A_236 = tpu.vector_load %arg18[%parallel_loop3A_234, %parallel_loop3A_235] {strides = array<i32>} : memref<40x128xf32, #tpu.memory_space<vmem>>, vector<1x16xf32>,
        %parallel_loop3A_237 = vector.shape_cast %parallel_loop3A_236 : vector<1x16xf32> to vector<16xf32>
        %parallel_loop3A_238 = arith.index_cast %parallel_loop3A_225 : i32 to index
        %parallel_loop3A_239 = arith.constant 48 : index
        %parallel_loop3A_240 = tpu.vector_load %arg18[%parallel_loop3A_238, %parallel_loop3A_239] {strides = array<i32>} : memref<40x128xf32, #tpu.memory_space<vmem>>, vector<1x16xf32>,
        %parallel_loop3A_241 = vector.shape_cast %parallel_loop3A_240 : vector<1x16xf32> to vector<16xf32>
        %parallel_loop3A_242 = arith.index_cast %parallel_loop3A_225 : i32 to index
        %parallel_loop3A_243 = arith.constant 64 : index
        %parallel_loop3A_244 = tpu.vector_load %arg18[%parallel_loop3A_242, %parallel_loop3A_243] {strides = array<i32>} : memref<40x128xf32, #tpu.memory_space<vmem>>, vector<1x16xf32>,
        %parallel_loop3A_245 = vector.shape_cast %parallel_loop3A_244 : vector<1x16xf32> to vector<16xf32>
        %parallel_loop3A_246 = arith.index_cast %parallel_loop3A_225 : i32 to index
        %parallel_loop3A_247 = arith.constant 80 : index
        %parallel_loop3A_248 = tpu.vector_load %arg18[%parallel_loop3A_246, %parallel_loop3A_247] {strides = array<i32>} : memref<40x128xf32, #tpu.memory_space<vmem>>, vector<1x16xf32>,
        %parallel_loop3A_249 = vector.shape_cast %parallel_loop3A_248 : vector<1x16xf32> to vector<16xf32>
        %parallel_loop3A_250 = arith.index_cast %parallel_loop3A_225 : i32 to index
        %parallel_loop3A_251 = arith.constant 96 : index
        %parallel_loop3A_252 = tpu.vector_load %arg18[%parallel_loop3A_250, %parallel_loop3A_251] {strides = array<i32>} : memref<40x128xf32, #tpu.memory_space<vmem>>, vector<1x16xf32>,
        %parallel_loop3A_253 = vector.shape_cast %parallel_loop3A_252 : vector<1x16xf32> to vector<16xf32>
        %parallel_loop3A_254 = arith.index_cast %parallel_loop3A_225 : i32 to index
        %parallel_loop3A_255 = arith.constant 112 : index
        %parallel_loop3A_256 = tpu.vector_load %arg18[%parallel_loop3A_254, %parallel_loop3A_255] {strides = array<i32>} : memref<40x128xf32, #tpu.memory_space<vmem>>, vector<1x16xf32>,
        %parallel_loop3A_257 = vector.shape_cast %parallel_loop3A_256 : vector<1x16xf32> to vector<16xf32>
        %parallel_loop3A_258 = arith.index_cast %parallel_loop3A_225 : i32 to index
        %parallel_loop3A_259 = arith.constant 0 : index
        %parallel_loop3A_260 = tpu.vector_load %arg19[%parallel_loop3A_258, %parallel_loop3A_259] {strides = array<i32>} : memref<40x128xf32, #tpu.memory_space<vmem>>, vector<1x16xf32>,
        %parallel_loop3A_261 = vector.shape_cast %parallel_loop3A_260 : vector<1x16xf32> to vector<16xf32>
        %parallel_loop3A_262 = arith.addf %parallel_loop3A_229, %parallel_loop3A_261 : vector<16xf32>
        %parallel_loop3A_263 = math.exp %parallel_loop3A_262 : vector<16xf32>
        %parallel_loop3A_264 = arith.mulf %parallel_loop3A_262, %parallel_loop3A_263 : vector<16xf32>
        %parallel_loop3A_265 = arith.constant 1.000000e+00 : f32
        %parallel_loop3A_266 = vector.broadcast %parallel_loop3A_265 : f32 to vector<16xf32>
        %parallel_loop3A_267 = arith.addf %parallel_loop3A_266, %parallel_loop3A_263 : vector<16xf32>
        %parallel_loop3A_268 = arith.divf %parallel_loop3A_264, %parallel_loop3A_267 : vector<16xf32>
        %parallel_loop3A_269 = arith.mulf %parallel_loop3A_268, %get3A_14 : vector<16xf32>
        %parallel_loop3A_270 = arith.index_cast %parallel_loop3A_225 : i32 to index
        %parallel_loop3A_271 = arith.constant 16 : index
        %parallel_loop3A_272 = tpu.vector_load %arg19[%parallel_loop3A_270, %parallel_loop3A_271] {strides = array<i32>} : memref<40x128xf32, #tpu.memory_space<vmem>>, vector<1x16xf32>,
        %parallel_loop3A_273 = vector.shape_cast %parallel_loop3A_272 : vector<1x16xf32> to vector<16xf32>
        %parallel_loop3A_274 = arith.addf %parallel_loop3A_233, %parallel_loop3A_273 : vector<16xf32>
        %parallel_loop3A_275 = math.exp %parallel_loop3A_274 : vector<16xf32>
        %parallel_loop3A_276 = arith.mulf %parallel_loop3A_274, %parallel_loop3A_275 : vector<16xf32>
        %parallel_loop3A_277 = arith.constant 1.000000e+00 : f32
        %parallel_loop3A_278 = vector.broadcast %parallel_loop3A_277 : f32 to vector<16xf32>
        %parallel_loop3A_279 = arith.addf %parallel_loop3A_278, %parallel_loop3A_275 : vector<16xf32>
        %parallel_loop3A_280 = arith.divf %parallel_loop3A_276, %parallel_loop3A_279 : vector<16xf32>
        %parallel_loop3A_281 = arith.mulf %parallel_loop3A_280, %get3A_17 : vector<16xf32>
        %parallel_loop3A_282 = arith.index_cast %parallel_loop3A_225 : i32 to index
        %parallel_loop3A_283 = arith.constant 32 : index
        %parallel_loop3A_284 = tpu.vector_load %arg19[%parallel_loop3A_282, %parallel_loop3A_283] {strides = array<i32>} : memref<40x128xf32, #tpu.memory_space<vmem>>, vector<1x16xf32>,
        %parallel_loop3A_285 = vector.shape_cast %parallel_loop3A_284 : vector<1x16xf32> to vector<16xf32>
        %parallel_loop3A_286 = arith.addf %parallel_loop3A_237, %parallel_loop3A_285 : vector<16xf32>
        %parallel_loop3A_287 = math.exp %parallel_loop3A_286 : vector<16xf32>
        %parallel_loop3A_288 = arith.mulf %parallel_loop3A_286, %parallel_loop3A_287 : vector<16xf32>
        %parallel_loop3A_289 = arith.constant 1.000000e+00 : f32
        %parallel_loop3A_290 = vector.broadcast %parallel_loop3A_289 : f32 to vector<16xf32>
        %parallel_loop3A_291 = arith.addf %parallel_loop3A_290, %parallel_loop3A_287 : vector<16xf32>
        %parallel_loop3A_292 = arith.divf %parallel_loop3A_288, %parallel_loop3A_291 : vector<16xf32>
        %parallel_loop3A_293 = arith.mulf %parallel_loop3A_292, %get3A_20 : vector<16xf32>
        %parallel_loop3A_294 = arith.index_cast %parallel_loop3A_225 : i32 to index
        %parallel_loop3A_295 = arith.constant 48 : index
        %parallel_loop3A_296 = tpu.vector_load %arg19[%parallel_loop3A_294, %parallel_loop3A_295] {strides = array<i32>} : memref<40x128xf32, #tpu.memory_space<vmem>>, vector<1x16xf32>,
        %parallel_loop3A_297 = vector.shape_cast %parallel_loop3A_296 : vector<1x16xf32> to vector<16xf32>
        %parallel_loop3A_298 = arith.addf %parallel_loop3A_241, %parallel_loop3A_297 : vector<16xf32>
        %parallel_loop3A_299 = math.exp %parallel_loop3A_298 : vector<16xf32>
        %parallel_loop3A_300 = arith.mulf %parallel_loop3A_298, %parallel_loop3A_299 : vector<16xf32>
        %parallel_loop3A_301 = arith.constant 1.000000e+00 : f32
        %parallel_loop3A_302 = vector.broadcast %parallel_loop3A_301 : f32 to vector<16xf32>
        %parallel_loop3A_303 = arith.addf %parallel_loop3A_302, %parallel_loop3A_299 : vector<16xf32>
        %parallel_loop3A_304 = arith.divf %parallel_loop3A_300, %parallel_loop3A_303 : vector<16xf32>
        %parallel_loop3A_305 = arith.mulf %parallel_loop3A_304, %get3A_23 : vector<16xf32>
        %parallel_loop3A_306 = arith.index_cast %parallel_loop3A_225 : i32 to index
        %parallel_loop3A_307 = arith.constant 64 : index
        %parallel_loop3A_308 = tpu.vector_load %arg19[%parallel_loop3A_306, %parallel_loop3A_307] {strides = array<i32>} : memref<40x128xf32, #tpu.memory_space<vmem>>, vector<1x16xf32>,
        %parallel_loop3A_309 = vector.shape_cast %parallel_loop3A_308 : vector<1x16xf32> to vector<16xf32>
        %parallel_loop3A_310 = arith.addf %parallel_loop3A_245, %parallel_loop3A_309 : vector<16xf32>
        %parallel_loop3A_311 = math.exp %parallel_loop3A_310 : vector<16xf32>
        %parallel_loop3A_312 = arith.mulf %parallel_loop3A_310, %parallel_loop3A_311 : vector<16xf32>
        %parallel_loop3A_313 = arith.constant 1.000000e+00 : f32
        %parallel_loop3A_314 = vector.broadcast %parallel_loop3A_313 : f32 to vector<16xf32>
        %parallel_loop3A_315 = arith.addf %parallel_loop3A_314, %parallel_loop3A_311 : vector<16xf32>
        %parallel_loop3A_316 = arith.divf %parallel_loop3A_312, %parallel_loop3A_315 : vector<16xf32>
        %parallel_loop3A_317 = arith.mulf %parallel_loop3A_316, %get3A_26 : vector<16xf32>
        %parallel_loop3A_318 = arith.index_cast %parallel_loop3A_225 : i32 to index
        %parallel_loop3A_319 = arith.constant 80 : index
        %parallel_loop3A_320 = tpu.vector_load %arg19[%parallel_loop3A_318, %parallel_loop3A_319] {strides = array<i32>} : memref<40x128xf32, #tpu.memory_space<vmem>>, vector<1x16xf32>,
        %parallel_loop3A_321 = vector.shape_cast %parallel_loop3A_320 : vector<1x16xf32> to vector<16xf32>
        %parallel_loop3A_322 = arith.addf %parallel_loop3A_249, %parallel_loop3A_321 : vector<16xf32>
        %parallel_loop3A_323 = math.exp %parallel_loop3A_322 : vector<16xf32>
        %parallel_loop3A_324 = arith.mulf %parallel_loop3A_322, %parallel_loop3A_323 : vector<16xf32>
        %parallel_loop3A_325 = arith.constant 1.000000e+00 : f32
        %parallel_loop3A_326 = vector.broadcast %parallel_loop3A_325 : f32 to vector<16xf32>
        %parallel_loop3A_327 = arith.addf %parallel_loop3A_326, %parallel_loop3A_323 : vector<16xf32>
        %parallel_loop3A_328 = arith.divf %parallel_loop3A_324, %parallel_loop3A_327 : vector<16xf32>
        %parallel_loop3A_329 = arith.mulf %parallel_loop3A_328, %get3A_29 : vector<16xf32>
        %parallel_loop3A_330 = arith.index_cast %parallel_loop3A_225 : i32 to index
        %parallel_loop3A_331 = arith.constant 96 : index
        %parallel_loop3A_332 = tpu.vector_load %arg19[%parallel_loop3A_330, %parallel_loop3A_331] {strides = array<i32>} : memref<40x128xf32, #tpu.memory_space<vmem>>, vector<1x16xf32>,
        %parallel_loop3A_333 = vector.shape_cast %parallel_loop3A_332 : vector<1x16xf32> to vector<16xf32>
        %parallel_loop3A_334 = arith.addf %parallel_loop3A_253, %parallel_loop3A_333 : vector<16xf32>
        %parallel_loop3A_335 = math.exp %parallel_loop3A_334 : vector<16xf32>
        %parallel_loop3A_336 = arith.mulf %parallel_loop3A_334, %parallel_loop3A_335 : vector<16xf32>
        %parallel_loop3A_337 = arith.constant 1.000000e+00 : f32
        %parallel_loop3A_338 = vector.broadcast %parallel_loop3A_337 : f32 to vector<16xf32>
        %parallel_loop3A_339 = arith.addf %parallel_loop3A_338, %parallel_loop3A_335 : vector<16xf32>
        %parallel_loop3A_340 = arith.divf %parallel_loop3A_336, %parallel_loop3A_339 : vector<16xf32>
        %parallel_loop3A_341 = arith.mulf %parallel_loop3A_340, %get3A_32 : vector<16xf32>
        %parallel_loop3A_342 = arith.index_cast %parallel_loop3A_225 : i32 to index
        %parallel_loop3A_343 = arith.constant 112 : index
        %parallel_loop3A_344 = tpu.vector_load %arg19[%parallel_loop3A_342, %parallel_loop3A_343] {strides = array<i32>} : memref<40x128xf32, #tpu.memory_space<vmem>>, vector<1x16xf32>,
        %parallel_loop3A_345 = vector.shape_cast %parallel_loop3A_344 : vector<1x16xf32> to vector<16xf32>
        %parallel_loop3A_346 = arith.addf %parallel_loop3A_257, %parallel_loop3A_345 : vector<16xf32>
        %parallel_loop3A_347 = math.exp %parallel_loop3A_346 : vector<16xf32>
        %parallel_loop3A_348 = arith.mulf %parallel_loop3A_346, %parallel_loop3A_347 : vector<16xf32>
        %parallel_loop3A_349 = arith.constant 1.000000e+00 : f32
        %parallel_loop3A_350 = vector.broadcast %parallel_loop3A_349 : f32 to vector<16xf32>
        %parallel_loop3A_351 = arith.addf %parallel_loop3A_350, %parallel_loop3A_347 : vector<16xf32>
        %parallel_loop3A_352 = arith.divf %parallel_loop3A_348, %parallel_loop3A_351 : vector<16xf32>
        %parallel_loop3A_353 = arith.mulf %parallel_loop3A_352, %get3A_35 : vector<16xf32>
        %parallel_loop3A_354 = arith.addf %parallel_loop3A_269, %parallel_loop3A_281 : vector<16xf32>
        %parallel_loop3A_355 = arith.addf %parallel_loop3A_293, %parallel_loop3A_305 : vector<16xf32>
        %parallel_loop3A_356 = arith.addf %parallel_loop3A_354, %parallel_loop3A_355 : vector<16xf32>
        %parallel_loop3A_357 = arith.addf %parallel_loop3A_317, %parallel_loop3A_329 : vector<16xf32>
        %parallel_loop3A_358 = arith.addf %parallel_loop3A_341, %parallel_loop3A_353 : vector<16xf32>
        %parallel_loop3A_359 = arith.addf %parallel_loop3A_357, %parallel_loop3A_358 : vector<16xf32>
        %parallel_loop3A_360 = arith.addf %parallel_loop3A_356, %parallel_loop3A_359 : vector<16xf32>
        %parallel_loop3A_361 = vector.shape_cast %xor3A_42 : vector<16xi32> to vector<16x1xi32>
        %parallel_loop3A_362 = vector.shape_cast %parallel_loop3A_361 : vector<16x1xi32> to vector<16xi32>
        %parallel_loop3A_363 = tpu.dynamic_gather %parallel_loop3A_360[%parallel_loop3A_362] in [0] : vector<16xf32>, vector<16xi32> -> vector<16xf32>
        %parallel_loop3A_364 = arith.addf %parallel_loop3A_360, %parallel_loop3A_363 : vector<16xf32>
        %parallel_loop3A_365 = vector.shape_cast %xor3A_45 : vector<16xi32> to vector<16x1xi32>
        %parallel_loop3A_366 = vector.shape_cast %parallel_loop3A_365 : vector<16x1xi32> to vector<16xi32>
        %parallel_loop3A_367 = tpu.dynamic_gather %parallel_loop3A_364[%parallel_loop3A_366] in [0] : vector<16xf32>, vector<16xi32> -> vector<16xf32>
        %parallel_loop3A_368 = arith.addf %parallel_loop3A_364, %parallel_loop3A_367 : vector<16xf32>
        %parallel_loop3A_369 = vector.shape_cast %xor3A_48 : vector<16xi32> to vector<16x1xi32>
        %parallel_loop3A_370 = vector.shape_cast %parallel_loop3A_369 : vector<16x1xi32> to vector<16xi32>
        %parallel_loop3A_371 = tpu.dynamic_gather %parallel_loop3A_368[%parallel_loop3A_370] in [0] : vector<16xf32>, vector<16xi32> -> vector<16xf32>
        %parallel_loop3A_372 = arith.addf %parallel_loop3A_368, %parallel_loop3A_371 : vector<16xf32>
        %parallel_loop3A_373 = vector.shape_cast %xor3A_51 : vector<16xi32> to vector<16x1xi32>
        %parallel_loop3A_374 = vector.shape_cast %parallel_loop3A_373 : vector<16x1xi32> to vector<16xi32>
        %parallel_loop3A_375 = tpu.dynamic_gather %parallel_loop3A_372[%parallel_loop3A_374] in [0] : vector<16xf32>, vector<16xi32> -> vector<16xf32>
        %parallel_loop3A_376 = arith.addf %parallel_loop3A_372, %parallel_loop3A_375 : vector<16xf32>
        %parallel_loop3A_377 = arith.index_cast %parallel_loop3A_225 : i32 to index
        %parallel_loop3A_378 = tpu.vector_load %arg13[%parallel_loop3A_377] {strides = array<i32>} : memref<56xf32, #tpu.memory_space<vmem>>, vector<16xf32>,
        %parallel_loop3A_379 = vector.shape_cast %parallel_loop3A_378 : vector<16xf32> to vector<16xf32>
        %parallel_loop3A_380 = vector.extract_strided_slice %parallel_loop3A_379 {offsets = [0], sizes = [1], strides = [1]} : vector<16xf32> to vector<1xf32>
        %parallel_loop3A_381 = vector.extract %parallel_loop3A_380[0] : f32 from vector<1xf32>
        %parallel_loop3A_382 = arith.constant 1.000000e-07 : f32
        %parallel_loop3A_383 = arith.addf %parallel_loop3A_381, %parallel_loop3A_382 : f32
        %parallel_loop3A_384 = math.exp %parallel_loop3A_376 : vector<16xf32>
        %parallel_loop3A_385 = vector.broadcast %parallel_loop3A_383 : f32 to vector<16xf32>
        %parallel_loop3A_386 = arith.mulf %parallel_loop3A_385, %parallel_loop3A_384 : vector<16xf32>
        %parallel_loop3A_387 = arith.mulf %parallel_loop3A_386, %parallel_loop3A_229 : vector<16xf32>
        %parallel_loop3A_388 = arith.index_cast %parallel_loop3A_225 : i32 to index
        %parallel_loop3A_389 = arith.constant 0 : index
        %parallel_loop3A_390 = tpu.vector_load %arg22[%parallel_loop3A_388, %parallel_loop3A_389] {strides = array<i32>} : memref<40x128xf32, #tpu.memory_space<vmem>>, vector<1x16xf32>,
        %parallel_loop3A_391 = vector.shape_cast %parallel_loop3A_390 : vector<1x16xf32> to vector<16xf32>
        %parallel_loop3A_392 = vector.shape_cast %parallel_loop3A_387 : vector<16xf32> to vector<1x16xf32>
        tpu.vector_store %arg22[%parallel_loop3A_388, %parallel_loop3A_389], %parallel_loop3A_392 {strides = array<i32>} : memref<40x128xf32, #tpu.memory_space<vmem>>, vector<1x16xf32>,
        %parallel_loop3A_393 = arith.mulf %parallel_loop3A_386, %parallel_loop3A_233 : vector<16xf32>
        %parallel_loop3A_394 = arith.index_cast %parallel_loop3A_225 : i32 to index
        %parallel_loop3A_395 = arith.constant 16 : index
        %parallel_loop3A_396 = tpu.vector_load %arg22[%parallel_loop3A_394, %parallel_loop3A_395] {strides = array<i32>} : memref<40x128xf32, #tpu.memory_space<vmem>>, vector<1x16xf32>,
        %parallel_loop3A_397 = vector.shape_cast %parallel_loop3A_396 : vector<1x16xf32> to vector<16xf32>
        %parallel_loop3A_398 = vector.shape_cast %parallel_loop3A_393 : vector<16xf32> to vector<1x16xf32>
        tpu.vector_store %arg22[%parallel_loop3A_394, %parallel_loop3A_395], %parallel_loop3A_398 {strides = array<i32>} : memref<40x128xf32, #tpu.memory_space<vmem>>, vector<1x16xf32>,
        %parallel_loop3A_399 = arith.mulf %parallel_loop3A_386, %parallel_loop3A_237 : vector<16xf32>
        %parallel_loop3A_400 = arith.index_cast %parallel_loop3A_225 : i32 to index
        %parallel_loop3A_401 = arith.constant 32 : index
        %parallel_loop3A_402 = tpu.vector_load %arg22[%parallel_loop3A_400, %parallel_loop3A_401] {strides = array<i32>} : memref<40x128xf32, #tpu.memory_space<vmem>>, vector<1x16xf32>,
        %parallel_loop3A_403 = vector.shape_cast %parallel_loop3A_402 : vector<1x16xf32> to vector<16xf32>
        %parallel_loop3A_404 = vector.shape_cast %parallel_loop3A_399 : vector<16xf32> to vector<1x16xf32>
        tpu.vector_store %arg22[%parallel_loop3A_400, %parallel_loop3A_401], %parallel_loop3A_404 {strides = array<i32>} : memref<40x128xf32, #tpu.memory_space<vmem>>, vector<1x16xf32>,
        %parallel_loop3A_405 = arith.mulf %parallel_loop3A_386, %parallel_loop3A_241 : vector<16xf32>
        %parallel_loop3A_406 = arith.index_cast %parallel_loop3A_225 : i32 to index
        %parallel_loop3A_407 = arith.constant 48 : index
        %parallel_loop3A_408 = tpu.vector_load %arg22[%parallel_loop3A_406, %parallel_loop3A_407] {strides = array<i32>} : memref<40x128xf32, #tpu.memory_space<vmem>>, vector<1x16xf32>,
        %parallel_loop3A_409 = vector.shape_cast %parallel_loop3A_408 : vector<1x16xf32> to vector<16xf32>
        %parallel_loop3A_410 = vector.shape_cast %parallel_loop3A_405 : vector<16xf32> to vector<1x16xf32>
        tpu.vector_store %arg22[%parallel_loop3A_406, %parallel_loop3A_407], %parallel_loop3A_410 {strides = array<i32>} : memref<40x128xf32, #tpu.memory_space<vmem>>, vector<1x16xf32>,
        %parallel_loop3A_411 = arith.mulf %parallel_loop3A_386, %parallel_loop3A_245 : vector<16xf32>
        %parallel_loop3A_412 = arith.index_cast %parallel_loop3A_225 : i32 to index
        %parallel_loop3A_413 = arith.constant 64 : index
        %parallel_loop3A_414 = tpu.vector_load %arg22[%parallel_loop3A_412, %parallel_loop3A_413] {strides = array<i32>} : memref<40x128xf32, #tpu.memory_space<vmem>>, vector<1x16xf32>,
        %parallel_loop3A_415 = vector.shape_cast %parallel_loop3A_414 : vector<1x16xf32> to vector<16xf32>
        %parallel_loop3A_416 = vector.shape_cast %parallel_loop3A_411 : vector<16xf32> to vector<1x16xf32>
        tpu.vector_store %arg22[%parallel_loop3A_412, %parallel_loop3A_413], %parallel_loop3A_416 {strides = array<i32>} : memref<40x128xf32, #tpu.memory_space<vmem>>, vector<1x16xf32>,
        %parallel_loop3A_417 = arith.mulf %parallel_loop3A_386, %parallel_loop3A_249 : vector<16xf32>
        %parallel_loop3A_418 = arith.index_cast %parallel_loop3A_225 : i32 to index
        %parallel_loop3A_419 = arith.constant 80 : index
        %parallel_loop3A_420 = tpu.vector_load %arg22[%parallel_loop3A_418, %parallel_loop3A_419] {strides = array<i32>} : memref<40x128xf32, #tpu.memory_space<vmem>>, vector<1x16xf32>,
        %parallel_loop3A_421 = vector.shape_cast %parallel_loop3A_420 : vector<1x16xf32> to vector<16xf32>
        %parallel_loop3A_422 = vector.shape_cast %parallel_loop3A_417 : vector<16xf32> to vector<1x16xf32>
        tpu.vector_store %arg22[%parallel_loop3A_418, %parallel_loop3A_419], %parallel_loop3A_422 {strides = array<i32>} : memref<40x128xf32, #tpu.memory_space<vmem>>, vector<1x16xf32>,
        %parallel_loop3A_423 = arith.mulf %parallel_loop3A_386, %parallel_loop3A_253 : vector<16xf32>
        %parallel_loop3A_424 = arith.index_cast %parallel_loop3A_225 : i32 to index
        %parallel_loop3A_425 = arith.constant 96 : index
        %parallel_loop3A_426 = tpu.vector_load %arg22[%parallel_loop3A_424, %parallel_loop3A_425] {strides = array<i32>} : memref<40x128xf32, #tpu.memory_space<vmem>>, vector<1x16xf32>,
        %parallel_loop3A_427 = vector.shape_cast %parallel_loop3A_426 : vector<1x16xf32> to vector<16xf32>
        %parallel_loop3A_428 = vector.shape_cast %parallel_loop3A_423 : vector<16xf32> to vector<1x16xf32>
        tpu.vector_store %arg22[%parallel_loop3A_424, %parallel_loop3A_425], %parallel_loop3A_428 {strides = array<i32>} : memref<40x128xf32, #tpu.memory_space<vmem>>, vector<1x16xf32>,
        %parallel_loop3A_429 = arith.mulf %parallel_loop3A_386, %parallel_loop3A_257 : vector<16xf32>
        %parallel_loop3A_430 = arith.index_cast %parallel_loop3A_225 : i32 to index
        %parallel_loop3A_431 = arith.constant 112 : index
        %parallel_loop3A_432 = tpu.vector_load %arg22[%parallel_loop3A_430, %parallel_loop3A_431] {strides = array<i32>} : memref<40x128xf32, #tpu.memory_space<vmem>>, vector<1x16xf32>,
        %parallel_loop3A_433 = vector.shape_cast %parallel_loop3A_432 : vector<1x16xf32> to vector<16xf32>
        %parallel_loop3A_434 = vector.shape_cast %parallel_loop3A_429 : vector<16xf32> to vector<1x16xf32>
        tpu.vector_store %arg22[%parallel_loop3A_430, %parallel_loop3A_431], %parallel_loop3A_434 {strides = array<i32>} : memref<40x128xf32, #tpu.memory_space<vmem>>, vector<1x16xf32>,
        %parallel_loop3A_435 = arith.constant 16 : i32
        %parallel_loop3A_436 = arith.muli %parallel_loop3A_435, %parallel_loop3A_225 : i32
        %parallel_loop3A_437 = arith.index_cast %parallel_loop3A_436 : i32 to index
        %parallel_loop3A_438 = tpu.vector_load %arg25[%parallel_loop3A_437] {strides = array<i32>} : memref<640xf32, #tpu.memory_space<vmem>>, vector<16xf32>,
        %parallel_loop3A_439 = vector.shape_cast %parallel_loop3A_438 : vector<16xf32> to vector<16xf32>
        %parallel_loop3A_440 = vector.shape_cast %parallel_loop3A_386 : vector<16xf32> to vector<16xf32>
        tpu.vector_store %arg25[%parallel_loop3A_437], %parallel_loop3A_440 {strides = array<i32>} : memref<640xf32, #tpu.memory_space<vmem>>, vector<16xf32>,
      } {sc.loop_unroll_factor = 2 : i64, sc.parallel_access}
      %scan3A_141 = arith.constant 0 : i32
      %scan3A_142 = arith.constant 0 : i32
      %scan3A_143 = arith.constant 20 : i32
      %scan3A_144 = arith.addi %scan3A_142, %scan3A_143 : i32
      %scan3A_145 = arith.constant 1 : i32
      scf.for %scan3A_225 = %scan3A_142 to %scan3A_144 step %scan3A_145  : i32 {
        %mul3A_226 = arith.constant 2 : i32
        %mul3A_227 = arith.muli %mul3A_226, %scan3A_225 : i32
        %add3A_228 = arith.constant 1 : i32
        %add3A_229 = arith.addi %mul3A_227, %add3A_228 : i32
        %mul3A_230 = arith.constant 16 : i32
        %mul3A_231 = arith.muli %mul3A_230, %mul3A_227 : i32
        %get3A_232 = arith.index_cast %mul3A_231 : i32 to index
        %get3A_233 = tpu.vector_load %arg25[%get3A_232] {strides = array<i32>} : memref<640xf32, #tpu.memory_space<vmem>>, vector<16xf32>,
        %get3A_234 = vector.shape_cast %get3A_233 : vector<16xf32> to vector<16xf32>
        %mul3A_235 = arith.constant 16 : i32
        %mul3A_236 = arith.muli %mul3A_235, %add3A_229 : i32
        %get3A_237 = arith.index_cast %mul3A_236 : i32 to index
        %get3A_238 = tpu.vector_load %arg25[%get3A_237] {strides = array<i32>} : memref<640xf32, #tpu.memory_space<vmem>>, vector<16xf32>,
        %get3A_239 = vector.shape_cast %get3A_238 : vector<16xf32> to vector<16xf32>
        %get3A_240 = arith.index_cast %mul3A_227 : i32 to index
        %get3A_241 = tpu.vector_load %arg12[%get3A_240] {strides = array<i32>} : memref<56xi32, #tpu.memory_space<vmem>>, vector<16xi32>,
        %get3A_242 = vector.shape_cast %get3A_241 : vector<16xi32> to vector<16xi32>
        %slice3A = vector.extract_strided_slice %get3A_242 {offsets = [0], sizes = [1], strides = [1]} : vector<16xi32> to vector<1xi32>
        %squeeze3A = vector.extract %slice3A[0] : i32 from vector<1xi32>
        %get3A_243 = arith.index_cast %squeeze3A : i32 to index
        %get3A_244 = tpu.vector_load %arg27[%get3A_243] {strides = array<i32>} : memref<10256xf32, #tpu.memory_space<vmem>>, vector<16xf32>,
        %get3A_245 = vector.shape_cast %get3A_244 : vector<16xf32> to vector<16xf32>
        %mul3A_246 = arith.mulf %get3A_234, %select_n3A : vector<16xf32>
        %add3A_247 = arith.addf %get3A_245, %mul3A_246 : vector<16xf32>
        %swap3A_248 = arith.index_cast %squeeze3A : i32 to index
        %swap3A_249 = tpu.vector_load %arg27[%swap3A_248] {strides = array<i32>} : memref<10256xf32, #tpu.memory_space<vmem>>, vector<16xf32>,
        %swap3A_250 = vector.shape_cast %swap3A_249 : vector<16xf32> to vector<16xf32>
        %swap3A_251 = vector.shape_cast %add3A_247 : vector<16xf32> to vector<16xf32>
        tpu.vector_store %arg27[%swap3A_248], %swap3A_251 {strides = array<i32>} : memref<10256xf32, #tpu.memory_space<vmem>>, vector<16xf32>,
        %get3A_252 = arith.index_cast %add3A_229 : i32 to index
        %get3A_253 = tpu.vector_load %arg12[%get3A_252] {strides = array<i32>} : memref<56xi32, #tpu.memory_space<vmem>>, vector<16xi32>,
        %get3A_254 = vector.shape_cast %get3A_253 : vector<16xi32> to vector<16xi32>
        %slice3A_255 = vector.extract_strided_slice %get3A_254 {offsets = [0], sizes = [1], strides = [1]} : vector<16xi32> to vector<1xi32>
        %squeeze3A_256 = vector.extract %slice3A_255[0] : i32 from vector<1xi32>
        %get3A_257 = arith.index_cast %squeeze3A_256 : i32 to index
        %get3A_258 = tpu.vector_load %arg27[%get3A_257] {strides = array<i32>} : memref<10256xf32, #tpu.memory_space<vmem>>, vector<16xf32>,
        %get3A_259 = vector.shape_cast %get3A_258 : vector<16xf32> to vector<16xf32>
        %mul3A_260 = arith.mulf %get3A_239, %select_n3A : vector<16xf32>
        %add3A_261 = arith.addf %get3A_259, %mul3A_260 : vector<16xf32>
        %swap3A_262 = arith.index_cast %squeeze3A_256 : i32 to index
        %swap3A_263 = tpu.vector_load %arg27[%swap3A_262] {strides = array<i32>} : memref<10256xf32, #tpu.memory_space<vmem>>, vector<16xf32>,
        %swap3A_264 = vector.shape_cast %swap3A_263 : vector<16xf32> to vector<16xf32>
        %swap3A_265 = vector.shape_cast %add3A_261 : vector<16xf32> to vector<16xf32>
        tpu.vector_store %arg27[%swap3A_262], %swap3A_265 {strides = array<i32>} : memref<10256xf32, #tpu.memory_space<vmem>>, vector<16xf32>,
      }
      %scan3A_146 = arith.constant 20 : i32
      %get3A_147 = arith.constant 0 : index
      %get3A_148 = tpu.vector_load %arg12[%get3A_147] {strides = array<i32>} : memref<56xi32, #tpu.memory_space<vmem>>, vector<16xi32>,
      %get3A_149 = vector.shape_cast %get3A_148 : vector<16xi32> to vector<16xi32>
      %swap3A = arith.constant 0 : index
      %swap3A_150 = tpu.vector_load %arg17[%swap3A] {strides = array<i32>} : memref<40xi32, #tpu.memory_space<vmem>>, vector<16xi32>,
      %swap3A_151 = vector.shape_cast %swap3A_150 : vector<16xi32> to vector<16xi32>
      %swap3A_152 = vector.shape_cast %get3A_149 : vector<16xi32> to vector<16xi32>
      tpu.vector_store %arg17[%swap3A], %swap3A_152 {strides = array<i32>} : memref<40xi32, #tpu.memory_space<vmem>>, vector<16xi32>,
      %get3A_153 = arith.constant 16 : index
      %get3A_154 = tpu.vector_load %arg12[%get3A_153] {strides = array<i32>} : memref<56xi32, #tpu.memory_space<vmem>>, vector<16xi32>,
      %get3A_155 = vector.shape_cast %get3A_154 : vector<16xi32> to vector<16xi32>
      %swap3A_156 = arith.constant 16 : index
      %swap3A_157 = tpu.vector_load %arg17[%swap3A_156] {strides = array<i32>} : memref<40xi32, #tpu.memory_space<vmem>>, vector<16xi32>,
      %swap3A_158 = vector.shape_cast %swap3A_157 : vector<16xi32> to vector<16xi32>
      %swap3A_159 = vector.shape_cast %get3A_155 : vector<16xi32> to vector<16xi32>
      tpu.vector_store %arg17[%swap3A_156], %swap3A_159 {strides = array<i32>} : memref<40xi32, #tpu.memory_space<vmem>>, vector<16xi32>,
      %get3A_160 = arith.constant 24 : index
      %get3A_161 = tpu.vector_load %arg12[%get3A_160] {strides = array<i32>} : memref<56xi32, #tpu.memory_space<vmem>>, vector<16xi32>,
      %get3A_162 = vector.shape_cast %get3A_161 : vector<16xi32> to vector<16xi32>
      %swap3A_163 = arith.constant 24 : index
      %swap3A_164 = tpu.vector_load %arg17[%swap3A_163] {strides = array<i32>} : memref<40xi32, #tpu.memory_space<vmem>>, vector<16xi32>,
      %swap3A_165 = vector.shape_cast %swap3A_164 : vector<16xi32> to vector<16xi32>
      %swap3A_166 = vector.shape_cast %get3A_162 : vector<16xi32> to vector<16xi32>
      tpu.vector_store %arg17[%swap3A_163], %swap3A_166 {strides = array<i32>} : memref<40xi32, #tpu.memory_space<vmem>>, vector<16xi32>,
      %dma_start3A_167 = arith.constant 0 : i32
      %dma_start3A_168 = arith.constant 0 : i32
      %dma_start3A_169 = tpu.memref_slice %arg28[%dma_start3A_167, %dma_start3A_168] : memref<10240x128xf32, #tpu.memory_space<vmem_shared>> -> memref<10240x128xf32, #tpu.memory_space<vmem_shared>>
      tpu.enqueue_indirect_dma source(%arg22 : memref<40x128xf32, #tpu.memory_space<vmem>>) target(%dma_start3A_169 : memref<10240x128xf32, #tpu.memory_space<vmem_shared>>) offsets(%arg17 : memref<40xi32, #tpu.memory_space<vmem>>) semaphore(%arg35 : memref<!tpu.dma_semaphore, #tpu.memory_space<semaphore_mem>>) {add = true}
      %lt3A = arith.constant 124 : i32
      %lt3A_170 = arith.cmpi slt, %scan3A_95, %lt3A : i32
      %convert_element_type3A_171 = arith.extui %lt3A_170 : i1 to i32
      %cond3A_172 = arith.constant 0 : i32
      %cond3A_173 = arith.cmpi ne, %convert_element_type3A_171, %cond3A_172 : i32
      scf.if %cond3A_173 {
        %add3A_225 = arith.addi %mul3A_2, %add3A_103 : i32
        %dma_start3A_226 = tpu.memref_slice %arg4[%add3A_225] : memref<320000xi32, #tpu.memory_space<hbm>> -> memref<40xi32, #tpu.memory_space<hbm>>
        %dma_start3A_227 = tpu.memref_slice %arg4[%add3A_225] : memref<320000xi32, #tpu.memory_space<hbm>> -> memref<40xi32, #tpu.memory_space<hbm>>
        tpu.enqueue_dma source(%dma_start3A_227 : memref<40xi32, #tpu.memory_space<hbm>>) target(%arg11 : memref<40xi32, #tpu.memory_space<vmem>>) target_semaphore(%arg33 : memref<!tpu.dma_semaphore, #tpu.memory_space<semaphore_mem>>)
        %add3A_228 = arith.addi %mul3A_2, %add3A_103 : i32
        %dma_start3A_229 = arith.constant 0 : i32
        %dma_start3A_230 = tpu.memref_slice %arg12[%dma_start3A_229] : memref<56xi32, #tpu.memory_space<vmem>> -> memref<40xi32, #tpu.memory_space<vmem>>
        %dma_start3A_231 = tpu.memref_slice %arg5[%add3A_228] : memref<320000xi32, #tpu.memory_space<hbm>> -> memref<40xi32, #tpu.memory_space<hbm>>
        %dma_start3A_232 = arith.constant 0 : i32
        %dma_start3A_233 = tpu.memref_slice %arg12[%dma_start3A_232] : memref<56xi32, #tpu.memory_space<vmem>> -> memref<40xi32, #tpu.memory_space<vmem>>
        %dma_start3A_234 = tpu.memref_slice %arg5[%add3A_228] : memref<320000xi32, #tpu.memory_space<hbm>> -> memref<40xi32, #tpu.memory_space<hbm>>
        tpu.enqueue_dma source(%dma_start3A_234 : memref<40xi32, #tpu.memory_space<hbm>>) target(%dma_start3A_233 : memref<40xi32, #tpu.memory_space<vmem>>) target_semaphore(%arg33 : memref<!tpu.dma_semaphore, #tpu.memory_space<semaphore_mem>>)
        %add3A_235 = arith.addi %mul3A_2, %add3A_103 : i32
        %dma_start3A_236 = arith.constant 0 : i32
        %dma_start3A_237 = tpu.memref_slice %arg13[%dma_start3A_236] : memref<56xf32, #tpu.memory_space<vmem>> -> memref<40xf32, #tpu.memory_space<vmem>>
        %dma_start3A_238 = tpu.memref_slice %arg6[%add3A_235] : memref<320000xf32, #tpu.memory_space<hbm>> -> memref<40xf32, #tpu.memory_space<hbm>>
        %dma_start3A_239 = arith.constant 0 : i32
        %dma_start3A_240 = tpu.memref_slice %arg13[%dma_start3A_239] : memref<56xf32, #tpu.memory_space<vmem>> -> memref<40xf32, #tpu.memory_space<vmem>>
        %dma_start3A_241 = tpu.memref_slice %arg6[%add3A_235] : memref<320000xf32, #tpu.memory_space<hbm>> -> memref<40xf32, #tpu.memory_space<hbm>>
        tpu.enqueue_dma source(%dma_start3A_241 : memref<40xf32, #tpu.memory_space<hbm>>) target(%dma_start3A_240 : memref<40xf32, #tpu.memory_space<vmem>>) target_semaphore(%arg33 : memref<!tpu.dma_semaphore, #tpu.memory_space<semaphore_mem>>)
      } else {
      }
      %dma_wait3A_174 = arith.constant 0 : i32
      %dma_wait3A_175 = arith.constant 0 : i32
      %dma_wait3A_176 = tpu.memref_slice %arg2[%dma_wait3A_174, %dma_wait3A_175] : memref<10000x128xf32, #tpu.memory_space<hbm>> -> memref<10000x128xf32, #tpu.memory_space<hbm>>
      tpu.wait_indirect_dma semaphore(%arg31 : memref<!tpu.dma_semaphore, #tpu.memory_space<semaphore_mem>>) src(%dma_wait3A_176 : memref<10000x128xf32, #tpu.memory_space<hbm>>) dst(%arg20 : memref<40x128xf32, #tpu.memory_space<vmem>>)
      %dma_wait3A_177 = arith.constant 0 : i32
      %dma_wait3A_178 = tpu.memref_slice %arg15[%dma_wait3A_177] : memref<56xi32, #tpu.memory_space<vmem>> -> memref<40xi32, #tpu.memory_space<vmem>>
      %dma_wait3A_179 = arith.constant 0 : i32
      %dma_wait3A_180 = arith.constant 0 : i32
      %dma_wait3A_181 = tpu.memref_slice %arg3[%dma_wait3A_179, %dma_wait3A_180] : memref<10000x128xf32, #tpu.memory_space<hbm>> -> memref<10000x128xf32, #tpu.memory_space<hbm>>
      tpu.wait_indirect_dma semaphore(%arg32 : memref<!tpu.dma_semaphore, #tpu.memory_space<semaphore_mem>>) src(%dma_wait3A_181 : memref<10000x128xf32, #tpu.memory_space<hbm>>) dst(%arg21 : memref<40x128xf32, #tpu.memory_space<vmem>>)
      %gt3A_182 = arith.constant 0 : i32
      %gt3A_183 = arith.cmpi sgt, %scan3A_95, %gt3A_182 : i32
      %convert_element_type3A_184 = arith.extui %gt3A_183 : i1 to i32
      %cond3A_185 = arith.constant 0 : i32
      %cond3A_186 = arith.cmpi ne, %convert_element_type3A_184, %cond3A_185 : i32
      scf.if %cond3A_186 {
        %dma_wait3A_225 = arith.constant 0 : i32
        %dma_wait3A_226 = arith.constant 0 : i32
        %dma_wait3A_227 = tpu.memref_slice %arg28[%dma_wait3A_225, %dma_wait3A_226] : memref<10240x128xf32, #tpu.memory_space<vmem_shared>> -> memref<10240x128xf32, #tpu.memory_space<vmem_shared>>
        tpu.wait_indirect_dma semaphore(%arg36 : memref<!tpu.dma_semaphore, #tpu.memory_space<semaphore_mem>>) src(%arg23 : memref<40x128xf32, #tpu.memory_space<vmem>>) dst(%dma_wait3A_227 : memref<10240x128xf32, #tpu.memory_space<vmem_shared>>)
      } else {
      }
      %parallel_loop3A_187 = arith.constant 0 : i32
      %parallel_loop3A_188 = arith.constant 40 : i32
      %parallel_loop3A_189 = arith.constant 1 : i32
      scf.for %parallel_loop3A_225 = %parallel_loop3A_187 to %parallel_loop3A_188 step %parallel_loop3A_189  : i32 {
        %parallel_loop3A_226 = arith.index_cast %parallel_loop3A_225 : i32 to index
        %parallel_loop3A_227 = arith.constant 0 : index
        %parallel_loop3A_228 = tpu.vector_load %arg20[%parallel_loop3A_226, %parallel_loop3A_227] {strides = array<i32>} : memref<40x128xf32, #tpu.memory_space<vmem>>, vector<1x16xf32>,
        %parallel_loop3A_229 = vector.shape_cast %parallel_loop3A_228 : vector<1x16xf32> to vector<16xf32>
        %parallel_loop3A_230 = arith.index_cast %parallel_loop3A_225 : i32 to index
        %parallel_loop3A_231 = arith.constant 16 : index
        %parallel_loop3A_232 = tpu.vector_load %arg20[%parallel_loop3A_230, %parallel_loop3A_231] {strides = array<i32>} : memref<40x128xf32, #tpu.memory_space<vmem>>, vector<1x16xf32>,
        %parallel_loop3A_233 = vector.shape_cast %parallel_loop3A_232 : vector<1x16xf32> to vector<16xf32>
        %parallel_loop3A_234 = arith.index_cast %parallel_loop3A_225 : i32 to index
        %parallel_loop3A_235 = arith.constant 32 : index
        %parallel_loop3A_236 = tpu.vector_load %arg20[%parallel_loop3A_234, %parallel_loop3A_235] {strides = array<i32>} : memref<40x128xf32, #tpu.memory_space<vmem>>, vector<1x16xf32>,
        %parallel_loop3A_237 = vector.shape_cast %parallel_loop3A_236 : vector<1x16xf32> to vector<16xf32>
        %parallel_loop3A_238 = arith.index_cast %parallel_loop3A_225 : i32 to index
        %parallel_loop3A_239 = arith.constant 48 : index
        %parallel_loop3A_240 = tpu.vector_load %arg20[%parallel_loop3A_238, %parallel_loop3A_239] {strides = array<i32>} : memref<40x128xf32, #tpu.memory_space<vmem>>, vector<1x16xf32>,
        %parallel_loop3A_241 = vector.shape_cast %parallel_loop3A_240 : vector<1x16xf32> to vector<16xf32>
        %parallel_loop3A_242 = arith.index_cast %parallel_loop3A_225 : i32 to index
        %parallel_loop3A_243 = arith.constant 64 : index
        %parallel_loop3A_244 = tpu.vector_load %arg20[%parallel_loop3A_242, %parallel_loop3A_243] {strides = array<i32>} : memref<40x128xf32, #tpu.memory_space<vmem>>, vector<1x16xf32>,
        %parallel_loop3A_245 = vector.shape_cast %parallel_loop3A_244 : vector<1x16xf32> to vector<16xf32>
        %parallel_loop3A_246 = arith.index_cast %parallel_loop3A_225 : i32 to index
        %parallel_loop3A_247 = arith.constant 80 : index
        %parallel_loop3A_248 = tpu.vector_load %arg20[%parallel_loop3A_246, %parallel_loop3A_247] {strides = array<i32>} : memref<40x128xf32, #tpu.memory_space<vmem>>, vector<1x16xf32>,
        %parallel_loop3A_249 = vector.shape_cast %parallel_loop3A_248 : vector<1x16xf32> to vector<16xf32>
        %parallel_loop3A_250 = arith.index_cast %parallel_loop3A_225 : i32 to index
        %parallel_loop3A_251 = arith.constant 96 : index
        %parallel_loop3A_252 = tpu.vector_load %arg20[%parallel_loop3A_250, %parallel_loop3A_251] {strides = array<i32>} : memref<40x128xf32, #tpu.memory_space<vmem>>, vector<1x16xf32>,
        %parallel_loop3A_253 = vector.shape_cast %parallel_loop3A_252 : vector<1x16xf32> to vector<16xf32>
        %parallel_loop3A_254 = arith.index_cast %parallel_loop3A_225 : i32 to index
        %parallel_loop3A_255 = arith.constant 112 : index
        %parallel_loop3A_256 = tpu.vector_load %arg20[%parallel_loop3A_254, %parallel_loop3A_255] {strides = array<i32>} : memref<40x128xf32, #tpu.memory_space<vmem>>, vector<1x16xf32>,
        %parallel_loop3A_257 = vector.shape_cast %parallel_loop3A_256 : vector<1x16xf32> to vector<16xf32>
        %parallel_loop3A_258 = arith.index_cast %parallel_loop3A_225 : i32 to index
        %parallel_loop3A_259 = arith.constant 0 : index
        %parallel_loop3A_260 = tpu.vector_load %arg21[%parallel_loop3A_258, %parallel_loop3A_259] {strides = array<i32>} : memref<40x128xf32, #tpu.memory_space<vmem>>, vector<1x16xf32>,
        %parallel_loop3A_261 = vector.shape_cast %parallel_loop3A_260 : vector<1x16xf32> to vector<16xf32>
        %parallel_loop3A_262 = arith.addf %parallel_loop3A_229, %parallel_loop3A_261 : vector<16xf32>
        %parallel_loop3A_263 = math.exp %parallel_loop3A_262 : vector<16xf32>
        %parallel_loop3A_264 = arith.mulf %parallel_loop3A_262, %parallel_loop3A_263 : vector<16xf32>
        %parallel_loop3A_265 = arith.constant 1.000000e+00 : f32
        %parallel_loop3A_266 = vector.broadcast %parallel_loop3A_265 : f32 to vector<16xf32>
        %parallel_loop3A_267 = arith.addf %parallel_loop3A_266, %parallel_loop3A_263 : vector<16xf32>
        %parallel_loop3A_268 = arith.divf %parallel_loop3A_264, %parallel_loop3A_267 : vector<16xf32>
        %parallel_loop3A_269 = arith.mulf %parallel_loop3A_268, %get3A_14 : vector<16xf32>
        %parallel_loop3A_270 = arith.index_cast %parallel_loop3A_225 : i32 to index
        %parallel_loop3A_271 = arith.constant 16 : index
        %parallel_loop3A_272 = tpu.vector_load %arg21[%parallel_loop3A_270, %parallel_loop3A_271] {strides = array<i32>} : memref<40x128xf32, #tpu.memory_space<vmem>>, vector<1x16xf32>,
        %parallel_loop3A_273 = vector.shape_cast %parallel_loop3A_272 : vector<1x16xf32> to vector<16xf32>
        %parallel_loop3A_274 = arith.addf %parallel_loop3A_233, %parallel_loop3A_273 : vector<16xf32>
        %parallel_loop3A_275 = math.exp %parallel_loop3A_274 : vector<16xf32>
        %parallel_loop3A_276 = arith.mulf %parallel_loop3A_274, %parallel_loop3A_275 : vector<16xf32>
        %parallel_loop3A_277 = arith.constant 1.000000e+00 : f32
        %parallel_loop3A_278 = vector.broadcast %parallel_loop3A_277 : f32 to vector<16xf32>
        %parallel_loop3A_279 = arith.addf %parallel_loop3A_278, %parallel_loop3A_275 : vector<16xf32>
        %parallel_loop3A_280 = arith.divf %parallel_loop3A_276, %parallel_loop3A_279 : vector<16xf32>
        %parallel_loop3A_281 = arith.mulf %parallel_loop3A_280, %get3A_17 : vector<16xf32>
        %parallel_loop3A_282 = arith.index_cast %parallel_loop3A_225 : i32 to index
        %parallel_loop3A_283 = arith.constant 32 : index
        %parallel_loop3A_284 = tpu.vector_load %arg21[%parallel_loop3A_282, %parallel_loop3A_283] {strides = array<i32>} : memref<40x128xf32, #tpu.memory_space<vmem>>, vector<1x16xf32>,
        %parallel_loop3A_285 = vector.shape_cast %parallel_loop3A_284 : vector<1x16xf32> to vector<16xf32>
        %parallel_loop3A_286 = arith.addf %parallel_loop3A_237, %parallel_loop3A_285 : vector<16xf32>
        %parallel_loop3A_287 = math.exp %parallel_loop3A_286 : vector<16xf32>
        %parallel_loop3A_288 = arith.mulf %parallel_loop3A_286, %parallel_loop3A_287 : vector<16xf32>
        %parallel_loop3A_289 = arith.constant 1.000000e+00 : f32
        %parallel_loop3A_290 = vector.broadcast %parallel_loop3A_289 : f32 to vector<16xf32>
        %parallel_loop3A_291 = arith.addf %parallel_loop3A_290, %parallel_loop3A_287 : vector<16xf32>
        %parallel_loop3A_292 = arith.divf %parallel_loop3A_288, %parallel_loop3A_291 : vector<16xf32>
        %parallel_loop3A_293 = arith.mulf %parallel_loop3A_292, %get3A_20 : vector<16xf32>
        %parallel_loop3A_294 = arith.index_cast %parallel_loop3A_225 : i32 to index
        %parallel_loop3A_295 = arith.constant 48 : index
        %parallel_loop3A_296 = tpu.vector_load %arg21[%parallel_loop3A_294, %parallel_loop3A_295] {strides = array<i32>} : memref<40x128xf32, #tpu.memory_space<vmem>>, vector<1x16xf32>,
        %parallel_loop3A_297 = vector.shape_cast %parallel_loop3A_296 : vector<1x16xf32> to vector<16xf32>
        %parallel_loop3A_298 = arith.addf %parallel_loop3A_241, %parallel_loop3A_297 : vector<16xf32>
        %parallel_loop3A_299 = math.exp %parallel_loop3A_298 : vector<16xf32>
        %parallel_loop3A_300 = arith.mulf %parallel_loop3A_298, %parallel_loop3A_299 : vector<16xf32>
        %parallel_loop3A_301 = arith.constant 1.000000e+00 : f32
        %parallel_loop3A_302 = vector.broadcast %parallel_loop3A_301 : f32 to vector<16xf32>
        %parallel_loop3A_303 = arith.addf %parallel_loop3A_302, %parallel_loop3A_299 : vector<16xf32>
        %parallel_loop3A_304 = arith.divf %parallel_loop3A_300, %parallel_loop3A_303 : vector<16xf32>
        %parallel_loop3A_305 = arith.mulf %parallel_loop3A_304, %get3A_23 : vector<16xf32>
        %parallel_loop3A_306 = arith.index_cast %parallel_loop3A_225 : i32 to index
        %parallel_loop3A_307 = arith.constant 64 : index
        %parallel_loop3A_308 = tpu.vector_load %arg21[%parallel_loop3A_306, %parallel_loop3A_307] {strides = array<i32>} : memref<40x128xf32, #tpu.memory_space<vmem>>, vector<1x16xf32>,
        %parallel_loop3A_309 = vector.shape_cast %parallel_loop3A_308 : vector<1x16xf32> to vector<16xf32>
        %parallel_loop3A_310 = arith.addf %parallel_loop3A_245, %parallel_loop3A_309 : vector<16xf32>
        %parallel_loop3A_311 = math.exp %parallel_loop3A_310 : vector<16xf32>
        %parallel_loop3A_312 = arith.mulf %parallel_loop3A_310, %parallel_loop3A_311 : vector<16xf32>
        %parallel_loop3A_313 = arith.constant 1.000000e+00 : f32
        %parallel_loop3A_314 = vector.broadcast %parallel_loop3A_313 : f32 to vector<16xf32>
        %parallel_loop3A_315 = arith.addf %parallel_loop3A_314, %parallel_loop3A_311 : vector<16xf32>
        %parallel_loop3A_316 = arith.divf %parallel_loop3A_312, %parallel_loop3A_315 : vector<16xf32>
        %parallel_loop3A_317 = arith.mulf %parallel_loop3A_316, %get3A_26 : vector<16xf32>
        %parallel_loop3A_318 = arith.index_cast %parallel_loop3A_225 : i32 to index
        %parallel_loop3A_319 = arith.constant 80 : index
        %parallel_loop3A_320 = tpu.vector_load %arg21[%parallel_loop3A_318, %parallel_loop3A_319] {strides = array<i32>} : memref<40x128xf32, #tpu.memory_space<vmem>>, vector<1x16xf32>,
        %parallel_loop3A_321 = vector.shape_cast %parallel_loop3A_320 : vector<1x16xf32> to vector<16xf32>
        %parallel_loop3A_322 = arith.addf %parallel_loop3A_249, %parallel_loop3A_321 : vector<16xf32>
        %parallel_loop3A_323 = math.exp %parallel_loop3A_322 : vector<16xf32>
        %parallel_loop3A_324 = arith.mulf %parallel_loop3A_322, %parallel_loop3A_323 : vector<16xf32>
        %parallel_loop3A_325 = arith.constant 1.000000e+00 : f32
        %parallel_loop3A_326 = vector.broadcast %parallel_loop3A_325 : f32 to vector<16xf32>
        %parallel_loop3A_327 = arith.addf %parallel_loop3A_326, %parallel_loop3A_323 : vector<16xf32>
        %parallel_loop3A_328 = arith.divf %parallel_loop3A_324, %parallel_loop3A_327 : vector<16xf32>
        %parallel_loop3A_329 = arith.mulf %parallel_loop3A_328, %get3A_29 : vector<16xf32>
        %parallel_loop3A_330 = arith.index_cast %parallel_loop3A_225 : i32 to index
        %parallel_loop3A_331 = arith.constant 96 : index
        %parallel_loop3A_332 = tpu.vector_load %arg21[%parallel_loop3A_330, %parallel_loop3A_331] {strides = array<i32>} : memref<40x128xf32, #tpu.memory_space<vmem>>, vector<1x16xf32>,
        %parallel_loop3A_333 = vector.shape_cast %parallel_loop3A_332 : vector<1x16xf32> to vector<16xf32>
        %parallel_loop3A_334 = arith.addf %parallel_loop3A_253, %parallel_loop3A_333 : vector<16xf32>
        %parallel_loop3A_335 = math.exp %parallel_loop3A_334 : vector<16xf32>
        %parallel_loop3A_336 = arith.mulf %parallel_loop3A_334, %parallel_loop3A_335 : vector<16xf32>
        %parallel_loop3A_337 = arith.constant 1.000000e+00 : f32
        %parallel_loop3A_338 = vector.broadcast %parallel_loop3A_337 : f32 to vector<16xf32>
        %parallel_loop3A_339 = arith.addf %parallel_loop3A_338, %parallel_loop3A_335 : vector<16xf32>
        %parallel_loop3A_340 = arith.divf %parallel_loop3A_336, %parallel_loop3A_339 : vector<16xf32>
        %parallel_loop3A_341 = arith.mulf %parallel_loop3A_340, %get3A_32 : vector<16xf32>
        %parallel_loop3A_342 = arith.index_cast %parallel_loop3A_225 : i32 to index
        %parallel_loop3A_343 = arith.constant 112 : index
        %parallel_loop3A_344 = tpu.vector_load %arg21[%parallel_loop3A_342, %parallel_loop3A_343] {strides = array<i32>} : memref<40x128xf32, #tpu.memory_space<vmem>>, vector<1x16xf32>,
        %parallel_loop3A_345 = vector.shape_cast %parallel_loop3A_344 : vector<1x16xf32> to vector<16xf32>
        %parallel_loop3A_346 = arith.addf %parallel_loop3A_257, %parallel_loop3A_345 : vector<16xf32>
        %parallel_loop3A_347 = math.exp %parallel_loop3A_346 : vector<16xf32>
        %parallel_loop3A_348 = arith.mulf %parallel_loop3A_346, %parallel_loop3A_347 : vector<16xf32>
        %parallel_loop3A_349 = arith.constant 1.000000e+00 : f32
        %parallel_loop3A_350 = vector.broadcast %parallel_loop3A_349 : f32 to vector<16xf32>
        %parallel_loop3A_351 = arith.addf %parallel_loop3A_350, %parallel_loop3A_347 : vector<16xf32>
        %parallel_loop3A_352 = arith.divf %parallel_loop3A_348, %parallel_loop3A_351 : vector<16xf32>
        %parallel_loop3A_353 = arith.mulf %parallel_loop3A_352, %get3A_35 : vector<16xf32>
        %parallel_loop3A_354 = arith.addf %parallel_loop3A_269, %parallel_loop3A_281 : vector<16xf32>
        %parallel_loop3A_355 = arith.addf %parallel_loop3A_293, %parallel_loop3A_305 : vector<16xf32>
        %parallel_loop3A_356 = arith.addf %parallel_loop3A_354, %parallel_loop3A_355 : vector<16xf32>
        %parallel_loop3A_357 = arith.addf %parallel_loop3A_317, %parallel_loop3A_329 : vector<16xf32>
        %parallel_loop3A_358 = arith.addf %parallel_loop3A_341, %parallel_loop3A_353 : vector<16xf32>
        %parallel_loop3A_359 = arith.addf %parallel_loop3A_357, %parallel_loop3A_358 : vector<16xf32>
        %parallel_loop3A_360 = arith.addf %parallel_loop3A_356, %parallel_loop3A_359 : vector<16xf32>
        %parallel_loop3A_361 = vector.shape_cast %xor3A_42 : vector<16xi32> to vector<16x1xi32>
        %parallel_loop3A_362 = vector.shape_cast %parallel_loop3A_361 : vector<16x1xi32> to vector<16xi32>
        %parallel_loop3A_363 = tpu.dynamic_gather %parallel_loop3A_360[%parallel_loop3A_362] in [0] : vector<16xf32>, vector<16xi32> -> vector<16xf32>
        %parallel_loop3A_364 = arith.addf %parallel_loop3A_360, %parallel_loop3A_363 : vector<16xf32>
        %parallel_loop3A_365 = vector.shape_cast %xor3A_45 : vector<16xi32> to vector<16x1xi32>
        %parallel_loop3A_366 = vector.shape_cast %parallel_loop3A_365 : vector<16x1xi32> to vector<16xi32>
        %parallel_loop3A_367 = tpu.dynamic_gather %parallel_loop3A_364[%parallel_loop3A_366] in [0] : vector<16xf32>, vector<16xi32> -> vector<16xf32>
        %parallel_loop3A_368 = arith.addf %parallel_loop3A_364, %parallel_loop3A_367 : vector<16xf32>
        %parallel_loop3A_369 = vector.shape_cast %xor3A_48 : vector<16xi32> to vector<16x1xi32>
        %parallel_loop3A_370 = vector.shape_cast %parallel_loop3A_369 : vector<16x1xi32> to vector<16xi32>
        %parallel_loop3A_371 = tpu.dynamic_gather %parallel_loop3A_368[%parallel_loop3A_370] in [0] : vector<16xf32>, vector<16xi32> -> vector<16xf32>
        %parallel_loop3A_372 = arith.addf %parallel_loop3A_368, %parallel_loop3A_371 : vector<16xf32>
        %parallel_loop3A_373 = vector.shape_cast %xor3A_51 : vector<16xi32> to vector<16x1xi32>
        %parallel_loop3A_374 = vector.shape_cast %parallel_loop3A_373 : vector<16x1xi32> to vector<16xi32>
        %parallel_loop3A_375 = tpu.dynamic_gather %parallel_loop3A_372[%parallel_loop3A_374] in [0] : vector<16xf32>, vector<16xi32> -> vector<16xf32>
        %parallel_loop3A_376 = arith.addf %parallel_loop3A_372, %parallel_loop3A_375 : vector<16xf32>
        %parallel_loop3A_377 = arith.index_cast %parallel_loop3A_225 : i32 to index
        %parallel_loop3A_378 = tpu.vector_load %arg16[%parallel_loop3A_377] {strides = array<i32>} : memref<56xf32, #tpu.memory_space<vmem>>, vector<16xf32>,
        %parallel_loop3A_379 = vector.shape_cast %parallel_loop3A_378 : vector<16xf32> to vector<16xf32>
        %parallel_loop3A_380 = vector.extract_strided_slice %parallel_loop3A_379 {offsets = [0], sizes = [1], strides = [1]} : vector<16xf32> to vector<1xf32>
        %parallel_loop3A_381 = vector.extract %parallel_loop3A_380[0] : f32 from vector<1xf32>
        %parallel_loop3A_382 = arith.constant 1.000000e-07 : f32
        %parallel_loop3A_383 = arith.addf %parallel_loop3A_381, %parallel_loop3A_382 : f32
        %parallel_loop3A_384 = math.exp %parallel_loop3A_376 : vector<16xf32>
        %parallel_loop3A_385 = vector.broadcast %parallel_loop3A_383 : f32 to vector<16xf32>
        %parallel_loop3A_386 = arith.mulf %parallel_loop3A_385, %parallel_loop3A_384 : vector<16xf32>
        %parallel_loop3A_387 = arith.mulf %parallel_loop3A_386, %parallel_loop3A_229 : vector<16xf32>
        %parallel_loop3A_388 = arith.index_cast %parallel_loop3A_225 : i32 to index
        %parallel_loop3A_389 = arith.constant 0 : index
        %parallel_loop3A_390 = tpu.vector_load %arg23[%parallel_loop3A_388, %parallel_loop3A_389] {strides = array<i32>} : memref<40x128xf32, #tpu.memory_space<vmem>>, vector<1x16xf32>,
        %parallel_loop3A_391 = vector.shape_cast %parallel_loop3A_390 : vector<1x16xf32> to vector<16xf32>
        %parallel_loop3A_392 = vector.shape_cast %parallel_loop3A_387 : vector<16xf32> to vector<1x16xf32>
        tpu.vector_store %arg23[%parallel_loop3A_388, %parallel_loop3A_389], %parallel_loop3A_392 {strides = array<i32>} : memref<40x128xf32, #tpu.memory_space<vmem>>, vector<1x16xf32>,
        %parallel_loop3A_393 = arith.mulf %parallel_loop3A_386, %parallel_loop3A_233 : vector<16xf32>
        %parallel_loop3A_394 = arith.index_cast %parallel_loop3A_225 : i32 to index
        %parallel_loop3A_395 = arith.constant 16 : index
        %parallel_loop3A_396 = tpu.vector_load %arg23[%parallel_loop3A_394, %parallel_loop3A_395] {strides = array<i32>} : memref<40x128xf32, #tpu.memory_space<vmem>>, vector<1x16xf32>,
        %parallel_loop3A_397 = vector.shape_cast %parallel_loop3A_396 : vector<1x16xf32> to vector<16xf32>
        %parallel_loop3A_398 = vector.shape_cast %parallel_loop3A_393 : vector<16xf32> to vector<1x16xf32>
        tpu.vector_store %arg23[%parallel_loop3A_394, %parallel_loop3A_395], %parallel_loop3A_398 {strides = array<i32>} : memref<40x128xf32, #tpu.memory_space<vmem>>, vector<1x16xf32>,
        %parallel_loop3A_399 = arith.mulf %parallel_loop3A_386, %parallel_loop3A_237 : vector<16xf32>
        %parallel_loop3A_400 = arith.index_cast %parallel_loop3A_225 : i32 to index
        %parallel_loop3A_401 = arith.constant 32 : index
        %parallel_loop3A_402 = tpu.vector_load %arg23[%parallel_loop3A_400, %parallel_loop3A_401] {strides = array<i32>} : memref<40x128xf32, #tpu.memory_space<vmem>>, vector<1x16xf32>,
        %parallel_loop3A_403 = vector.shape_cast %parallel_loop3A_402 : vector<1x16xf32> to vector<16xf32>
        %parallel_loop3A_404 = vector.shape_cast %parallel_loop3A_399 : vector<16xf32> to vector<1x16xf32>
        tpu.vector_store %arg23[%parallel_loop3A_400, %parallel_loop3A_401], %parallel_loop3A_404 {strides = array<i32>} : memref<40x128xf32, #tpu.memory_space<vmem>>, vector<1x16xf32>,
        %parallel_loop3A_405 = arith.mulf %parallel_loop3A_386, %parallel_loop3A_241 : vector<16xf32>
        %parallel_loop3A_406 = arith.index_cast %parallel_loop3A_225 : i32 to index
        %parallel_loop3A_407 = arith.constant 48 : index
        %parallel_loop3A_408 = tpu.vector_load %arg23[%parallel_loop3A_406, %parallel_loop3A_407] {strides = array<i32>} : memref<40x128xf32, #tpu.memory_space<vmem>>, vector<1x16xf32>,
        %parallel_loop3A_409 = vector.shape_cast %parallel_loop3A_408 : vector<1x16xf32> to vector<16xf32>
        %parallel_loop3A_410 = vector.shape_cast %parallel_loop3A_405 : vector<16xf32> to vector<1x16xf32>
        tpu.vector_store %arg23[%parallel_loop3A_406, %parallel_loop3A_407], %parallel_loop3A_410 {strides = array<i32>} : memref<40x128xf32, #tpu.memory_space<vmem>>, vector<1x16xf32>,
        %parallel_loop3A_411 = arith.mulf %parallel_loop3A_386, %parallel_loop3A_245 : vector<16xf32>
        %parallel_loop3A_412 = arith.index_cast %parallel_loop3A_225 : i32 to index
        %parallel_loop3A_413 = arith.constant 64 : index
        %parallel_loop3A_414 = tpu.vector_load %arg23[%parallel_loop3A_412, %parallel_loop3A_413] {strides = array<i32>} : memref<40x128xf32, #tpu.memory_space<vmem>>, vector<1x16xf32>,
        %parallel_loop3A_415 = vector.shape_cast %parallel_loop3A_414 : vector<1x16xf32> to vector<16xf32>
        %parallel_loop3A_416 = vector.shape_cast %parallel_loop3A_411 : vector<16xf32> to vector<1x16xf32>
        tpu.vector_store %arg23[%parallel_loop3A_412, %parallel_loop3A_413], %parallel_loop3A_416 {strides = array<i32>} : memref<40x128xf32, #tpu.memory_space<vmem>>, vector<1x16xf32>,
        %parallel_loop3A_417 = arith.mulf %parallel_loop3A_386, %parallel_loop3A_249 : vector<16xf32>
        %parallel_loop3A_418 = arith.index_cast %parallel_loop3A_225 : i32 to index
        %parallel_loop3A_419 = arith.constant 80 : index
        %parallel_loop3A_420 = tpu.vector_load %arg23[%parallel_loop3A_418, %parallel_loop3A_419] {strides = array<i32>} : memref<40x128xf32, #tpu.memory_space<vmem>>, vector<1x16xf32>,
        %parallel_loop3A_421 = vector.shape_cast %parallel_loop3A_420 : vector<1x16xf32> to vector<16xf32>
        %parallel_loop3A_422 = vector.shape_cast %parallel_loop3A_417 : vector<16xf32> to vector<1x16xf32>
        tpu.vector_store %arg23[%parallel_loop3A_418, %parallel_loop3A_419], %parallel_loop3A_422 {strides = array<i32>} : memref<40x128xf32, #tpu.memory_space<vmem>>, vector<1x16xf32>,
        %parallel_loop3A_423 = arith.mulf %parallel_loop3A_386, %parallel_loop3A_253 : vector<16xf32>
        %parallel_loop3A_424 = arith.index_cast %parallel_loop3A_225 : i32 to index
        %parallel_loop3A_425 = arith.constant 96 : index
        %parallel_loop3A_426 = tpu.vector_load %arg23[%parallel_loop3A_424, %parallel_loop3A_425] {strides = array<i32>} : memref<40x128xf32, #tpu.memory_space<vmem>>, vector<1x16xf32>,
        %parallel_loop3A_427 = vector.shape_cast %parallel_loop3A_426 : vector<1x16xf32> to vector<16xf32>
        %parallel_loop3A_428 = vector.shape_cast %parallel_loop3A_423 : vector<16xf32> to vector<1x16xf32>
        tpu.vector_store %arg23[%parallel_loop3A_424, %parallel_loop3A_425], %parallel_loop3A_428 {strides = array<i32>} : memref<40x128xf32, #tpu.memory_space<vmem>>, vector<1x16xf32>,
        %parallel_loop3A_429 = arith.mulf %parallel_loop3A_386, %parallel_loop3A_257 : vector<16xf32>
        %parallel_loop3A_430 = arith.index_cast %parallel_loop3A_225 : i32 to index
        %parallel_loop3A_431 = arith.constant 112 : index
        %parallel_loop3A_432 = tpu.vector_load %arg23[%parallel_loop3A_430, %parallel_loop3A_431] {strides = array<i32>} : memref<40x128xf32, #tpu.memory_space<vmem>>, vector<1x16xf32>,
        %parallel_loop3A_433 = vector.shape_cast %parallel_loop3A_432 : vector<1x16xf32> to vector<16xf32>
        %parallel_loop3A_434 = vector.shape_cast %parallel_loop3A_429 : vector<16xf32> to vector<1x16xf32>
        tpu.vector_store %arg23[%parallel_loop3A_430, %parallel_loop3A_431], %parallel_loop3A_434 {strides = array<i32>} : memref<40x128xf32, #tpu.memory_space<vmem>>, vector<1x16xf32>,
        %parallel_loop3A_435 = arith.constant 16 : i32
        %parallel_loop3A_436 = arith.muli %parallel_loop3A_435, %parallel_loop3A_225 : i32
        %parallel_loop3A_437 = arith.index_cast %parallel_loop3A_436 : i32 to index
        %parallel_loop3A_438 = tpu.vector_load %arg25[%parallel_loop3A_437] {strides = array<i32>} : memref<640xf32, #tpu.memory_space<vmem>>, vector<16xf32>,
        %parallel_loop3A_439 = vector.shape_cast %parallel_loop3A_438 : vector<16xf32> to vector<16xf32>
        %parallel_loop3A_440 = vector.shape_cast %parallel_loop3A_386 : vector<16xf32> to vector<16xf32>
        tpu.vector_store %arg25[%parallel_loop3A_437], %parallel_loop3A_440 {strides = array<i32>} : memref<640xf32, #tpu.memory_space<vmem>>, vector<16xf32>,
      } {sc.loop_unroll_factor = 2 : i64, sc.parallel_access}
      %scan3A_190 = arith.constant 0 : i32
      %scan3A_191 = arith.constant 0 : i32
      %scan3A_192 = arith.constant 20 : i32
      %scan3A_193 = arith.addi %scan3A_191, %scan3A_192 : i32
      %scan3A_194 = arith.constant 1 : i32
      scf.for %scan3A_225 = %scan3A_191 to %scan3A_193 step %scan3A_194  : i32 {
        %mul3A_226 = arith.constant 2 : i32
        %mul3A_227 = arith.muli %mul3A_226, %scan3A_225 : i32
        %add3A_228 = arith.constant 1 : i32
        %add3A_229 = arith.addi %mul3A_227, %add3A_228 : i32
        %mul3A_230 = arith.constant 16 : i32
        %mul3A_231 = arith.muli %mul3A_230, %mul3A_227 : i32
        %get3A_232 = arith.index_cast %mul3A_231 : i32 to index
        %get3A_233 = tpu.vector_load %arg25[%get3A_232] {strides = array<i32>} : memref<640xf32, #tpu.memory_space<vmem>>, vector<16xf32>,
        %get3A_234 = vector.shape_cast %get3A_233 : vector<16xf32> to vector<16xf32>
        %mul3A_235 = arith.constant 16 : i32
        %mul3A_236 = arith.muli %mul3A_235, %add3A_229 : i32
        %get3A_237 = arith.index_cast %mul3A_236 : i32 to index
        %get3A_238 = tpu.vector_load %arg25[%get3A_237] {strides = array<i32>} : memref<640xf32, #tpu.memory_space<vmem>>, vector<16xf32>,
        %get3A_239 = vector.shape_cast %get3A_238 : vector<16xf32> to vector<16xf32>
        %get3A_240 = arith.index_cast %mul3A_227 : i32 to index
        %get3A_241 = tpu.vector_load %arg15[%get3A_240] {strides = array<i32>} : memref<56xi32, #tpu.memory_space<vmem>>, vector<16xi32>,
        %get3A_242 = vector.shape_cast %get3A_241 : vector<16xi32> to vector<16xi32>
        %slice3A = vector.extract_strided_slice %get3A_242 {offsets = [0], sizes = [1], strides = [1]} : vector<16xi32> to vector<1xi32>
        %squeeze3A = vector.extract %slice3A[0] : i32 from vector<1xi32>
        %get3A_243 = arith.index_cast %squeeze3A : i32 to index
        %get3A_244 = tpu.vector_load %arg27[%get3A_243] {strides = array<i32>} : memref<10256xf32, #tpu.memory_space<vmem>>, vector<16xf32>,
        %get3A_245 = vector.shape_cast %get3A_244 : vector<16xf32> to vector<16xf32>
        %mul3A_246 = arith.mulf %get3A_234, %select_n3A : vector<16xf32>
        %add3A_247 = arith.addf %get3A_245, %mul3A_246 : vector<16xf32>
        %swap3A_248 = arith.index_cast %squeeze3A : i32 to index
        %swap3A_249 = tpu.vector_load %arg27[%swap3A_248] {strides = array<i32>} : memref<10256xf32, #tpu.memory_space<vmem>>, vector<16xf32>,
        %swap3A_250 = vector.shape_cast %swap3A_249 : vector<16xf32> to vector<16xf32>
        %swap3A_251 = vector.shape_cast %add3A_247 : vector<16xf32> to vector<16xf32>
        tpu.vector_store %arg27[%swap3A_248], %swap3A_251 {strides = array<i32>} : memref<10256xf32, #tpu.memory_space<vmem>>, vector<16xf32>,
        %get3A_252 = arith.index_cast %add3A_229 : i32 to index
        %get3A_253 = tpu.vector_load %arg15[%get3A_252] {strides = array<i32>} : memref<56xi32, #tpu.memory_space<vmem>>, vector<16xi32>,
        %get3A_254 = vector.shape_cast %get3A_253 : vector<16xi32> to vector<16xi32>
        %slice3A_255 = vector.extract_strided_slice %get3A_254 {offsets = [0], sizes = [1], strides = [1]} : vector<16xi32> to vector<1xi32>
        %squeeze3A_256 = vector.extract %slice3A_255[0] : i32 from vector<1xi32>
        %get3A_257 = arith.index_cast %squeeze3A_256 : i32 to index
        %get3A_258 = tpu.vector_load %arg27[%get3A_257] {strides = array<i32>} : memref<10256xf32, #tpu.memory_space<vmem>>, vector<16xf32>,
        %get3A_259 = vector.shape_cast %get3A_258 : vector<16xf32> to vector<16xf32>
        %mul3A_260 = arith.mulf %get3A_239, %select_n3A : vector<16xf32>
        %add3A_261 = arith.addf %get3A_259, %mul3A_260 : vector<16xf32>
        %swap3A_262 = arith.index_cast %squeeze3A_256 : i32 to index
        %swap3A_263 = tpu.vector_load %arg27[%swap3A_262] {strides = array<i32>} : memref<10256xf32, #tpu.memory_space<vmem>>, vector<16xf32>,
        %swap3A_264 = vector.shape_cast %swap3A_263 : vector<16xf32> to vector<16xf32>
        %swap3A_265 = vector.shape_cast %add3A_261 : vector<16xf32> to vector<16xf32>
        tpu.vector_store %arg27[%swap3A_262], %swap3A_265 {strides = array<i32>} : memref<10256xf32, #tpu.memory_space<vmem>>, vector<16xf32>,
      }
      %scan3A_195 = arith.constant 20 : i32
      %get3A_196 = arith.constant 0 : index
      %get3A_197 = tpu.vector_load %arg15[%get3A_196] {strides = array<i32>} : memref<56xi32, #tpu.memory_space<vmem>>, vector<16xi32>,
      %get3A_198 = vector.shape_cast %get3A_197 : vector<16xi32> to vector<16xi32>
      %swap3A_199 = arith.constant 0 : index
      %swap3A_200 = tpu.vector_load %arg24[%swap3A_199] {strides = array<i32>} : memref<40xi32, #tpu.memory_space<vmem>>, vector<16xi32>,
      %swap3A_201 = vector.shape_cast %swap3A_200 : vector<16xi32> to vector<16xi32>
      %swap3A_202 = vector.shape_cast %get3A_198 : vector<16xi32> to vector<16xi32>
      tpu.vector_store %arg24[%swap3A_199], %swap3A_202 {strides = array<i32>} : memref<40xi32, #tpu.memory_space<vmem>>, vector<16xi32>,
      %get3A_203 = arith.constant 16 : index
      %get3A_204 = tpu.vector_load %arg15[%get3A_203] {strides = array<i32>} : memref<56xi32, #tpu.memory_space<vmem>>, vector<16xi32>,
      %get3A_205 = vector.shape_cast %get3A_204 : vector<16xi32> to vector<16xi32>
      %swap3A_206 = arith.constant 16 : index
      %swap3A_207 = tpu.vector_load %arg24[%swap3A_206] {strides = array<i32>} : memref<40xi32, #tpu.memory_space<vmem>>, vector<16xi32>,
      %swap3A_208 = vector.shape_cast %swap3A_207 : vector<16xi32> to vector<16xi32>
      %swap3A_209 = vector.shape_cast %get3A_205 : vector<16xi32> to vector<16xi32>
      tpu.vector_store %arg24[%swap3A_206], %swap3A_209 {strides = array<i32>} : memref<40xi32, #tpu.memory_space<vmem>>, vector<16xi32>,
      %get3A_210 = arith.constant 24 : index
      %get3A_211 = tpu.vector_load %arg15[%get3A_210] {strides = array<i32>} : memref<56xi32, #tpu.memory_space<vmem>>, vector<16xi32>,
      %get3A_212 = vector.shape_cast %get3A_211 : vector<16xi32> to vector<16xi32>
      %swap3A_213 = arith.constant 24 : index
      %swap3A_214 = tpu.vector_load %arg24[%swap3A_213] {strides = array<i32>} : memref<40xi32, #tpu.memory_space<vmem>>, vector<16xi32>,
      %swap3A_215 = vector.shape_cast %swap3A_214 : vector<16xi32> to vector<16xi32>
      %swap3A_216 = vector.shape_cast %get3A_212 : vector<16xi32> to vector<16xi32>
      tpu.vector_store %arg24[%swap3A_213], %swap3A_216 {strides = array<i32>} : memref<40xi32, #tpu.memory_space<vmem>>, vector<16xi32>,
      %dma_start3A_217 = arith.constant 0 : i32
      %dma_start3A_218 = arith.constant 0 : i32
      %dma_start3A_219 = tpu.memref_slice %arg28[%dma_start3A_217, %dma_start3A_218] : memref<10240x128xf32, #tpu.memory_space<vmem_shared>> -> memref<10240x128xf32, #tpu.memory_space<vmem_shared>>
      tpu.enqueue_indirect_dma source(%arg23 : memref<40x128xf32, #tpu.memory_space<vmem>>) target(%dma_start3A_219 : memref<10240x128xf32, #tpu.memory_space<vmem_shared>>) offsets(%arg24 : memref<40xi32, #tpu.memory_space<vmem>>) semaphore(%arg36 : memref<!tpu.dma_semaphore, #tpu.memory_space<semaphore_mem>>) {add = true}
      %lt3A_220 = arith.constant 124 : i32
      %lt3A_221 = arith.cmpi slt, %scan3A_95, %lt3A_220 : i32
      %convert_element_type3A_222 = arith.extui %lt3A_221 : i1 to i32
      %cond3A_223 = arith.constant 0 : i32
      %cond3A_224 = arith.cmpi ne, %convert_element_type3A_222, %cond3A_223 : i32
      scf.if %cond3A_224 {
        %add3A_225 = arith.addi %mul3A_2, %add3A_103 : i32
        %dma_wait3A_226 = tpu.memref_slice %arg4[%add3A_225] : memref<320000xi32, #tpu.memory_space<hbm>> -> memref<40xi32, #tpu.memory_space<hbm>>
        %dma_wait3A_227 = tpu.memref_slice %arg4[%add3A_225] : memref<320000xi32, #tpu.memory_space<hbm>> -> memref<40xi32, #tpu.memory_space<hbm>>
        tpu.wait_dma2 semaphore(%arg33 : memref<!tpu.dma_semaphore, #tpu.memory_space<semaphore_mem>>) src(%dma_wait3A_227 : memref<40xi32, #tpu.memory_space<hbm>>) dst(%arg11 : memref<40xi32, #tpu.memory_space<vmem>>)
        %add3A_228 = arith.addi %mul3A_2, %add3A_103 : i32
        %dma_wait3A_229 = arith.constant 0 : i32
        %dma_wait3A_230 = tpu.memref_slice %arg12[%dma_wait3A_229] : memref<56xi32, #tpu.memory_space<vmem>> -> memref<40xi32, #tpu.memory_space<vmem>>
        %dma_wait3A_231 = tpu.memref_slice %arg5[%add3A_228] : memref<320000xi32, #tpu.memory_space<hbm>> -> memref<40xi32, #tpu.memory_space<hbm>>
        %dma_wait3A_232 = arith.constant 0 : i32
        %dma_wait3A_233 = tpu.memref_slice %arg12[%dma_wait3A_232] : memref<56xi32, #tpu.memory_space<vmem>> -> memref<40xi32, #tpu.memory_space<vmem>>
        %dma_wait3A_234 = tpu.memref_slice %arg5[%add3A_228] : memref<320000xi32, #tpu.memory_space<hbm>> -> memref<40xi32, #tpu.memory_space<hbm>>
        tpu.wait_dma2 semaphore(%arg33 : memref<!tpu.dma_semaphore, #tpu.memory_space<semaphore_mem>>) src(%dma_wait3A_234 : memref<40xi32, #tpu.memory_space<hbm>>) dst(%dma_wait3A_233 : memref<40xi32, #tpu.memory_space<vmem>>)
        %add3A_235 = arith.addi %mul3A_2, %add3A_103 : i32
        %dma_wait3A_236 = arith.constant 0 : i32
        %dma_wait3A_237 = tpu.memref_slice %arg13[%dma_wait3A_236] : memref<56xf32, #tpu.memory_space<vmem>> -> memref<40xf32, #tpu.memory_space<vmem>>
        %dma_wait3A_238 = tpu.memref_slice %arg6[%add3A_235] : memref<320000xf32, #tpu.memory_space<hbm>> -> memref<40xf32, #tpu.memory_space<hbm>>
        %dma_wait3A_239 = arith.constant 0 : i32
        %dma_wait3A_240 = tpu.memref_slice %arg13[%dma_wait3A_239] : memref<56xf32, #tpu.memory_space<vmem>> -> memref<40xf32, #tpu.memory_space<vmem>>
        %dma_wait3A_241 = tpu.memref_slice %arg6[%add3A_235] : memref<320000xf32, #tpu.memory_space<hbm>> -> memref<40xf32, #tpu.memory_space<hbm>>
        tpu.wait_dma2 semaphore(%arg33 : memref<!tpu.dma_semaphore, #tpu.memory_space<semaphore_mem>>) src(%dma_wait3A_241 : memref<40xf32, #tpu.memory_space<hbm>>) dst(%dma_wait3A_240 : memref<40xf32, #tpu.memory_space<vmem>>)
        %dma_start3A_242 = arith.constant 0 : i32
        %dma_start3A_243 = arith.constant 0 : i32
        %dma_start3A_244 = tpu.memref_slice %arg2[%dma_start3A_242, %dma_start3A_243] : memref<10000x128xf32, #tpu.memory_space<hbm>> -> memref<10000x128xf32, #tpu.memory_space<hbm>>
        tpu.enqueue_indirect_dma source(%dma_start3A_244 : memref<10000x128xf32, #tpu.memory_space<hbm>>) target(%arg18 : memref<40x128xf32, #tpu.memory_space<vmem>>) offsets(%arg11 : memref<40xi32, #tpu.memory_space<vmem>>) semaphore(%arg29 : memref<!tpu.dma_semaphore, #tpu.memory_space<semaphore_mem>>)
        %dma_start3A_245 = arith.constant 0 : i32
        %dma_start3A_246 = tpu.memref_slice %arg12[%dma_start3A_245] : memref<56xi32, #tpu.memory_space<vmem>> -> memref<40xi32, #tpu.memory_space<vmem>>
        %dma_start3A_247 = arith.constant 0 : i32
        %dma_start3A_248 = arith.constant 0 : i32
        %dma_start3A_249 = tpu.memref_slice %arg3[%dma_start3A_247, %dma_start3A_248] : memref<10000x128xf32, #tpu.memory_space<hbm>> -> memref<10000x128xf32, #tpu.memory_space<hbm>>
        tpu.enqueue_indirect_dma source(%dma_start3A_249 : memref<10000x128xf32, #tpu.memory_space<hbm>>) target(%arg19 : memref<40x128xf32, #tpu.memory_space<vmem>>) offsets(%dma_start3A_246 : memref<40xi32, #tpu.memory_space<vmem>>) semaphore(%arg30 : memref<!tpu.dma_semaphore, #tpu.memory_space<semaphore_mem>>)
        %add3A_250 = arith.constant 40 : i32
        %add3A_251 = arith.addi %add3A_103, %add3A_250 : i32
        %add3A_252 = arith.addi %mul3A_2, %add3A_251 : i32
        %dma_start3A_253 = tpu.memref_slice %arg4[%add3A_252] : memref<320000xi32, #tpu.memory_space<hbm>> -> memref<40xi32, #tpu.memory_space<hbm>>
        %dma_start3A_254 = tpu.memref_slice %arg4[%add3A_252] : memref<320000xi32, #tpu.memory_space<hbm>> -> memref<40xi32, #tpu.memory_space<hbm>>
        tpu.enqueue_dma source(%dma_start3A_254 : memref<40xi32, #tpu.memory_space<hbm>>) target(%arg14 : memref<40xi32, #tpu.memory_space<vmem>>) target_semaphore(%arg34 : memref<!tpu.dma_semaphore, #tpu.memory_space<semaphore_mem>>)
        %add3A_255 = arith.addi %mul3A_2, %add3A_251 : i32
        %dma_start3A_256 = arith.constant 0 : i32
        %dma_start3A_257 = tpu.memref_slice %arg15[%dma_start3A_256] : memref<56xi32, #tpu.memory_space<vmem>> -> memref<40xi32, #tpu.memory_space<vmem>>
        %dma_start3A_258 = tpu.memref_slice %arg5[%add3A_255] : memref<320000xi32, #tpu.memory_space<hbm>> -> memref<40xi32, #tpu.memory_space<hbm>>
        %dma_start3A_259 = arith.constant 0 : i32
        %dma_start3A_260 = tpu.memref_slice %arg15[%dma_start3A_259] : memref<56xi32, #tpu.memory_space<vmem>> -> memref<40xi32, #tpu.memory_space<vmem>>
        %dma_start3A_261 = tpu.memref_slice %arg5[%add3A_255] : memref<320000xi32, #tpu.memory_space<hbm>> -> memref<40xi32, #tpu.memory_space<hbm>>
        tpu.enqueue_dma source(%dma_start3A_261 : memref<40xi32, #tpu.memory_space<hbm>>) target(%dma_start3A_260 : memref<40xi32, #tpu.memory_space<vmem>>) target_semaphore(%arg34 : memref<!tpu.dma_semaphore, #tpu.memory_space<semaphore_mem>>)
        %add3A_262 = arith.addi %mul3A_2, %add3A_251 : i32
        %dma_start3A_263 = arith.constant 0 : i32
        %dma_start3A_264 = tpu.memref_slice %arg16[%dma_start3A_263] : memref<56xf32, #tpu.memory_space<vmem>> -> memref<40xf32, #tpu.memory_space<vmem>>
        %dma_start3A_265 = tpu.memref_slice %arg6[%add3A_262] : memref<320000xf32, #tpu.memory_space<hbm>> -> memref<40xf32, #tpu.memory_space<hbm>>
        %dma_start3A_266 = arith.constant 0 : i32
        %dma_start3A_267 = tpu.memref_slice %arg16[%dma_start3A_266] : memref<56xf32, #tpu.memory_space<vmem>> -> memref<40xf32, #tpu.memory_space<vmem>>
        %dma_start3A_268 = tpu.memref_slice %arg6[%add3A_262] : memref<320000xf32, #tpu.memory_space<hbm>> -> memref<40xf32, #tpu.memory_space<hbm>>
        tpu.enqueue_dma source(%dma_start3A_268 : memref<40xf32, #tpu.memory_space<hbm>>) target(%dma_start3A_267 : memref<40xf32, #tpu.memory_space<vmem>>) target_semaphore(%arg34 : memref<!tpu.dma_semaphore, #tpu.memory_space<semaphore_mem>>)
      } else {
      }
    }
    %scan3A_84 = arith.constant 125 : i32
    %dma_wait3A = arith.constant 0 : i32
    %dma_wait3A_85 = arith.constant 0 : i32
    %dma_wait3A_86 = tpu.memref_slice %arg28[%dma_wait3A, %dma_wait3A_85] : memref<10240x128xf32, #tpu.memory_space<vmem_shared>> -> memref<10240x128xf32, #tpu.memory_space<vmem_shared>>
    tpu.wait_indirect_dma semaphore(%arg35 : memref<!tpu.dma_semaphore, #tpu.memory_space<semaphore_mem>>) src(%arg22 : memref<40x128xf32, #tpu.memory_space<vmem>>) dst(%dma_wait3A_86 : memref<10240x128xf32, #tpu.memory_space<vmem_shared>>)
    %dma_wait3A_87 = arith.constant 0 : i32
    %dma_wait3A_88 = arith.constant 0 : i32
    %dma_wait3A_89 = tpu.memref_slice %arg28[%dma_wait3A_87, %dma_wait3A_88] : memref<10240x128xf32, #tpu.memory_space<vmem_shared>> -> memref<10240x128xf32, #tpu.memory_space<vmem_shared>>
    tpu.wait_indirect_dma semaphore(%arg36 : memref<!tpu.dma_semaphore, #tpu.memory_space<semaphore_mem>>) src(%arg23 : memref<40x128xf32, #tpu.memory_space<vmem>>) dst(%dma_wait3A_89 : memref<10240x128xf32, #tpu.memory_space<vmem_shared>>)
    %barrier3A_90 = arith.constant 0 : index
    tpu.barrier barrier_id(%barrier3A_90)
    %mul3A_91 = arith.constant 640 : i32
    %mul3A_92 = arith.muli %arg1, %mul3A_91 : i32
    %mul3A_93 = arith.constant 640 : i32
    %mul3A_94 = arith.muli %arg1, %mul3A_93 : i32
    "tpu.region"() ({
      %run_scoped3A = tpu.sem_alloc : memref<!tpu.dma_semaphore, #tpu.memory_space<semaphore_mem>>
      %dma_start3A_95 = arith.constant 0 : i32
      %dma_start3A_96 = tpu.memref_slice %arg9[%arg0, %mul3A_94, %dma_start3A_95] : memref<2x10240x128xf32, #tpu.memory_space<hbm>> -> memref<1x640x128xf32, #tpu.memory_space<hbm>>
      %dma_start3A_97 = tpu.memref_squeeze %dma_start3A_96 : memref<1x640x128xf32, #tpu.memory_space<hbm>> -> memref<640x128xf32, #tpu.memory_space<hbm>>
      %dma_start3A_98 = arith.constant 0 : i32
      %dma_start3A_99 = tpu.memref_slice %arg28[%mul3A_92, %dma_start3A_98] : memref<10240x128xf32, #tpu.memory_space<vmem_shared>> -> memref<640x128xf32, #tpu.memory_space<vmem_shared>>
      tpu.enqueue_dma source(%dma_start3A_99 : memref<640x128xf32, #tpu.memory_space<vmem_shared>>) target(%dma_start3A_97 : memref<640x128xf32, #tpu.memory_space<hbm>>) target_semaphore(%run_scoped3A : memref<!tpu.dma_semaphore, #tpu.memory_space<semaphore_mem>>)
      %dma_wait3A_100 = arith.constant 0 : i32
      %dma_wait3A_101 = tpu.memref_slice %arg9[%arg0, %mul3A_94, %dma_wait3A_100] : memref<2x10240x128xf32, #tpu.memory_space<hbm>> -> memref<1x640x128xf32, #tpu.memory_space<hbm>>
      %dma_wait3A_102 = tpu.memref_squeeze %dma_wait3A_101 : memref<1x640x128xf32, #tpu.memory_space<hbm>> -> memref<640x128xf32, #tpu.memory_space<hbm>>
      %dma_wait3A_103 = arith.constant 0 : i32
      %dma_wait3A_104 = tpu.memref_slice %arg28[%mul3A_92, %dma_wait3A_103] : memref<10240x128xf32, #tpu.memory_space<vmem_shared>> -> memref<640x128xf32, #tpu.memory_space<vmem_shared>>
      tpu.wait_dma2 semaphore(%run_scoped3A : memref<!tpu.dma_semaphore, #tpu.memory_space<semaphore_mem>>) src(%dma_wait3A_104 : memref<640x128xf32, #tpu.memory_space<vmem_shared>>) dst(%dma_wait3A_102 : memref<640x128xf32, #tpu.memory_space<hbm>>)
      tpu.yield
    }) : () -> ()
    "tpu.region"() ({
      %run_scoped3A = tpu.sem_alloc : memref<!tpu.dma_semaphore, #tpu.memory_space<semaphore_mem>>
      %dma_start3A_95 = arith.constant 0 : i32
      %dma_start3A_96 = tpu.memref_slice %arg27[%dma_start3A_95] : memref<10256xf32, #tpu.memory_space<vmem>> -> memref<10240xf32, #tpu.memory_space<vmem>>
      %dma_start3A_97 = arith.constant 0 : i32
      %dma_start3A_98 = tpu.memref_slice %arg10[%add3A, %dma_start3A_97] : memref<32x10240xf32, #tpu.memory_space<hbm>> -> memref<1x10240xf32, #tpu.memory_space<hbm>>
      %dma_start3A_99 = tpu.memref_squeeze %dma_start3A_98 : memref<1x10240xf32, #tpu.memory_space<hbm>> -> memref<10240xf32, #tpu.memory_space<hbm>>
      %dma_start3A_100 = arith.constant 0 : i32
      %dma_start3A_101 = tpu.memref_slice %arg10[%add3A, %dma_start3A_100] : memref<32x10240xf32, #tpu.memory_space<hbm>> -> memref<1x10240xf32, #tpu.memory_space<hbm>>
      %dma_start3A_102 = tpu.memref_squeeze %dma_start3A_101 : memref<1x10240xf32, #tpu.memory_space<hbm>> -> memref<10240xf32, #tpu.memory_space<hbm>>
      %dma_start3A_103 = arith.constant 0 : i32
      %dma_start3A_104 = tpu.memref_slice %arg27[%dma_start3A_103] : memref<10256xf32, #tpu.memory_space<vmem>> -> memref<10240xf32, #tpu.memory_space<vmem>>
      tpu.enqueue_dma source(%dma_start3A_104 : memref<10240xf32, #tpu.memory_space<vmem>>) target(%dma_start3A_102 : memref<10240xf32, #tpu.memory_space<hbm>>) target_semaphore(%run_scoped3A : memref<!tpu.dma_semaphore, #tpu.memory_space<semaphore_mem>>)
      %dma_wait3A_105 = arith.constant 0 : i32
      %dma_wait3A_106 = tpu.memref_slice %arg27[%dma_wait3A_105] : memref<10256xf32, #tpu.memory_space<vmem>> -> memref<10240xf32, #tpu.memory_space<vmem>>
      %dma_wait3A_107 = arith.constant 0 : i32
      %dma_wait3A_108 = tpu.memref_slice %arg10[%add3A, %dma_wait3A_107] : memref<32x10240xf32, #tpu.memory_space<hbm>> -> memref<1x10240xf32, #tpu.memory_space<hbm>>
      %dma_wait3A_109 = tpu.memref_squeeze %dma_wait3A_108 : memref<1x10240xf32, #tpu.memory_space<hbm>> -> memref<10240xf32, #tpu.memory_space<hbm>>
      %dma_wait3A_110 = arith.constant 0 : i32
      %dma_wait3A_111 = tpu.memref_slice %arg10[%add3A, %dma_wait3A_110] : memref<32x10240xf32, #tpu.memory_space<hbm>> -> memref<1x10240xf32, #tpu.memory_space<hbm>>
      %dma_wait3A_112 = tpu.memref_squeeze %dma_wait3A_111 : memref<1x10240xf32, #tpu.memory_space<hbm>> -> memref<10240xf32, #tpu.memory_space<hbm>>
      %dma_wait3A_113 = arith.constant 0 : i32
      %dma_wait3A_114 = tpu.memref_slice %arg27[%dma_wait3A_113] : memref<10256xf32, #tpu.memory_space<vmem>> -> memref<10240xf32, #tpu.memory_space<vmem>>
      tpu.wait_dma2 semaphore(%run_scoped3A : memref<!tpu.dma_semaphore, #tpu.memory_space<semaphore_mem>>) src(%dma_wait3A_114 : memref<10240xf32, #tpu.memory_space<vmem>>) dst(%dma_wait3A_112 : memref<10240xf32, #tpu.memory_space<hbm>>)
      tpu.yield
    }) : () -> ()
    return
  }
}

module attributes {stable_mosaic.version = 14 : i64} {
  func.func @_proj_body(%arg0: i32, %arg1: memref<400x128xf32, #tpu.memory_space<vmem>>, %arg2: memref<128x128xf32, #tpu.memory_space<vmem>>, %arg3: memref<128x128xf32, #tpu.memory_space<vmem>>, %arg4: memref<400x128xf32, #tpu.memory_space<vmem>>, %arg5: memref<400x128xf32, #tpu.memory_space<vmem>>) attributes {dimension_semantics = [#tpu.dimension_semantics<arbitrary>], iteration_bounds = array<i64: 25>, scalar_prefetch = 0 : i64, scratch_operands = 0 : i64, tpu.core_type = #tpu.core_type<tc>, window_params = [{transform_indices = @transform_0, window_bounds = array<i64: 400, 128>}, {pipeline_mode = #tpu.pipeline_mode<synchronous>, transform_indices = @transform_1, window_bounds = array<i64: 128, 128>}, {pipeline_mode = #tpu.pipeline_mode<synchronous>, transform_indices = @transform_2, window_bounds = array<i64: 128, 128>}, {transform_indices = @transform_3, window_bounds = array<i64: 400, 128>}, {transform_indices = @transform_4, window_bounds = array<i64: 400, 128>}]} {
    %get3A = arith.constant 0 : index
    %get3A_0 = arith.constant 0 : index
    %get3A_1 = vector.load %arg1[%get3A, %get3A_0] : memref<400x128xf32, #tpu.memory_space<vmem>>, vector<400x128xf32>
    %get3A_2 = arith.constant 0 : index
    %get3A_3 = arith.constant 0 : index
    %get3A_4 = vector.load %arg2[%get3A_2, %get3A_3] : memref<128x128xf32, #tpu.memory_space<vmem>>, vector<128x128xf32>
    %dot_general3A = arith.constant dense<0.000000e+00> : vector<400x128xf32>
    %dot_general3A_5 = tpu.matmul %get3A_1, %get3A_4, %dot_general3A {dimension_numbers = #tpu.dot_dimension_numbers<[1], [1], [0], [0], [0, 0, 1, 0], [], []>, transpose_lhs_hint = false} : vector<400x128xf32>, vector<128x128xf32>, vector<400x128xf32> -> vector<400x128xf32>
    %swap3A = arith.constant 0 : index
    %swap3A_6 = arith.constant 0 : index
    %swap3A_7 = vector.load %arg4[%swap3A, %swap3A_6] : memref<400x128xf32, #tpu.memory_space<vmem>>, vector<400x128xf32>
    tpu.vector_store %arg4[%swap3A, %swap3A_6], %dot_general3A_5 {strides = array<i32>} : memref<400x128xf32, #tpu.memory_space<vmem>>, vector<400x128xf32>,
    %get3A_8 = arith.constant 0 : index
    %get3A_9 = arith.constant 0 : index
    %get3A_10 = vector.load %arg3[%get3A_8, %get3A_9] : memref<128x128xf32, #tpu.memory_space<vmem>>, vector<128x128xf32>
    %dot_general3A_11 = arith.constant dense<0.000000e+00> : vector<400x128xf32>
    %dot_general3A_12 = tpu.matmul %get3A_1, %get3A_10, %dot_general3A_11 {dimension_numbers = #tpu.dot_dimension_numbers<[1], [1], [0], [0], [0, 0, 1, 0], [], []>, transpose_lhs_hint = false} : vector<400x128xf32>, vector<128x128xf32>, vector<400x128xf32> -> vector<400x128xf32>
    %swap3A_13 = arith.constant 0 : index
    %swap3A_14 = arith.constant 0 : index
    %swap3A_15 = vector.load %arg5[%swap3A_13, %swap3A_14] : memref<400x128xf32, #tpu.memory_space<vmem>>, vector<400x128xf32>
    tpu.vector_store %arg5[%swap3A_13, %swap3A_14], %dot_general3A_12 {strides = array<i32>} : memref<400x128xf32, #tpu.memory_space<vmem>>, vector<400x128xf32>,
    return
  }
  func.func @transform_0(%arg0: i32) -> (i32, i32) {
    %c0_i32 = arith.constant 0 : i32
    %c0_i32_0 = arith.constant 0 : i32
    return %arg0, %c0_i32 : i32, i32
  }
  func.func @transform_1(%arg0: i32) -> (i32, i32) {
    %c0_i32 = arith.constant 0 : i32
    %c0_i32_0 = arith.constant 0 : i32
    %c0_i32_1 = arith.constant 0 : i32
    return %c0_i32, %c0_i32_0 : i32, i32
  }
  func.func @transform_2(%arg0: i32) -> (i32, i32) {
    %c0_i32 = arith.constant 0 : i32
    %c0_i32_0 = arith.constant 0 : i32
    %c0_i32_1 = arith.constant 0 : i32
    return %c0_i32, %c0_i32_0 : i32, i32
  }
  func.func @transform_3(%arg0: i32) -> (i32, i32) {
    %c0_i32 = arith.constant 0 : i32
    %c0_i32_0 = arith.constant 0 : i32
    return %arg0, %c0_i32 : i32, i32
  }
  func.func @transform_4(%arg0: i32) -> (i32, i32) {
    %c0_i32 = arith.constant 0 : i32
    %c0_i32_0 = arith.constant 0 : i32
    return %arg0, %c0_i32 : i32, i32
  }
}

module attributes {stable_mosaic.version = 14 : i64} {
  func.func @_norm_body(%arg0: i32, %arg1: memref<2x400x128xf32, #tpu.memory_space<vmem>>, %arg2: memref<32x400x1xf32, #tpu.memory_space<vmem>>, %arg3: memref<400x128xf32, #tpu.memory_space<vmem>>) attributes {dimension_semantics = [#tpu.dimension_semantics<arbitrary>], iteration_bounds = array<i64: 25>, scalar_prefetch = 0 : i64, scratch_operands = 0 : i64, tpu.core_type = #tpu.core_type<tc>, window_params = [{transform_indices = @transform_0, window_bounds = array<i64: 2, 400, 128>}, {transform_indices = @transform_1, window_bounds = array<i64: 32, 400, 1>}, {transform_indices = @transform_2, window_bounds = array<i64: 400, 128>}]} {
    %get3A = arith.constant 0 : index
    %get3A_0 = arith.constant 0 : index
    %get3A_1 = arith.constant 0 : index
    %get3A_2 = vector.load %arg1[%get3A, %get3A_0, %get3A_1] : memref<2x400x128xf32, #tpu.memory_space<vmem>>, vector<2x400x128xf32>
    %slice3A = vector.extract_strided_slice %get3A_2 {offsets = [0, 0, 0], sizes = [1, 400, 128], strides = [1, 1, 1]} : vector<2x400x128xf32> to vector<1x400x128xf32>
    %squeeze3A = vector.shape_cast %slice3A : vector<1x400x128xf32> to vector<400x128xf32>
    %slice3A_3 = vector.extract_strided_slice %get3A_2 {offsets = [1, 0, 0], sizes = [1, 400, 128], strides = [1, 1, 1]} : vector<2x400x128xf32> to vector<1x400x128xf32>
    %squeeze3A_4 = vector.shape_cast %slice3A_3 : vector<1x400x128xf32> to vector<400x128xf32>
    %add3A = arith.addf %squeeze3A, %squeeze3A_4 : vector<400x128xf32>
    %get3A_5 = arith.constant 0 : index
    %get3A_6 = arith.constant 0 : index
    %get3A_7 = arith.constant 0 : index
    %get3A_8 = vector.load %arg2[%get3A_5, %get3A_6, %get3A_7] : memref<32x400x1xf32, #tpu.memory_space<vmem>>, vector<32x400x1xf32>
    %reduce_sum3A = arith.constant dense<0.000000e+00> : vector<400x1xf32>
    %reduce_sum3A_9 = vector.multi_reduction <add>, %get3A_8, %reduce_sum3A [0] : vector<32x400x1xf32> to vector<400x1xf32>
    %gt3A = arith.constant 0.000000e+00 : f32
    %gt3A_10 = vector.broadcast %gt3A : f32 to vector<400x1xf32>
    %gt3A_11 = arith.cmpf ogt, %reduce_sum3A_9, %gt3A_10 : vector<400x1xf32>
    %div3A = vector.broadcast %reduce_sum3A_9 : vector<400x1xf32> to vector<400x128xf32>
    %div3A_12 = arith.divf %add3A, %div3A : vector<400x128xf32>
    %jit3A = arith.constant 0.000000e+00 : f32
    %broadcast_in_dim3A = vector.shape_cast %gt3A_11 : vector<400x1xi1> to vector<400x1xi1>
    %broadcast_in_dim3A_13 = vector.broadcast %broadcast_in_dim3A : vector<400x1xi1> to vector<400x128xi1>
    %broadcast_in_dim3A_14 = vector.broadcast %jit3A : f32 to vector<400x128xf32>
    %select_n3A = arith.select %broadcast_in_dim3A_13, %div3A_12, %broadcast_in_dim3A_14 : vector<400x128xi1>, vector<400x128xf32>
    %swap3A = arith.constant 0 : index
    %swap3A_15 = arith.constant 0 : index
    %swap3A_16 = vector.load %arg3[%swap3A, %swap3A_15] : memref<400x128xf32, #tpu.memory_space<vmem>>, vector<400x128xf32>
    tpu.vector_store %arg3[%swap3A, %swap3A_15], %select_n3A {strides = array<i32>} : memref<400x128xf32, #tpu.memory_space<vmem>>, vector<400x128xf32>,
    return
  }
  func.func @transform_0(%arg0: i32) -> (i32, i32, i32) {
    %c0_i32 = arith.constant 0 : i32
    %c0_i32_0 = arith.constant 0 : i32
    %c0_i32_1 = arith.constant 0 : i32
    return %c0_i32, %arg0, %c0_i32_0 : i32, i32, i32
  }
  func.func @transform_1(%arg0: i32) -> (i32, i32, i32) {
    %c0_i32 = arith.constant 0 : i32
    %c0_i32_0 = arith.constant 0 : i32
    %c0_i32_1 = arith.constant 0 : i32
    return %c0_i32, %arg0, %c0_i32_0 : i32, i32, i32
  }
  func.func @transform_2(%arg0: i32) -> (i32, i32) {
    %c0_i32 = arith.constant 0 : i32
    %c0_i32_0 = arith.constant 0 : i32
    return %arg0, %c0_i32 : i32, i32
  }
}

</mosaic_0001>

<sc_bundles>
// kernel: kernel.5.cloned.1.call-start
scs
__scs_entry_jumppad:
0x0: {  	(pc) =	sbr.rel $0x88, $3  }
0x1: {  	(tag) =	ssettag $0x0;
	lr =	simm.s32 $0x1  }
0x2: {  	[smem:$0x3F9B] =	sst lr;
	_ =	strace $0xD0000000  }
0x3: {  	_ = 	snop  }
0x4: {  	_ = 	snop  }
0x5: {  	_ = 	snop  }
0x6: {  	_ = 	snop  }
0x7: {  	_ = 	snop  }
__scs_overlays_trampoline_lowered:
0x8: {  	[smem:$0x3FAA] =	sst s0  }
0x9: {  	[smem:$0x3FAB] =	sst s1  }
0xa: {  	[smem:$0x3FAC] =	sst s2  }
0xb: {  	[smem:$0x3FAD] =	sst s3  }
0xc: {  	[smem:$0x3FAE] =	sst s4  }
0xd: {  	[smem:$0x3FAF] =	sst s5  }
0xe: {  	[smem:$0x3FB0] =	sst s6  }
0xf: {  	[smem:$0x3FB1] =	sst s7  }
0x10: {  	[smem:$0x3FB2] =	sst s8  }
0x11: {  	[smem:$0x3FB3] =	sst s9;
	s0 =	simm.s32 @!p0 $0x0  }
0x12: {  	s1 =	sld [smem:$0x3F99];
	s0 =	simm.s32 @p0 $0x1  }
0x13: {  	[smem:$0x3FB4] =	sst s0;
	s0 =	simm.s32 @!p1 $0x0  }
0x14: {  	s2 =	sld [smem:$0x3F98];
	s0 =	simm.s32 @p1 $0x1  }
0x15: {  	[smem:$0x3FB5] =	sst s0;
	s0 =	simm.s32 @!p2 $0x0  }
0x16: {  	s3 =	sld [smem:$0x3FDB];
	s0 =	simm.s32 @p2 $0x1  }
0x17: {  	s4 =	simm.s32 $0x1BF5;
	[smem:$0x3FB7] =	sst s0  }
0x18: {  	s0 =	sld [smem:$0x3F9A];
	_ =	swait.ge [sflag:s4], $0x0  }
0x19: {  	s7 =	sld [smem:$0x3F9B]  }
0x1a: {  	s8 =	sadd.s32 $0xFFFFE003, lr  }
0x1b: {  	s9 =	sadd.s32 $0xFFFFFEF7, lr;
	s5 =	simm.s32 $0xFFFFFFFF;
	p2 =	slt.u32 s8, $0xFFFFF086  }
0x1c: {  	p1 =	slt.u32 s9, $0xF7A;
	s5 =	simm.s32 @!p2 $0x0  }
0x1d: {  	s5 =	simm.s32 @p1 $0x1;
	p0 =	seq.s32 s7, s2  }
0x1e: {  	s7 =	smul.u32 @!p0 $0xF7A, s2;
	p2 =	seq.s32 @!p0 s5, $0x0  }
0x1f: {  	s9 =	smul.u32 $0xF7A, s1;
	s8 =	simm.s32 @!p0 $0x1BF5;
	p2 =	por !p2, p0  }
0x20: {  	[sflag:s8] =	ssyncset.s32 @!p0 $0xFFFFF086;
	s6 =	sadd.s32 @!p0 s3, s7;
	s7 =	simm.s32 @!p0 $0x108  }
0x21: {  	s3 =	sadd.s32 s3, s9;
	s6 =	sadd.s32 @!p0 $0x88, s6;
	s7 =	simm.s32 @p2 $0x1082  }
0x22: {  	[simem:s7], [sflag:s8] =	dma.local @!p0 [hbm:s6], $0xF7A  }
0x23: {  	s9 =	sor.u32 $0xD0000000, s2;
	s6 =	simm.s32 $0x108;
	_ =	swait.ge @!p0 [sflag:s8], $0x0  }
0x24: {  	s3 =	sadd.s32 $0x88, s3;
	s6 =	simm.s32 @!p1 $0x1082;
	[sflag:s4] =	ssyncset.s32 $0xFFFFF086  }
0x25: {  	[simem:s6], [sflag:s4] =	dma.local [hbm:s3], $0xF7A  }
0x26: {  	[smem:$0x3F9B] =	sst s1;
	(tag) =	ssettag s2;
	_ =	strace s9  }
0x27: {  	s1 =	sld [smem:$0x3FAB]  }
0x28: {  	s2 =	sld [smem:$0x3FAC]  }
0x29: {  	s4 =	sld [smem:$0x3FAE]  }
0x2a: {  	p0 =	seq.s32 s5, $0x0;
	s5 =	sld [smem:$0x3FAF]  }
0x2b: {  	s6 =	sld [smem:$0x3FB0]  }
0x2c: {  	s7 =	sld [smem:$0x3FB1]  }
0x2d: {  	s3 =	simm.s32 $0x108;
	s8 =	sld [smem:$0x3FB2]  }
0x2e: {  	s3 =	simm.s32 @!p0 $0x1082;
	s9 =	sld [smem:$0x3FB3]  }
0x2f: {  	lr =	sadd.s32 s0, s3;
	s0 =	sld [smem:$0x3FAA]  }
0x30: {  	s3 =	sld [smem:$0x3FAD]  }
0x31: {  	[smem:$0x3FB6] =	sst s10  }
0x32: {  	s10 =	sld [smem:$0x3FB4];
	_ =	sdelay $0x3  }
0x33: {  	p0 =	seq.s32 s10, $0x1;
	s10 =	sld [smem:$0x3FB6];
	_ =	sdelay $0x3  }
0x34: {  	[smem:$0x3FB6] =	sst s10  }
0x35: {  	s10 =	sld [smem:$0x3FB5];
	_ =	sdelay $0x3  }
0x36: {  	p1 =	seq.s32 s10, $0x1;
	s10 =	sld [smem:$0x3FB6];
	_ =	sdelay $0x3  }
0x37: {  	[smem:$0x3FB6] =	sst s10  }
0x38: {  	s10 =	sld [smem:$0x3FB7]  }
0x39: {  	_ = 	snop;
	(pc) =	sbr.ind lr, $3  }
0x3a: {  	_ = 	snop  }
0x3b: {  	_ = 	snop  }
0x3c: {  	p2 =	seq.s32 s10, $0x1;
	s10 =	sld [smem:$0x3FB6]  }
0x3d: {  	_ =	shalt  }
0x3e: {  	_ =	shalt  }
0x3f: {  	_ =	shalt  }
0x40: {  	_ =	shalt  }
0x41: {  	_ =	shalt  }
0x42: {  	_ =	shalt  }
0x43: {  	_ =	shalt  }
0x44: {  	_ =	shalt  }
0x45: {  	_ =	shalt  }
0x46: {  	_ =	shalt  }
0x47: {  	_ =	shalt  }
0x48: {  	_ =	shalt  }
0x49: {  	_ =	shalt  }
0x4a: {  	_ =	shalt  }
0x4b: {  	_ =	shalt  }
0x4c: {  	_ =	shalt  }
0x4d: {  	_ =	shalt  }
0x4e: {  	_ =	shalt  }
0x4f: {  	_ =	shalt  }
0x50: {  	_ =	shalt  }
0x51: {  	_ =	shalt  }
0x52: {  	_ =	shalt  }
0x53: {  	_ =	shalt  }
0x54: {  	_ =	shalt  }
0x55: {  	_ =	shalt  }
0x56: {  	_ =	shalt  }
0x57: {  	_ =	shalt  }
0x58: {  	_ =	shalt  }
0x59: {  	_ =	shalt  }
0x5a: {  	_ =	shalt  }
0x5b: {  	_ =	shalt  }
0x5c: {  	_ =	shalt  }
0x5d: {  	_ =	shalt  }
0x5e: {  	_ =	shalt  }
0x5f: {  	_ =	shalt  }
0x60: {  	_ =	shalt  }
0x61: {  	_ =	shalt  }
0x62: {  	_ =	shalt  }
0x63: {  	_ =	shalt  }
0x64: {  	_ =	shalt  }
0x65: {  	_ =	shalt  }
0x66: {  	_ =	shalt  }
0x67: {  	_ =	shalt  }
0x68: {  	_ =	shalt  }
0x69: {  	_ =	shalt  }
0x6a: {  	_ =	shalt  }
0x6b: {  	_ =	shalt  }
0x6c: {  	_ =	shalt  }
0x6d: {  	_ =	shalt  }
0x6e: {  	_ =	shalt  }
0x6f: {  	_ =	shalt  }
0x70: {  	_ =	shalt  }
0x71: {  	_ =	shalt  }
0x72: {  	_ =	shalt  }
0x73: {  	_ =	shalt  }
0x74: {  	_ =	shalt  }
0x75: {  	_ =	shalt  }
0x76: {  	_ =	shalt  }
0x77: {  	_ =	shalt  }
0x78: {  	_ =	shalt  }
0x79: {  	_ =	shalt  }
0x7a: {  	_ =	shalt  }
0x7b: {  	_ =	shalt  }
0x7c: {  	_ =	shalt  }
0x7d: {  	_ =	shalt  }
0x7e: {  	_ =	shalt  }
0x7f: {  	_ =	shalt  }
0x80: {  	_ =	shalt  }
0x81: {  	_ =	shalt  }
0x82: {  	_ =	shalt  }
0x83: {  	_ =	shalt  }
0x84: {  	_ =	shalt  }
0x85: {  	_ =	shalt  }
0x86: {  	_ =	shalt  }
0x87: {  	_ =	shalt  }
.Lfunc_end0:
.L_simem_size_0:
called_computation_lowered:
.L_overlay_start_0:
0x88: {  	s2 =	sld [smem:$0x3FD9]  }
0x89: {  	s3 =	sld [smem:$0x3FFE];
	_ =	sdelay $0x1  }
0x8a: {  	s1 =	srdreg.scid  }
0x8b: {  	s0 =	sand.u32 $0x1, s1  }
0x8c: {  	s17 =	sshll.u32 s0, $0xA;
	s2 =	sadd.s32 s3, s2  }
0x8d: {  	s2 =	sadd.s32 s2, s17  }
0x8e: {  	[smem:$0x3FC2] =	sst s2  }
0x8f: {  	_ = 	snop  }
0x90: {  	s2 =	sld [smem:$0x3FC8]  }
0x91: {  	s18 =	sld [smem:$0x3FC4]  }
0x92: {  	s4 =	sld [smem:$0x3FD0];
	(tm) =	ssettm $0x1  }
0x93: {  	s5 =	sld [smem:$0x3FFB];
	_ =	sdelay $0x3  }
0x94: {  	_ =	strace s5  }
0x95: {  	s5 =	sld [smem:$0x3FFC];
	_ =	sdelay $0x3  }
0x96: {  	_ =	strace s5  }
0x97: {  	s5 =	sld [smem:$0x3FFD];
	_ =	sdelay $0x3  }
0x98: {  	_ =	strace s5  }
0x99: {  	_ =	strace $0x8FFFFFFF  }
0x9a: {  	s19 =	sld [smem:$0x3FDB];
	_ =	sdelay $0x1  }
0x9b: {  	s6 =	simm.s32 $_scs_section_size  }
0x9c: {  	s7 =	simm.s32 $_size__tile_overlayer_lowered;
	s8 =	simm.s32 $_tile_overlayer_lowered  }
0x9d: {  	s22 =	simm.s32 $0x1BFF;
	s21 =	sshll.u32 s8, $0x1;
	s5 =	sadd.s32 s6, s19  }
0x9e: {  	s9 =	simm.s32 $0x0;
	s20 =	sshll.u32 s7, $0x1;
	s7 =	sadd.s32 s21, s5  }
0x9f: {  	[timem:s9], [sflag:s22] =	dma.local [hbm:s7], s20  }
0xa0: {  	_ =	swait.ge [sflag:s22], s20  }
0xa1: {  	s6 =	ssub.s32 $0x0, s20;
	[sflag:s22] =	ssyncset.done $0x0  }
0xa2: {  	[sflag:s22] =	ssyncadd.s32 s6;
	_ =	sdelay $0x1  }
0xa3: {  	s23 =	simm.s32 $0x1B8B  }
0xa4: {  	_ =	swait.ge [sflag:s23], $0x1  }
0xa5: {  	[sflag:s23] =	ssyncset.done $0x0  }
0xa6: {  	s25 =	simm.s32 $0x1B8E;
	s24 =	sld [smem:$0x3FFE];
	[sflag:s23] =	ssyncadd.s32 $0xFFFFFFFF  }
0xa7: {  	s26 =	simm.s32 $execute0_lowered;
	[smem:$0x3FD2] =	sst s25  }
0xa8: {  	s7 =	sshll.u32 s26, $0x1;
	_ =	strace $0x80000046;
	[dreg:$0x1] =	wrdreg $0xFFFFFFFF  }
0xa9: {  	s28 =	simm.s32 $_size_execute0_lowered;
	s5 =	sadd.s32 s5, s7;
	[dreg:$0x0] =	wrdreg $0x0  }
0xaa: {  	s7 =	sshll.u32 s28, $0x1;
	[dreg:$0x2] =	wrdreg s5  }
0xab: {  	[dreg:$0x3] =	wrdreg s7  }
0xac: {  	[dreg:$0x4] =	wrdreg $0xC0  }
0xad: {  	_ =	task [dreg:s9], $0x5FFFF  }
0xae: {  	[dreg:$0x1] =	wrdreg $0xFFFFFFFF  }
0xaf: {  	[dreg:$0x0] =	wrdreg $0x60  }
0xb0: {  	[dreg:$0x2] =	wrdreg s4  }
0xb1: {  	[dreg:$0x3] =	wrdreg s24  }
0xb2: {  	[dreg:$0x4] =	wrdreg s2  }
0xb3: {  	[dreg:$0x5] =	wrdreg s18  }
0xb4: {  	[dreg:$0x6] =	wrdreg $0xA7800  }
0xb5: {  	[dreg:$0x7] =	wrdreg $0x9  }
0xb6: {  	_ =	task.clear_ibuf [dreg:s9], $0x8FFFF;
	_ =	strace $0x90000046  }
0xb7: {  	s29 =	simm.s32 $0x9;
	_ =	strace $0x80000048  }
0xb8: {  	_ =	swait.ge [sflag:s29], $0x1  }
0xb9: {  	[sflag:s29] =	ssyncadd.s32 $0xFFFFFFFF  }
0xba: {  	_ =	strace $0x90000048  }
0xbb: {  	_ =	sfence  }
0xbc: {  	s30 =	sld [smem:$0x0];
	_ =	sdelay $0x2  }
0xbd: {  	s31 =	sshll.u32 s1, $0xD;
	s1 =	sshrl.u32 s1, $0x2  }
0xbe: {  	s3 =	sand.u32 $0x4000, s31;
	s1 =	sadd.s32 s1, s30  }
0xbf: {  	s0 =	sor.u32 s3, s0;
	s1 =	sshll.u32 s1, $0x11  }
0xc0: {  	s0 =	sor.u32 s1, s0  }
0xc1: {  	s0 =	sadd.s32 $0x8F2B, s0  }
0xc2: {  	[sflag:s0] =	ssyncadd.remote.s32 $0x1  }
0xc3: {  	_ =	sfence.sel $0xFFFF  }
0xc4: {  	[dreg:$0x0] =	wrdreg $0xFFFFFFFF;
	(pc) =	sbr.abs _section_cstart, $3  }
0xc5: {  	[dreg:$0x1] =	wrdreg $0xFFFFFFFF  }
0xc6: {  	_ =	task.clear_ibuf [dreg:s9], $0x2FFFF;
	_ =	strace $0x9FFFFFFF  }
0xc7: {  	(tm) =	ssettm $0x7FFFFFFF  }
tec
execute0_lowered:
.L_overlay_start_1:
0x0: {  	(tag) =	ssettag $0x1  }
0x1: {  	s1 =	rddreg [dreg:$0x0]  }
0x2: {  	s0 =	rddreg [dreg:$0x1]  }
0x3: {  	s2 =	rddreg [dreg:$0x2]  }
0x4: {  	s4 =	rddreg [dreg:$0x4]  }
0x5: {  	s5 =	simm.s32 $0x0;
	s15 =	stileid.u32;
	s3 =	srdreg.scid  }
0x6: {  	s29 =	simm.s32 $0x28;
	[smem:$0x7FF] =	sst s5;
	s7 =	sadd.s32 $0x14A00, s0  }
0x7: {  	s8 =	sadd.s32 $0xAC00, s0;
	s6 =	smul.u32 $0x14000, s15;
	s3 =	sand.u32 $0x1, s3  }
0x8: {  	s9 =	sshll.u32 s15, $0x1;
	s12 =	sshrl.u32 s15, $0x2;
	s20 =	sshll.u32 s15, $0x6  }
0x9: {  	_ =	strace $0x80000047;
	s10 =	smul.u32 $0x140000, s3;
	s11 =	sor.u32 s3, s9  }
0xa: {  	s9 =	sadd.s32 $0xE00, s0;
	s12 =	smul.u32 $0x14000, s12;
	s3 =	ssub.s32 $0x2, s3  }
0xb: {  	s13 =	sshll.u32 s11, $0x7;
	s14 =	sshrl.u32 s6, $0x3;
	s16 =	sshrl.u32 s3, $0x1  }
0xc: {  	s17 =	smul.u32 $0x2710, s11;
	s6 =	sadd.s32 s6, s10;
	s30 =	sand.u32 $0x380, s13  }
0xd: {  	s31 =	sadd.s32 s14, s0;
	s14 =	smul.u32 $0x50000, s15;
	s3 =	ssub.s32 s3, s16  }
0xe: {  	s15 =	simm.s32 $0x9;
	s13 =	simm.s32 $0x2;
	s16 =	simm.s32 $0x3  }
0xf: {  	v0 =	vimm.s32 $0xFEDCBA98;
	s6 =	sshrl.u32 s6, $0x3;
	s10 =	sor.u32 s12, s30;
	s19 =	sadd.s32 $0x3BC00, s31  }
0x10: {  	v1 =	vimm.s32 $0x76543210;
	v2 =	vimm.s32 $0xBA98FEDC;
	s21 =	sshrl.u32 s17, $0x3;
	s22 =	sadd.s32 $0x28, s17;
	s28 =	sadd.s32 $0x78, s17  }
0x11: {  	v3 =	vimm.s32 $0x32107654;
	v4 =	vimm.s32 $0xDCFE98BA;
	v5 =	vimm.s32 $0x54761032;
	s31 =	smax.u32 s3, $0x1;
	s3 =	simm.s32 $0x0;
	[dreg:$0x7] =	wrdreg s19  }
0x12: {  	v6 =	vimm.s32 $0xEFCDAB89;
	v7 =	vimm.s32 $0x67452301;
	v0 =	vunpack.c.l.s4.s8 v0;
	s10 =	sshrl.u32 s10, $0x3;
	s6 =	sadd.s32 s6, s0;
	[dreg:$0xf] =	wrdreg s28  }
0x13: {  	v1 =	vunpack.c.l.s4.s8 v1;
	v2 =	vunpack.c.l.s4.s8 v2;
	v3 =	vunpack.c.l.s4.s8 v3;
	s18 =	sshrl.u32 s14, $0x2;
	s23 =	sadd.s32 s8, s21;
	[dreg:$0x12] =	wrdreg s31  }
0x14: {  	v4 =	vunpack.c.l.s4.s8 v4;
	v5 =	vunpack.c.l.s4.s8 v5;
	v6 =	vunpack.c.l.s4.s8 v6;
	s14 =	sor.u32 $0x1C09, s20;
	s24 =	sadd.s32 s9, s21;
	[dreg:$0x9] =	wrdreg s23  }
0x15: {  	v7 =	vunpack.c.l.s4.s8 v7;
	v2 =	vunpack.c.0.s8.s32 v2;
	v3 =	vunpack.c.0.s8.s32 v3;
	s12 =	sshrl.u32 s22, $0x3;
	s20 =	smov.u32 s2;
	[dreg:$0xa] =	wrdreg s24  }
0x16: {  	v0 =	vunpack.c.0.s8.s32 v0;
	v4 =	vunpack.c.0.s8.s32 v4;
	v5 =	vunpack.c.0.s8.s32 v5;
	s19 =	sadd.s32 $0x50, s17;
	s11 =	sadd.s32 s18, s4;
	[dreg:$0x8] =	wrdreg s14  }
0x17: {  	v6 =	vunpack.c.0.s8.s32 v6;
	v1 =	vunpack.c.0.s8.s32 v1;
	v2 =	vcombine.low v3, v2;
	s17 =	simm.s32 $0x4;
	s25 =	sadd.s32 s8, s12;
	[dreg:$0x6] =	wrdreg s11  }
0x18: {  	v7 =	vunpack.c.0.s8.s32 v7;
	v3 =	vcombine.low v5, v4;
	v4 =	vand.u32 $0xF, v0;
	s22 =	simm.s32 $0x5;
	s26 =	sadd.s32 s9, s12;
	[dreg:$0xc] =	wrdreg s25  }
.Ltmp0:
0x19: {  	v13 =	vcombine.low v4, v1;
	s30 =	sadd.s32 $0x6DC00, s6;
	v4 =	vand.u32 $0xF, v2;
	[dreg:$0xd] =	wrdreg s26;
	(pc) =	sbr.rel .LBB2_1-.Ltmp0, $4  }
0x1a: {  	v5 =	vcombine.low v7, v6;
	s0 =	sadd.s32 s10, s0;
	s11 =	sadd.s32 s2, s21;
	[dreg:$0x10] =	wrdreg s30;
	[tilespmem:$0x1FFC0] =	vst v4  }
0x1b: {  	s6 =	simm.s32 $0x200;
	v11 =	vand.u32 $0xF, v3;
	s2 =	sadd.s32 s2, s12;
	[tilespmem:$0x1FFD0] =	vst v13;
	[dreg:$0xb] =	wrdreg s11  }
0x1c: {  	v12 =	vand.u32 $0xF, v5;
	s0 =	sadd.s32 $0x63C00, s0;
	s25 =	simm.s32 $0x6;
	[tilespmem:$0x1FFE0] =	vst v11;
	[dreg:$0xe] =	wrdreg s2  }
0x1d: {  	vm0 =	vcmask $0x300;
	v6 =	vimm.f32 $0.0e+00;
	[tilespmem:$0x1FFF0] =	vst v12;
	[dreg:$0x11] =	wrdreg s0;
	s0 =	simm.s32 $0x180;
	s11 =	simm.s32 $0x1  }
.LBB2_21:
0x1e: {  	s2 =	simm.s32 $0x7  }
0x1f: {  	_ =	swait.ge [sflag:s2], $0x1400  }
0x20: {  	[sflag:s2] =	ssyncset.done $0x0  }
0x21: {  	s23 =	simm.s32 $0x8;
	[sflag:s2] =	ssyncadd.s32 $0xFFFFEC00  }
0x22: {  	_ =	swait.ge [sflag:s23], $0x1400  }
0x23: {  	[sflag:s23] =	ssyncset.done $0x0  }
0x24: {  	[sflag:s23] =	ssyncadd.s32 $0xFFFFEC00  }
0x25: {  	[bflag:$0x0] =	sbarrier.arrive $0xFFFF  }
0x26: {  	s14 =	rddreg [dreg:$0x8]  }
0x27: {  	s24 =	rddreg [dreg:$0x10]  }
0x28: {  	s15 =	simm.s32 $0x9;
	s3 =	rddreg [dreg:$0x14]  }
0x29: {  	[hbm:s24], [sflag:s14] =	dma.local [spmem:s3], $0x2800  }
0x2a: {  	_ =	swait.ge [sflag:s15], $0x2800  }
0x2b: {  	s28 =	simm.s32 $0x80;
	s10 =	simm.s32 $0x400;
	[sflag:s15] =	ssyncset.done $0x0  }
0x2c: {  	s12 =	simm.s32 $0x7F00;
	s26 =	rddreg [dreg:$0x11];
	[sflag:s15] =	ssyncadd.s32 $0xFFFFD800  }
0x2d: {  	[hbm4b:s26+s28] =	stream.strided.scatter [tilespmem:s12], [sflag:$0x9], $0x2800, s10, s28, $0x38;
	[tilespmem:$0x1E780] =	vst v63  }
0x2e: {  	_ =	swait.ge [sflag:s15], $0x2800  }
0x2f: {  	s30 =	rddreg [dreg:$0x13]  }
0x30: {  	s31 =	rddreg [dreg:$0x12];
	s3 =	sadd.s32 $0x1, s30  }
0x31: {  	p0 =	sne.s32 s3, s31  }
.Ltmp1:
0x32: {  	_ = 	snop;
	(pc) =	sbr.rel @!p0 .LBB2_22-.Ltmp1, $3  }
0x33: {  	_ =	sdelay $0x1  }
0x34: {  	[sflag:s15] =	ssyncset.done $0x0  }
0x35: {  	[sflag:s15] =	ssyncadd.s32 $0xFFFFD800  }
.LBB2_1:
0x36: {  	[dreg:$0x13] =	wrdreg s3  }
0x37: {  	s2 =	rddreg [dreg:$0x6]  }
0x38: {  	s28 =	rddreg [dreg:$0x7];
	s26 =	sshrl.u32 s2, $0x3  }
0x39: {  	[dreg:$0x14] =	wrdreg s26  }
0x3a: {  	[spmem:s26], [sflag:s14] =	dma.local [hbm:s28], $0x2800  }
0x3b: {  	_ =	swait.ge [sflag:s15], $0x2800  }
0x3c: {  	[sflag:s15] =	ssyncset.done $0x0  }
0x3d: {  	[sflag:s15] =	ssyncadd.s32 $0xFFFFD800  }
0x3e: {  	s31 =	simm.s32 $0x7E80;
	s30 =	rddreg [dreg:$0x3]  }
0x3f: {  	[tilespmem:s31], [sflag:$0x9] =	stream.linear.gather [hbm4b:s30+s5], $0x80, $0x38;
	[tilespmem:$0x1E780] =	vst v63  }
0x40: {  	_ =	swait.ge [sflag:s15], $0x80  }
0x41: {  	[sflag:s15] =	ssyncset.done $0x0  }
0x42: {  	s3 =	simm.s32 $0x40;
	s10 =	simm.s32 $0x0;
	[sflag:s15] =	ssyncadd.s32 $0xFFFFFF80  }
.LBB2_2:
0x43: {  	p0 =	sne.s32 s3, $0xA000;
	[tilespmem:s10+$0x7F00] =	vst v6;
	s10 =	smov.u32 s3;
	s3 =	sadd.s32 $0x40, s3  }
.Ltmp2:
0x44: {  	(pc) =	sbr.rel @p0 .LBB2_2-.Ltmp2, $2  }
0x45: {  	_ =	sdelay $0x2  }
0x46: {  	s10 =	sshra.s32 s10, $0x2  }
0x47: {  	[tilespmem:s10+$0x7F00] =	vst v6  }
0x48: {  	[bflag:$0x0] =	sbarrier.arrive $0xFFFF  }
0x49: {  	v60 =	vld [tilespmem:$0x7E80]  }
0x4a: {  	v62 =	vld [tilespmem:$0x7E90]  }
0x4b: {  	v63 =	vld [tilespmem:$0x7EA0]  }
0x4c: {  	v3 =	vld [tilespmem:$0x7EB0]  }
0x4d: {  	v5 =	vld [tilespmem:$0x7EC0]  }
0x4e: {  	v7 =	vld [tilespmem:$0x7ED0]  }
0x4f: {  	s12 =	simm.s32 $0x0;
	v9 =	vld [tilespmem:$0x7EE0];
	s2 =	rddreg [dreg:$0x9]  }
0x50: {  	v46 =	vld [tilespmem:$0x7EF0];
	[tilespmem:s12], [sflag:$0x9] =	stream.linear.gather [hbm4b:s2+s12], $0x28, $0x38  }
0x51: {  	_ =	swait.ge [sflag:s15], $0x28  }
0x52: {  	[sflag:s15] =	ssyncset.done $0x0  }
0x53: {  	s3 =	simm.s32 $0x80;
	s14 =	rddreg [dreg:$0xa];
	[sflag:s15] =	ssyncadd.s32 $0xFFFFFFD8  }
0x54: {  	[tilespmem:s3], [sflag:$0x9] =	stream.linear.gather [hbm4b:s14+s12], $0x28, $0x38;
	[tilespmem:$0x1E780] =	vst v63  }
0x55: {  	_ =	swait.ge [sflag:s15], $0x28  }
0x56: {  	[sflag:s15] =	ssyncset.done $0x0  }
0x57: {  	s21 =	simm.s32 $0x100;
	s18 =	rddreg [dreg:$0xb];
	[sflag:s15] =	ssyncadd.s32 $0xFFFFFFD8  }
0x58: {  	[tilespmem:s21], [sflag:$0x9] =	stream.linear.gather [hbm4b:s18+s12], $0x28, $0x38;
	[tilespmem:$0x1E780] =	vst v63  }
0x59: {  	_ =	swait.ge [sflag:s15], $0x28  }
0x5a: {  	[tilespmem:$0x1FF40] =	vst v60  }
0x5b: {  	[tilespmem:$0x1FF50] =	vst v62  }
0x5c: {  	[sflag:s15] =	ssyncset.done $0x0;
	[tilespmem:$0x1FF60] =	vst v63  }
0x5d: {  	s23 =	simm.s32 $0x380;
	[tilespmem:$0x1FF70] =	vst v9;
	[sflag:s15] =	ssyncadd.s32 $0xFFFFFFD8  }
0x5e: {  	[tilespmem:s23], [sflag:$0x1] =	stream.indirect.gather [hbm4b:s1+s29], $0x80, s12, s29, $0xb8;
	[tilespmem:$0x1E780] =	vst v63  }
0x5f: {  	s24 =	simm.s32 $0x1780;
	[tilespmem:$0x1FF80] =	vst v46  }
0x60: {  	[tilespmem:s24], [sflag:$0x2] =	stream.indirect.gather [hbm4b:s7+s29], $0x80, s3, s29, $0xb8;
	[tilespmem:$0x1E780] =	vst v63  }
0x61: {  	s26 =	rddreg [dreg:$0xc];
	[tilespmem:$0x1FF90] =	vst v7  }
0x62: {  	[tilespmem:s0], [sflag:$0x6] =	stream.linear.gather [hbm4b:s26+s12], $0x28, $0x38;
	[tilespmem:$0x1E780] =	vst v63  }
0x63: {  	s28 =	rddreg [dreg:$0xd];
	[tilespmem:$0x1FFA0] =	vst v3  }
0x64: {  	[tilespmem:s6], [sflag:$0x6] =	stream.linear.gather [hbm4b:s28+s12], $0x28, $0x38;
	[tilespmem:$0x1E780] =	vst v63  }
0x65: {  	s31 =	simm.s32 $0x280;
	s30 =	rddreg [dreg:$0xe];
	[tilespmem:$0x1FFB0] =	vst v5  }
0x66: {  	[tilespmem:s31], [sflag:$0x6] =	stream.linear.gather [hbm4b:s30+s12], $0x28, $0x38;
	[tilespmem:$0x1E780] =	vst v63  }
.LBB2_4:
0x67: {  	_ =	swait.ge [sflag:s25], $0x28  }
0x68: {  	[sflag:s25] =	ssyncset.done $0x0  }
0x69: {  	[sflag:s25] =	ssyncadd.s32 $0xFFFFFFD8  }
0x6a: {  	_ =	swait.ge [sflag:s25], $0x28  }
0x6b: {  	[sflag:s25] =	ssyncset.done $0x0  }
0x6c: {  	[sflag:s25] =	ssyncadd.s32 $0xFFFFFFD8  }
0x6d: {  	_ =	swait.ge [sflag:s25], $0x28  }
0x6e: {  	[sflag:s25] =	ssyncset.done $0x0  }
0x6f: {  	s2 =	simm.s32 $0x2B80;
	[sflag:s25] =	ssyncadd.s32 $0xFFFFFFD8  }
0x70: {  	[tilespmem:s2], [sflag:$0x3] =	stream.indirect.gather [hbm4b:s1+s29], $0x80, s0, s29, $0xb8;
	[tilespmem:$0x1E780] =	vst v63  }
0x71: {  	s18 =	simm.s32 $0x3F80  }
0x72: {  	[tilespmem:s18], [sflag:$0x4] =	stream.indirect.gather [hbm4b:s7+s29], $0x80, s6, s29, $0xb8;
	[tilespmem:$0x1E780] =	vst v63  }
0x73: {  	_ =	swait.ge [sflag:s11], $0x1400  }
0x74: {  	[sflag:s11] =	ssyncset.done $0x0  }
0x75: {  	[sflag:s11] =	ssyncadd.s32 $0xFFFFEC00  }
0x76: {  	_ =	swait.ge [sflag:s13], $0x1400  }
0x77: {  	p0 =	seq.s32 s12, $0x0;
	[sflag:s13] =	ssyncset.done $0x0  }
0x78: {  	s3 =	simm.s32 @!p0 $0x7;
	[sflag:s13] =	ssyncadd.s32 $0xFFFFEC00  }
0x79: {  	_ =	swait.ge @!p0 [sflag:s3], $0x1400  }
0x7a: {  	[sflag:s3] =	ssyncset.done @!p0 $0x0  }
0x7b: {  	s10 =	simm.s32 $0x400;
	[sflag:s3] =	ssyncadd.s32 @!p0 $0xFFFFEC00  }
0x7c: {  	v19 =	vld [tilespmem:s10+$0x0];
	_ =	sdelay $0x4  }
0x7d: {  	[tilespmem:$0x1FDF0] =	vst v19  }
0x7e: {  	v6 =	vld [tilespmem:s10+$0x10];
	_ =	sdelay $0x4  }
0x7f: {  	[tilespmem:$0x1FE00] =	vst v6  }
0x80: {  	v10 =	vld [tilespmem:s10+$0x20];
	_ =	sdelay $0x4  }
0x81: {  	[tilespmem:$0x1FE10] =	vst v10  }
0x82: {  	v8 =	vld [tilespmem:s10+$0x30];
	_ =	sdelay $0x4  }
0x83: {  	[tilespmem:$0x1FE20] =	vst v8  }
0x84: {  	v1 =	vld [tilespmem:s10+$0x40];
	_ =	sdelay $0x4  }
0x85: {  	[tilespmem:$0x1FE30] =	vst v1  }
0x86: {  	v2 =	vld [tilespmem:s10+$0x50];
	_ =	sdelay $0x4  }
0x87: {  	[tilespmem:$0x1FE40] =	vst v2  }
0x88: {  	v0 =	vld [tilespmem:s10+$0x70];
	_ =	sdelay $0x4  }
0x89: {  	s21 =	simm.s32 $0x1800;
	v49 =	vld [tilespmem:s10+$0x60];
	[tilespmem:$0x1FE50] =	vst v0  }
0x8a: {  	v13 =	vld [tilespmem:s21+$0x0]  }
0x8b: {  	v14 =	vld [tilespmem:s21+$0x10];
	_ =	sdelay $0x1  }
0x8c: {  	v15 =	vld [tilespmem:s21+$0x20]  }
0x8d: {  	v16 =	vld [tilespmem:s21+$0x30]  }
0x8e: {  	v17 =	vld [tilespmem:s21+$0x40];
	v13 =	vadd.f32 v13, v19  }
0x8f: {  	v57 =	vld [tilespmem:s10+$0xFFFFFF90];
	v14 =	vadd.f32 v14, v6  }
0x90: {  	v19 =	vld [tilespmem:s21+$0x60];
	v21 =	vmul.f32 $1.442695020e+00, v13  }
0x91: {  	v18 =	vld [tilespmem:s21+$0x50];
	v22 =	vmul.f32 $1.442695020e+00, v14  }
0x92: {  	v15 =	vadd.f32 v15, v10;
	(erf) = vpow2.f32 v21  }
0x93: {  	v20 =	vld [tilespmem:s21+$0x70];
	v16 =	vadd.f32 v16, v8;
	(erf) = vpow2.f32 v22  }
0x94: {  	v17 =	vadd.f32 v17, v1;
	[tilespmem:$0x1FEF0] =	vst v57;
	v23 =	vmul.f32 $1.442695020e+00, v15  }
0x95: {  	v58 =	vld [tilespmem:s10+$0xFFFFFFA0];
	v21 =	vmul.f32 $1.442695020e+00, v16;
	v19 =	vadd.f32 v19, v49  }
0x96: {  	v18 =	vadd.f32 v18, v2;
	v22 =	vmul.f32 $1.442695020e+00, v17;
	(erf) = vpow2.f32 v23  }
0x97: {  	(erf) = vpow2.f32 v21;
	v21 =	vmul.f32 $1.442695020e+00, v19  }
0x98: {  	v20 =	vadd.f32 v20, v0;
	v23 =	vmul.f32 $1.442695020e+00, v18;
	(erf) = vpow2.f32 v22;
	_ =	sdelay $0x1  }
0x99: {  	[tilespmem:$0x1FF00] =	vst v58;
	v22 =	vmul.f32 $1.442695020e+00, v20;
	(erf) = vpow2.f32 v23  }
0x9a: {  	v59 =	vld [tilespmem:s10+$0xFFFFFFB0];
	(erf) = vpow2.f32 v21;
	v21 =	vpop (erf)  }
0x9b: {  	(erf) = vpow2.f32 v22;
	v22 =	vadd.f32 $1.000000000e+00, v21;
	v23 =	vpop (erf)  }
0x9c: {  	v24 =	vadd.f32 $1.000000000e+00, v23;
	_ =	sdelay $0x1  }
0x9d: {  	v25 =	vpop (erf)  }
0x9e: {  	[tilespmem:$0x1FF10] =	vst v59;
	v26 =	vadd.f32 $1.000000000e+00, v25;
	(erf) = vrcp.f32 v22;
	v22 =	vpop (erf)  }
0x9f: {  	v61 =	vld [tilespmem:s10+$0xFFFFFFC0];
	(erf) = vrcp.f32 v24;
	v27 =	vadd.f32 $1.000000000e+00, v22;
	v24 =	vpop (erf)  }
0xa0: {  	v28 =	vadd.f32 $1.000000000e+00, v24;
	_ =	sdelay $0x1  }
0xa1: {  	(erf) = vrcp.f32 v26;
	v26 =	vpop (erf)  }
0xa2: {  	v29 =	vadd.f32 $1.000000000e+00, v26;
	(erf) = vrcp.f32 v27;
	v27 =	vpop (erf)  }
0xa3: {  	[tilespmem:$0x1FF20] =	vst v61;
	(erf) = vrcp.f32 v28;
	v30 =	vadd.f32 $1.000000000e+00, v27;
	v28 =	vpop (erf)  }
0xa4: {  	(erf) = vrcp.f32 v29;
	v31 =	vadd.f32 $1.000000000e+00, v28;
	v20 =	vmul.f32 v28, v20;
	v28 =	vld [tilespmem:s10+$0xFFFFFF80]  }
0xa5: {  	(erf) = vrcp.f32 v30  }
0xa6: {  	(erf) = vrcp.f32 v31;
	_ =	sdelay $0x1  }
0xa7: {  	v15 =	vmul.f32 v25, v15;
	v25 =	vld [tilespmem:s21+$0xFFFFFF80];
	v29 =	vpop (erf)  }
0xa8: {  	v13 =	vmul.f32 v21, v13;
	v18 =	vmul.f32 v26, v18;
	v26 =	vld [tilespmem:s21+$0xFFFFFF90];
	v21 =	vpop (erf);
	[tilespmem:$0x1FEE0] =	vst v28  }
0xa9: {  	v16 =	vmul.f32 v22, v16;
	v22 =	vpop (erf);
	v10 =	vld [tilespmem:s10+$0xFFFFFFD0]  }
0xaa: {  	v14 =	vmul.f32 v23, v14;
	v23 =	vpop (erf)  }
0xab: {  	v17 =	vmul.f32 v24, v17;
	v24 =	vpop (erf)  }
0xac: {  	v14 =	vmul.f32 v21, v14;
	v21 =	vpop (erf)  }
0xad: {  	v19 =	vmul.f32 v27, v19;
	v15 =	vmul.f32 v22, v15;
	v22 =	vpop (erf)  }
0xae: {  	v13 =	vmul.f32 v29, v13;
	v18 =	vmul.f32 v21, v18;
	v21 =	vpop (erf);
	[tilespmem:$0x1FF30] =	vst v10  }
0xaf: {  	v16 =	vmul.f32 v23, v16;
	v20 =	vmul.f32 v21, v20;
	v21 =	vld [tilespmem:s21+$0xFFFFFFA0]  }
0xb0: {  	v23 =	vmul.f32 v14, v62;
	v17 =	vmul.f32 v24, v17;
	v24 =	vld [tilespmem:s21+$0xFFFFFFB0]  }
0xb1: {  	v15 =	vmul.f32 v15, v63;
	v16 =	vmul.f32 v16, v3;
	v62 =	vld [tilespmem:s10+$0xFFFFFFF0]  }
0xb2: {  	v17 =	vmul.f32 v17, v5;
	v19 =	vmul.f32 v22, v19;
	v14 =	vld [tilespmem:s10+$0xFFFFFFE0]  }
0xb3: {  	v18 =	vmul.f32 v18, v7;
	v22 =	vmul.f32 v13, v60;
	v27 =	vld [tilespmem:s21+$0xFFFFFFC0]  }
0xb4: {  	v15 =	vadd.f32 v16, v15;
	v16 =	vld [tilespmem:s21+$0xFFFFFFD0];
	v19 =	vmul.f32 v19, v9;
	v20 =	vmul.f32 v20, v46  }
0xb5: {  	v22 =	vadd.f32 v23, v22;
	v23 =	vld [tilespmem:s21+$0xFFFFFFF0]  }
0xb6: {  	s23 =	simm.s32 $0x500;
	v17 =	vadd.f32 v18, v17;
	v18 =	vadd.f32 v20, v19;
	v19 =	vld [tilespmem:s21+$0xFFFFFFE0];
	[tilespmem:$0x1FD40] =	vst v62  }
0xb7: {  	v36 =	vld [tilespmem:s23+$0x0]  }
0xb8: {  	v25 =	vadd.f32 v25, v28  }
0xb9: {  	v26 =	vadd.f32 v26, v57  }
0xba: {  	v34 =	vadd.f32 v24, v59;
	v24 =	vmul.f32 $1.442695020e+00, v25  }
0xbb: {  	v17 =	vadd.f32 v18, v17;
	v18 =	vmul.f32 $1.442695020e+00, v26  }
0xbc: {  	(erf) = vpow2.f32 v24;
	[tilespmem:$0x1FE60] =	vst v36  }
0xbd: {  	(erf) = vpow2.f32 v18;
	v18 =	vld [tilespmem:s23+$0x10];
	_ =	sdelay $0x4  }
0xbe: {  	[tilespmem:$0x1FE70] =	vst v18  }
0xbf: {  	v63 =	vld [tilespmem:s23+$0x20];
	_ =	sdelay $0x4  }
0xc0: {  	[tilespmem:$0x1FE80] =	vst v63  }
0xc1: {  	v20 =	vadd.f32 v16, v10;
	v10 =	vld [tilespmem:s23+$0x30];
	_ =	sdelay $0x4  }
0xc2: {  	[tilespmem:$0x1FE90] =	vst v10  }
0xc3: {  	v16 =	vld [tilespmem:s23+$0x40];
	_ =	sdelay $0x4  }
0xc4: {  	[tilespmem:$0x1FEA0] =	vst v16  }
0xc5: {  	v37 =	vld [tilespmem:s23+$0x50];
	_ =	sdelay $0x1  }
0xc6: {  	v13 =	vld [tilespmem:$0x1FFD0];
	v33 =	vadd.f32 v21, v58  }
0xc7: {  	v15 =	vadd.f32 v15, v22  }
0xc8: {  	v27 =	vadd.f32 v27, v61;
	v22 =	vmul.f32 $1.442695020e+00, v33  }
0xc9: {  	v28 =	vmul.f32 $1.442695020e+00, v34;
	v15 =	vadd.f32 v17, v15;
	[tilespmem:$0x1FEB0] =	vst v37  }
0xca: {  	v17 =	vmul.f32 $1.442695020e+00, v27;
	v21 =	vadd.f32 v19, v14;
	(erf) = vpow2.f32 v22;
	v38 =	vld [tilespmem:s23+$0x60]  }
0xcb: {  	v22 =	vadd.f32 v23, v62;
	v19 =	vperm.xlane v15, v13;
	(erf) = vpow2.f32 v28  }
0xcc: {  	v23 =	vmul.f32 $1.442695020e+00, v20  }
0xcd: {  	(erf) = vpow2.f32 v17;
	v17 =	vmul.f32 $1.442695020e+00, v22;
	v15 =	vadd.f32 v15, v19  }
0xce: {  	v24 =	vmul.f32 $1.442695020e+00, v21  }
0xcf: {  	(erf) = vpow2.f32 v23;
	v19 =	vperm.xlane v15, v4;
	[tilespmem:$0x1FEC0] =	vst v38  }
0xd0: {  	(erf) = vpow2.f32 v24;
	v39 =	vld [tilespmem:s23+$0x70]  }
0xd1: {  	(erf) = vpow2.f32 v17;
	v15 =	vadd.f32 v15, v19;
	v17 =	vpop (erf)  }
0xd2: {  	v19 =	vadd.f32 $1.000000000e+00, v17;
	v23 =	vpop (erf)  }
0xd3: {  	v24 =	vperm.xlane v15, v11;
	v28 =	vadd.f32 $1.000000000e+00, v23;
	v29 =	vpop (erf)  }
0xd4: {  	(erf) = vrcp.f32 v19;
	v19 =	vadd.f32 $1.000000000e+00, v29;
	v30 =	vpop (erf)  }
0xd5: {  	s24 =	simm.s32 $0x1900;
	v35 =	vmul.f32 v17, v25;
	v15 =	vadd.f32 v15, v24;
	v25 =	vadd.f32 $1.000000000e+00, v30;
	[tilespmem:$0x1FED0] =	vst v39  }
0xd6: {  	v23 =	vmul.f32 v23, v26;
	v24 =	vld [tilespmem:s24+$0x0]  }
0xd7: {  	(erf) = vrcp.f32 v28;
	v28 =	vpop (erf);
	v55 =	vperm.xlane v15, v12;
	v31 =	vld [tilespmem:s24+$0x10]  }
0xd8: {  	v30 =	vmul.f32 v30, v34;
	(erf) = vrcp.f32 v19;
	v32 =	vadd.f32 $1.000000000e+00, v28;
	v19 =	vpop (erf);
	v56 =	vld [tilespmem:s24+$0x20]  }
0xd9: {  	(erf) = vrcp.f32 v25;
	v26 =	vadd.f32 $1.000000000e+00, v19;
	v25 =	vpop (erf);
	v15 =	vadd.f32 v15, v55;
	v41 =	vld [tilespmem:s24+$0x40]  }
0xda: {  	v19 =	vmul.f32 v19, v20;
	v58 =	vadd.f32 $1.000000000e+00, v25;
	(erf) = vrcp.f32 v32;
	v40 =	vpop (erf);
	v57 =	vld [tilespmem:s24+$0x30]  }
0xdb: {  	v59 =	vadd.f32 $1.000000000e+00, v40;
	(erf) = vrcp.f32 v26;
	v24 =	vadd.f32 v24, v36  }
0xdc: {  	v15 =	vmul.f32 $1.442695020e+00, v15;
	(erf) = vrcp.f32 v58;
	v26 =	vld [tilespmem:s24+$0x50]  }
0xdd: {  	(erf) = vrcp.f32 v59;
	v42 =	vld [tilespmem:s24+$0x60];
	v31 =	vadd.f32 v31, v18;
	v44 =	vmul.f32 $1.442695020e+00, v24  }
0xde: {  	(erf) = vpow2.f32 v15;
	v56 =	vadd.f32 v56, v63;
	v62 =	vadd.f32 v41, v16  }
0xdf: {  	v61 =	vpop (erf);
	v43 =	vld [tilespmem:s24+$0x70];
	v57 =	vadd.f32 v57, v10;
	v15 =	vmul.f32 $1.442695020e+00, v31;
	(erf) = vpow2.f32 v44  }
0xe0: {  	v47 =	vpop (erf);
	v45 =	vmul.f32 $1.442695020e+00, v56;
	v16 =	vmul.f32 $1.442695020e+00, v62  }
0xe1: {  	v26 =	vadd.f32 v26, v37;
	v18 =	vpop (erf);
	v48 =	vmul.f32 $1.442695020e+00, v57;
	(erf) = vpow2.f32 v15  }
0xe2: {  	v21 =	vmul.f32 v25, v21;
	v58 =	vadd.f32 v42, v38;
	v50 =	vpop (erf);
	(erf) = vpow2.f32 v45  }
0xe3: {  	v17 =	vmul.f32 $1.442695020e+00, v26;
	v51 =	vpop (erf);
	(erf) = vpow2.f32 v48  }
0xe4: {  	v59 =	vadd.f32 v43, v39;
	v54 =	vmul.f32 $1.442695020e+00, v58;
	(erf) = vpow2.f32 v16;
	v16 =	vpop (erf)  }
0xe5: {  	v37 =	vld [tilespmem:$0x1FF50];
	(erf) = vpow2.f32 v17;
	v17 =	vmul.f32 v29, v33;
	v29 =	vpop (erf)  }
0xe6: {  	v20 =	vmul.f32 v61, v35;
	v15 =	vmul.f32 $1.442695020e+00, v59;
	v6 =	vpop (erf)  }
0xe7: {  	v23 =	vmul.f32 v47, v23;
	(erf) = vpow2.f32 v54;
	v36 =	vpop (erf)  }
0xe8: {  	v42 =	vld [tilespmem:$0x1FF60];
	(erf) = vpow2.f32 v15;
	v15 =	vmul.f32 v28, v27;
	v27 =	vpop (erf)  }
0xe9: {  	v2 =	vmovc v60;
	v22 =	vmul.f32 v40, v22;
	v30 =	vmul.f32 v50, v30;
	v25 =	vadd.f32 $1.000000000e+00, v27  }
0xea: {  	v20 =	vmul.f32 v20, v2;
	v23 =	vmul.f32 v23, v37  }
0xeb: {  	v30 =	vmul.f32 v30, v3;
	v17 =	vmul.f32 v18, v17;
	v28 =	vpop (erf)  }
0xec: {  	v20 =	vadd.f32 v23, v20;
	v16 =	vmul.f32 v16, v19;
	v38 =	vadd.f32 $1.000000000e+00, v28;
	v39 =	vpop (erf)  }
0xed: {  	v43 =	vmul.f32 v17, v42;
	v18 =	vadd.f32 $1.000000000e+00, v39;
	(erf) = vrcp.f32 v25;
	v25 =	vpop (erf)  }
0xee: {  	v15 =	vmul.f32 v51, v15;
	(erf) = vrcp.f32 v38;
	v40 =	vadd.f32 $1.000000000e+00, v25;
	v41 =	vpop (erf)  }
0xef: {  	v24 =	vmul.f32 v27, v24;
	(erf) = vrcp.f32 v18;
	v17 =	vadd.f32 $1.000000000e+00, v41;
	v44 =	vpop (erf)  }
0xf0: {  	v27 =	vmul.f32 v28, v31;
	v18 =	vadd.f32 $1.000000000e+00, v44;
	(erf) = vrcp.f32 v40;
	v45 =	vpop (erf)  }
0xf1: {  	[tilespmem:$0x1FDE0] =	vst v36;
	v23 =	vmul.f32 v39, v56;
	v19 =	vadd.f32 $1.000000000e+00, v45;
	(erf) = vrcp.f32 v17;
	v47 =	vpop (erf)  }
0xf2: {  	v60 =	vld [tilespmem:s24+$0xFFFFFF80];
	v25 =	vmul.f32 v25, v57;
	v17 =	vadd.f32 $1.000000000e+00, v47;
	(erf) = vrcp.f32 v18  }
0xf3: {  	v63 =	vld [tilespmem:s24+$0xFFFFFFA0];
	v32 =	vmul.f32 v41, v62;
	(erf) = vrcp.f32 v19  }
0xf4: {  	v36 =	vld [tilespmem:s23+$0xFFFFFF80];
	v26 =	vmul.f32 v44, v26;
	(erf) = vrcp.f32 v17  }
0xf5: {  	v42 =	vld [tilespmem:$0x1FF60];
	v18 =	vmul.f32 v29, v21;
	v21 =	vmul.f32 v15, v5  }
0xf6: {  	v30 =	vadd.f32 v30, v43;
	v40 =	vld [tilespmem:$0x1FF50];
	v61 =	vmul.f32 v47, v59;
	v19 =	vmul.f32 v6, v22;
	v48 =	vpop (erf)  }
0xf7: {  	v39 =	vld [tilespmem:s24+$0xFFFFFFB0];
	v22 =	vmul.f32 v16, v7;
	v29 =	vmul.f32 v18, v9;
	v28 =	vpop (erf)  }
0xf8: {  	v30 =	vadd.f32 v30, v20;
	v17 =	vld [tilespmem:s23+$0xFFFFFFA0];
	v19 =	vmul.f32 v19, v46;
	v24 =	vmul.f32 v48, v24;
	v31 =	vpop (erf)  }
0xf9: {  	v16 =	vld [tilespmem:s23+$0xFFFFFF90];
	v21 =	vadd.f32 v22, v21;
	v22 =	vmul.f32 v45, v58;
	v27 =	vmul.f32 v28, v27;
	v51 =	vpop (erf)  }
0xfa: {  	v19 =	vadd.f32 v19, v29;
	v29 =	vld [tilespmem:s24+$0xFFFFFF90];
	v23 =	vmul.f32 v31, v23;
	v24 =	vmul.f32 v24, v2;
	v62 =	vpop (erf)  }
0xfb: {  	v56 =	vadd.f32 v60, v36;
	v18 =	vld [tilespmem:s23+$0xFFFFFFB0];
	v27 =	vmul.f32 v27, v40;
	v25 =	vmul.f32 v51, v25;
	v28 =	vpop (erf)  }
0xfc: {  	v50 =	vld [tilespmem:s23+$0xFFFFFFC0];
	v21 =	vadd.f32 v19, v21;
	v23 =	vmul.f32 v23, v42;
	v37 =	vmul.f32 v62, v32;
	v31 =	vpop (erf)  }
0xfd: {  	v43 =	vld [tilespmem:s23+$0xFFFFFFE0];
	v54 =	vadd.f32 v63, v17;
	v26 =	vmul.f32 v28, v26;
	v25 =	vmul.f32 v25, v3;
	v28 =	vpop (erf)  }
0xfe: {  	v41 =	vld [tilespmem:s24+$0xFFFFFFC0];
	v24 =	vadd.f32 v27, v24;
	v38 =	vmul.f32 v31, v22;
	v28 =	vmul.f32 v28, v61  }
0xff: {  	v20 =	vld [tilespmem:s23+$0xFFFFFFD0];
	v8 =	vadd.f32 v29, v16;
	v29 =	vmul.f32 v37, v5;
	v26 =	vmul.f32 v26, v7  }
0x100: {  	v44 =	vld [tilespmem:s24+$0xFFFFFFD0];
	[tilespmem:$0x1FD50] =	vst v36;
	v51 =	vadd.f32 v39, v18;
	v45 =	vmul.f32 v38, v9;
	v28 =	vmul.f32 v28, v46  }
0x101: {  	v47 =	vld [tilespmem:s23+$0xFFFFFFF0];
	v30 =	vadd.f32 v21, v30;
	v62 =	vmul.f32 $1.442695020e+00, v54;
	v23 =	vadd.f32 v25, v23  }
0x102: {  	v19 =	vmovc v50;
	v25 =	vld [tilespmem:s24+$0xFFFFFFE0];
	v61 =	vmul.f32 $1.442695020e+00, v56;
	v26 =	vadd.f32 v26, v29;
	v28 =	vadd.f32 v28, v45  }
0x103: {  	v53 =	vadd.f32 v41, v19;
	v60 =	vperm.xlane v30, v13;
	v27 =	vmul.f32 $1.442695020e+00, v8;
	v29 =	vld [tilespmem:s24+$0xFFFFFFF0]  }
0x104: {  	v23 =	vadd.f32 v23, v24;
	(erf) = vpow2.f32 v61;
	v24 =	vadd.f32 v28, v26  }
0x105: {  	v48 =	vadd.f32 v44, v20;
	(erf) = vpow2.f32 v27;
	v26 =	vmul.f32 $1.442695020e+00, v51  }
0x106: {  	[tilespmem:$0x1FD60] =	vst v43;
	(erf) = vpow2.f32 v62;
	v28 =	vmul.f32 $1.442695020e+00, v53;
	v23 =	vadd.f32 v24, v23  }
0x107: {  	s26 =	simm.s32 $0x600;
	[tilespmem:$0x1FD70] =	vst v47;
	v57 =	vadd.f32 v25, v43;
	v24 =	vmul.f32 $1.442695020e+00, v48;
	(erf) = vpow2.f32 v26  }
0x108: {  	v1 =	vld [tilespmem:s26+$0x0];
	v58 =	vadd.f32 v29, v47;
	(erf) = vpow2.f32 v28;
	v25 =	vperm.xlane v23, v13  }
0x109: {  	v30 =	vadd.f32 v30, v60;
	v15 =	vld [tilespmem:s26+$0x10];
	v26 =	vmul.f32 $1.442695020e+00, v57  }
0x10a: {  	v6 =	vld [tilespmem:s26+$0x20];
	v28 =	vmul.f32 $1.442695020e+00, v58;
	(erf) = vpow2.f32 v24;
	v63 =	vadd.f32 v23, v25  }
0x10b: {  	v32 =	vld [tilespmem:s26+$0x30];
	(erf) = vpow2.f32 v26;
	v23 =	vperm.xlane v30, v4  }
0x10c: {  	v10 =	vld [tilespmem:s26+$0x40];
	(erf) = vpow2.f32 v28;
	v26 =	vperm.xlane v63, v4  }
0x10d: {  	s30 =	simm.s32 $0x1A00;
	v21 =	vld [tilespmem:s26+$0x50];
	v59 =	vpop (erf);
	v30 =	vadd.f32 v30, v23  }
0x10e: {  	v41 =	vld [tilespmem:s30+$0x0];
	v33 =	vadd.f32 $1.000000000e+00, v59;
	v61 =	vpop (erf);
	v55 =	vadd.f32 v63, v26  }
0x10f: {  	v22 =	vld [tilespmem:s26+$0x60];
	v35 =	vadd.f32 $1.000000000e+00, v61;
	v40 =	vpop (erf);
	v34 =	vperm.xlane v30, v11  }
0x110: {  	s14 =	simm.s32 $0x101;
	v37 =	vld [tilespmem:s30+$0x10];
	(erf) = vrcp.f32 v33;
	v47 =	vadd.f32 $1.000000000e+00, v40;
	v39 =	vpop (erf);
	v42 =	vperm.xlane v55, v11  }
0x111: {  	v29 =	vld [tilespmem:s14+$0x0];
	(erf) = vrcp.f32 v35;
	v43 =	vadd.f32 v30, v34;
	v50 =	vadd.f32 $1.000000000e+00, v39;
	v38 =	vpop (erf)  }
0x112: {  	(erf) = vrcp.f32 v47;
	v30 =	vld [tilespmem:s26+$0x70];
	v45 =	vadd.f32 $1.000000000e+00, v38;
	v0 =	vadd.f32 v55, v42  }
0x113: {  	v23 =	vadd.f32 v41, v1;
	v62 =	vpop (erf);
	v44 =	vperm.xlane v43, v12;
	(erf) = vrcp.f32 v50;
	v50 =	vld [tilespmem:s30+$0x20]  }
0x114: {  	v47 =	vadd.f32 $1.000000000e+00, v62;
	v63 =	vpop (erf);
	(erf) = vrcp.f32 v45;
	v45 =	vld [tilespmem:s30+$0x40];
	v31 =	vperm.xlane v0, v12  }
0x115: {  	v60 =	vpop (erf);
	v42 =	vadd.f32 v43, v44;
	v43 =	vadd.f32 $1.000000000e+00, v63;
	v44 =	vld [tilespmem:s30+$0x30];
	[tilespmem:$0x1FD80] =	vst v1  }
0x116: {  	(erf) = vrcp.f32 v47;
	v41 =	vld [tilespmem:s30+$0x50];
	[tilespmem:$0x1FD90] =	vst v15;
	v0 =	vadd.f32 v0, v31;
	v31 =	vadd.f32 $1.000000000e+00, v60  }
0x117: {  	v26 =	vmov v32;
	(erf) = vrcp.f32 v43;
	v32 =	vmul.f32 $1.442695020e+00, v42;
	v42 =	vld [tilespmem:s30+$0x60];
	[tilespmem:$0x1FDA0] =	vst v6  }
0x118: {  	v15 =	vadd.f32 v37, v15;
	v43 =	vld [tilespmem:s30+$0x70];
	(erf) = vrcp.f32 v31;
	v31 =	vmul.f32 $1.442695020e+00, v0  }
0x119: {  	v47 =	vmul.f32 $1.442695020e+00, v23;
	v52 =	vadd.f32 v50, v6;
	(erf) = vpow2.f32 v32  }
0x11a: {  	v50 =	vadd.f32 v44, v26;
	(erf) = vpow2.f32 v31;
	v31 =	vmul.f32 $1.442695020e+00, v15  }
0x11b: {  	v35 =	vpop (erf);
	v6 =	vmul.f32 $1.442695020e+00, v52;
	(erf) = vpow2.f32 v47  }
0x11c: {  	v37 =	vpop (erf);
	v47 =	vadd.f32 v45, v10;
	(erf) = vpow2.f32 v31;
	v31 =	vmul.f32 $1.442695020e+00, v50  }
0x11d: {  	[tilespmem:$0x1FDB0] =	vst v10;
	v36 =	vpop (erf);
	v55 =	vadd.f32 v41, v21;
	v44 =	vadd.f32 v43, v30;
	(erf) = vpow2.f32 v6  }
0x11e: {  	[tilespmem:$0x1FDC0] =	vst v21;
	v45 =	vadd.f32 v42, v22;
	v34 =	vpop (erf);
	v33 =	vmul.f32 $1.442695020e+00, v47;
	(erf) = vpow2.f32 v31  }
0x11f: {  	[tilespmem:$0x1FDD0] =	vst v22;
	v41 =	vpop (erf);
	v31 =	vmul.f32 $1.442695020e+00, v55;
	v6 =	vmul.f32 $1.442695020e+00, v44  }
0x120: {  	s2 =	simm.s32 $0x103;
	v42 =	vpop (erf);
	v32 =	vmul.f32 $1.442695020e+00, v45;
	(erf) = vpow2.f32 v33;
	v33 =	vld [tilespmem:s14+$0xFFFFFFFF]  }
0x121: {  	v43 =	vpop (erf);
	(erf) = vpow2.f32 v31;
	v31 =	vld [tilespmem:s2+$0x0]  }
0x122: {  	v59 =	vmul.f32 v59, v56;
	(erf) = vpow2.f32 v32;
	v56 =	vpop (erf)  }
0x123: {  	(erf) = vpow2.f32 v6;
	v6 =	vpop (erf)  }
0x124: {  	(v2sf) =	vpush v29, $0x0;
	v32 =	vmul.f32 v61, v8;
	v61 =	vmul.f32 v40, v54;
	v40 =	vpop (erf)  }
0x125: {  	(v2sf) =	vpush v33, $0x0;
	v33 =	vmul.f32 v38, v53;
	v38 =	vmul.f32 v62, v48;
	v48 =	vpop (erf)  }
0x126: {  	v39 =	vmul.f32 v39, v51;
	(v2sf) =	vpush v31, $0x0;
	v31 =	vadd.f32 $1.000000000e+00, v48;
	v53 =	vpop (erf)  }
0x127: {  	v51 =	vmul.f32 v63, v57;
	v54 =	vmul.f32 v60, v58;
	v63 =	vadd.f32 $1.000000000e+00, v53;
	v58 =	vpop (erf)  }
0x128: {  	v35 =	vmul.f32 v35, v59;
	(erf) = vrcp.f32 v31;
	v31 =	vadd.f32 $1.000000000e+00, v58;
	v59 =	vpop (erf)  }
0x129: {  	v0 =	vmul.f32 v36, v61;
	(erf) = vrcp.f32 v63;
	v57 =	vadd.f32 $1.000000000e+00, v59;
	v36 =	vpop (erf)  }
0x12a: {  	v34 =	vmul.f32 v34, v39;
	(erf) = vrcp.f32 v31;
	v39 =	vadd.f32 $1.000000000e+00, v36;
	v60 =	vpop (erf)  }
0x12b: {  	(erf) = vrcp.f32 v57;
	v1 =	vadd.f32 $1.000000000e+00, v60;
	v62 =	vpop (erf)  }
0x12c: {  	v37 =	vmul.f32 v37, v32;
	(erf) = vrcp.f32 v39;
	v32 =	vadd.f32 $1.000000000e+00, v62  }
0x12d: {  	v35 =	vmul.f32 v35, v2;
	v39 =	vld [tilespmem:$0x1FF60];
	(erf) = vrcp.f32 v1  }
0x12e: {  	v33 =	vmul.f32 v41, v33;
	v63 =	vpop (erf);
	(erf) = vrcp.f32 v32;
	v32 =	vld [tilespmem:$0x1FF50]  }
0x12f: {  	v25 =	vld [tilespmem:s26+$0xFFFFFF90];
	v54 =	vmul.f32 v56, v54;
	v38 =	vmul.f32 v42, v38;
	v57 =	vadd.f32 $1.000000000e+00, v63  }
0x130: {  	v41 =	vld [tilespmem:s30+$0xFFFFFF80];
	v42 =	vmul.f32 v43, v51;
	v33 =	vmul.f32 v33, v5  }
0x131: {  	v38 =	vmul.f32 v38, v7;
	v31 =	vld [tilespmem:s26+$0xFFFFFF80];
	(erf) = vrcp.f32 v57  }
0x132: {  	v61 =	vld [tilespmem:$0x1FDE0];
	v57 =	vmul.f32 v42, v9;
	v56 =	vmul.f32 v0, v39  }
0x133: {  	v43 =	vld [tilespmem:s30+$0xFFFFFF90];
	v0 =	vmul.f32 v54, v46;
	v37 =	vmul.f32 v37, v32  }
0x134: {  	s18 =	spop (v2sf);
	v33 =	vadd.f32 v38, v33  }
0x135: {  	v34 =	vmul.f32 v34, v3;
	s14 =	sadd.f32 $1.000000010e-07, s18;
	v35 =	vadd.f32 v37, v35;
	v37 =	vadd.f32 v0, v57  }
0x136: {  	v52 =	vmul.f32 v58, v52;
	v10 =	vadd.f32 v41, v31;
	v39 =	vld [tilespmem:$0x1FE00]  }
0x137: {  	v51 =	vmul.f32 s14, v61;
	v38 =	vld [tilespmem:$0x1FDF0];
	v34 =	vadd.f32 v34, v56;
	v33 =	vadd.f32 v37, v33  }
0x138: {  	v8 =	vadd.f32 v43, v25;
	v45 =	vmul.f32 v62, v45;
	v62 =	vld [tilespmem:$0x1FE70];
	v61 =	vmul.f32 $1.442695020e+00, v10  }
0x139: {  	v50 =	vmul.f32 v59, v50;
	v36 =	vmul.f32 v36, v47;
	v41 =	vld [tilespmem:$0x1FE10];
	v34 =	vadd.f32 v34, v35  }
0x13a: {  	v43 =	vmul.f32 $1.442695020e+00, v8;
	v42 =	vld [tilespmem:$0x1FE20];
	(erf) = vpow2.f32 v61;
	v32 =	vpop (erf)  }
0x13b: {  	v61 =	vld [tilespmem:$0x1FE60];
	v35 =	vmul.f32 v51, v39;
	v39 =	vmul.f32 v48, v23;
	v34 =	vadd.f32 v33, v34;
	v33 =	vpop (erf)  }
0x13c: {  	v55 =	vmul.f32 v60, v55;
	s21 =	spop (v2sf);
	v57 =	vld [tilespmem:$0x1FE50];
	v48 =	vmul.f32 v53, v15;
	v0 =	vpop (erf)  }
0x13d: {  	(erf) = vpow2.f32 v43;
	v43 =	vld [tilespmem:$0x1FE30];
	s15 =	spop (v2sf);
	v58 =	vmul.f32 v32, v39;
	v32 =	vpop (erf)  }
0x13e: {  	v54 =	vmul.f32 v51, v41;
	s15 =	sadd.f32 $1.000000010e-07, s15;
	v53 =	vld [tilespmem:s2+$0xFFFFFFFF];
	v47 =	vmul.f32 v33, v48;
	v33 =	vpop (erf)  }
0x13f: {  	v41 =	vperm.xlane v34, v13;
	v36 =	vmul.f32 v33, v36;
	v33 =	vld [tilespmem:$0x1FE80]  }
0x140: {  	v1 =	vmov v46;
	v38 =	vmul.f32 v51, v38;
	v46 =	vld [tilespmem:$0x1FE40];
	v40 =	vmul.f32 s15, v40  }
0x141: {  	s3 =	simm.s32 $0x5400;
	v60 =	vmul.f32 v63, v44;
	v22 =	vmul.f32 v51, v57;
	v57 =	vld [tilespmem:$0x1FE90];
	v34 =	vadd.f32 v34, v41  }
0x142: {  	v37 =	vmul.f32 v51, v42;
	v21 =	vmul.f32 v40, v61;
	v61 =	vld [tilespmem:$0x1FEA0];
	v63 =	vpop (erf);
	[tilespmem:s3+$0x0] =	vst v38  }
0x143: {  	(v2sf) =	vpush v53, $0x0;
	v50 =	vmul.f32 v32, v50;
	v53 =	vperm.xlane v34, v4;
	[tilespmem:s3+$0x10] =	vst v35;
	v32 =	vpop (erf)  }
0x144: {  	v56 =	vmul.f32 v51, v43;
	v39 =	vpop (erf);
	v59 =	vmul.f32 v40, v33;
	v33 =	vld [tilespmem:$0x1FF50];
	[tilespmem:s3+$0x20] =	vst v54  }
0x145: {  	v46 =	vmul.f32 v51, v46;
	v34 =	vadd.f32 v34, v53;
	v53 =	vmul.f32 v39, v60;
	v60 =	vld [tilespmem:$0x1FEB0];
	[tilespmem:s3+$0x30] =	vst v37  }
0x146: {  	v49 =	vmul.f32 v51, v49;
	v45 =	vmul.f32 v32, v45;
	v32 =	vld [tilespmem:$0x1FEC0];
	[tilespmem:s3+$0x40] =	vst v56  }
0x147: {  	v39 =	vld [tilespmem:$0x1FF60];
	[tilespmem:s3+$0x50] =	vst v46  }
0x148: {  	v24 =	vld [tilespmem:s26+$0xFFFFFFA0];
	[tilespmem:s3+$0x60] =	vst v49  }
0x149: {  	s31 =	simm.s32 $0x5500;
	v62 =	vmul.f32 v40, v62;
	v48 =	vld [tilespmem:s30+$0xFFFFFFA0];
	[tilespmem:s3+$0x70] =	vst v22  }
0x14a: {  	[tilespmem:s31+$0x0] =	vst v21  }
0x14b: {  	s24 =	simm.s32 $0x7C10;
	v44 =	vld [tilespmem:s26+$0xFFFFFFD0];
	[tilespmem:s31+$0x10] =	vst v62  }
0x14c: {  	v23 =	vld [tilespmem:s26+$0xFFFFFFF0];
	v57 =	vmul.f32 v40, v57;
	[tilespmem:s24+$0x0] =	vst v51  }
0x14d: {  	v55 =	vmul.f32 v63, v55;
	v62 =	vld [tilespmem:$0x1FF50];
	[tilespmem:s31+$0x20] =	vst v59  }
0x14e: {  	v35 =	vadd.f32 v48, v24;
	v48 =	vmul.f32 v58, v2;
	v56 =	vld [tilespmem:s30+$0xFFFFFFF0];
	[tilespmem:s31+$0x30] =	vst v57;
	v58 =	vmul.f32 v40, v60  }
0x14f: {  	v60 =	vmul.f32 v40, v32;
	v32 =	vmul.f32 v55, v7;
	v55 =	vld [tilespmem:$0x1FED0]  }
0x150: {  	v42 =	vld [tilespmem:s26+$0xFFFFFFB0]  }
0x151: {  	v43 =	vld [tilespmem:s26+$0xFFFFFFC0];
	v61 =	vmul.f32 v40, v61  }
0x152: {  	v41 =	vld [tilespmem:s26+$0xFFFFFFE0]  }
0x153: {  	v38 =	vld [tilespmem:s30+$0xFFFFFFC0];
	[tilespmem:s31+$0x40] =	vst v61  }
0x154: {  	v63 =	vld [tilespmem:s30+$0xFFFFFFB0];
	v46 =	vadd.f32 v56, v23;
	[tilespmem:s31+$0x50] =	vst v58;
	v56 =	vmul.f32 v40, v55  }
0x155: {  	v54 =	vld [tilespmem:s30+$0xFFFFFFD0];
	[tilespmem:s31+$0x60] =	vst v60  }
0x156: {  	v37 =	vld [tilespmem:s30+$0xFFFFFFE0];
	[tilespmem:s31+$0x70] =	vst v56  }
0x157: {  	s23 =	sadd.f32 $1.000000010e-07, s21;
	v52 =	vmul.f32 v0, v52;
	v50 =	vmul.f32 v50, v3;
	v61 =	vld [tilespmem:$0x1FEE0]  }
0x158: {  	v36 =	vmul.f32 v36, v5;
	v3 =	vmul.f32 v45, v9  }
0x159: {  	v45 =	vmul.f32 s23, v6;
	v0 =	vadd.f32 v38, v43;
	v47 =	vmul.f32 v47, v33  }
0x15a: {  	s28 =	simm.s32 $0x7C30;
	v5 =	vmul.f32 v53, v1;
	v63 =	vadd.f32 v63, v42;
	v33 =	vmul.f32 $1.442695020e+00, v35  }
0x15b: {  	v49 =	vadd.f32 v54, v44;
	v47 =	vadd.f32 v47, v48;
	v52 =	vmul.f32 v52, v39;
	[tilespmem:s28+$0x0] =	vst v40  }
0x15c: {  	v48 =	vadd.f32 v37, v41;
	v37 =	vadd.f32 v5, v3;
	v6 =	vld [tilespmem:$0x1FEF0];
	v5 =	vmul.f32 v45, v61  }
0x15d: {  	v57 =	vpop (erf);
	(erf) = vpow2.f32 v33;
	v33 =	vmul.f32 $1.442695020e+00, v63;
	v50 =	vadd.f32 v50, v52  }
0x15e: {  	v2 =	vmul.f32 $1.442695020e+00, v0;
	v38 =	vadd.f32 $1.000000000e+00, v57;
	v7 =	vmul.f32 $1.442695020e+00, v49;
	[tilespmem:s3+$0xFFFFFF80] =	vst v5  }
0x15f: {  	(erf) = vpow2.f32 v33;
	v33 =	vadd.f32 v50, v47;
	v47 =	vmul.f32 v57, v10;
	v57 =	vld [tilespmem:$0x1FF00]  }
0x160: {  	(erf) = vpow2.f32 v2  }
0x161: {  	v59 =	vpop (erf);
	v36 =	vadd.f32 v32, v36;
	(erf) = vpow2.f32 v7;
	v7 =	vmul.f32 v45, v6  }
0x162: {  	v51 =	vadd.f32 $1.000000000e+00, v59  }
0x163: {  	v32 =	vmul.f32 $1.442695020e+00, v48;
	v36 =	vadd.f32 v37, v36;
	v50 =	vmul.f32 v59, v8;
	v59 =	vld [tilespmem:$0x1FF10];
	[tilespmem:s3+$0xFFFFFF90] =	vst v7  }
0x164: {  	v61 =	vld [tilespmem:$0x1FF20];
	v58 =	vmul.f32 v45, v57  }
0x165: {  	v54 =	vmul.f32 $1.442695020e+00, v46;
	(erf) = vpow2.f32 v32;
	v36 =	vadd.f32 v36, v33  }
0x166: {  	v60 =	vperm.xlane v34, v11;
	[tilespmem:s3+$0xFFFFFFA0] =	vst v58  }
0x167: {  	(erf) = vpow2.f32 v54;
	v56 =	vperm.xlane v36, v13;
	v6 =	vld [tilespmem:$0x1FF30]  }
0x168: {  	(erf) = vrcp.f32 v38;
	v40 =	vadd.f32 v34, v60  }
0x169: {  	(erf) = vrcp.f32 v51;
	v53 =	vadd.f32 v36, v56;
	v54 =	vmul.f32 v45, v61  }
0x16a: {  	v60 =	vpop (erf);
	v34 =	vperm.xlane v40, v12;
	v52 =	vmul.f32 v45, v59  }
0x16b: {  	v37 =	vmul.f32 v60, v35;
	v35 =	vadd.f32 $1.000000000e+00, v60;
	v60 =	vperm.xlane v53, v4;
	v5 =	vpop (erf)  }
0x16c: {  	s15 =	simm.s32 $0x105;
	v38 =	vmul.f32 v5, v63;
	v33 =	vadd.f32 $1.000000000e+00, v5;
	v61 =	vpop (erf);
	v63 =	vld [tilespmem:$0x1FF60];
	[tilespmem:s3+$0xFFFFFFB0] =	vst v52;
	v7 =	vmul.f32 v45, v6  }
0x16d: {  	s18 =	simm.s32 $0x4;
	s14 =	simm.s32 $0x7C10;
	s26 =	spop (v2sf);
	v36 =	vld [tilespmem:s15+$0x0];
	(erf) = vrcp.f32 v35;
	v53 =	vadd.f32 v53, v60;
	v51 =	vadd.f32 $1.000000000e+00, v61;
	[tilespmem:s3+$0xFFFFFFC0] =	vst v54;
	v54 =	vpop (erf)  }
0x16e: {  	s21 =	simm.s32 $0x700;
	s23 =	smul.u32 $0x50, s12;
	s10 =	sadd.f32 $1.000000010e-07, s26;
	v35 =	vld [tilespmem:s15+$0xFFFFFFFF];
	v52 =	vmul.f32 v61, v0;
	(erf) = vrcp.f32 v33;
	v57 =	vadd.f32 $1.000000000e+00, v54;
	v55 =	vpop (erf);
	[tilespmem:s3+$0xFFFFFFD0] =	vst v7  }
.LBB2_5:
0x16f: {  	v56 =	vld [tilespmem:s21+$0x0]  }
0x170: {  	v0 =	vmul.f32 v54, v49;
	v49 =	vld [tilespmem:s21+$0x10]  }
0x171: {  	v6 =	vadd.f32 $1.000000000e+00, v55;
	v55 =	vmul.f32 v55, v48;
	v48 =	vld [tilespmem:s21+$0x30]  }
0x172: {  	v28 =	vld [tilespmem:$0x1FFA0]  }
0x173: {  	v29 =	vld [tilespmem:$0x1FFB0]  }
0x174: {  	v27 =	vld [tilespmem:$0x1FF90]  }
0x175: {  	v2 =	vmov v18;
	s30 =	sadd.s32 $0x100, s30;
	(erf) = vrcp.f32 v51;
	v60 =	vperm.xlane v53, v11;
	v51 =	vld [tilespmem:s21+$0x20]  }
0x176: {  	[tilespmem:$0x1FD20] =	vst v2;
	v2 =	vld [tilespmem:s30+$0x70]  }
0x177: {  	v58 =	vpop (erf);
	v54 =	vadd.f32 v53, v60;
	v53 =	vld [tilespmem:s21+$0x40]  }
0x178: {  	v60 =	vld [tilespmem:s21+$0x50];
	v61 =	vpop (erf)  }
0x179: {  	(erf) = vrcp.f32 v57;
	(v2sf) =	vpush v36, $0x0;
	v36 =	vmovc v20;
	v20 =	vmov v17;
	v17 =	vld [tilespmem:$0x1FF40]  }
0x17a: {  	v57 =	vld [tilespmem:s30+$0x50];
	v7 =	vpop (erf);
	(erf) = vrcp.f32 v6  }
0x17b: {  	v4 =	vmul.f32 v61, v47;
	v47 =	vmul.f32 v58, v46;
	v46 =	vld [tilespmem:s21+$0x60]  }
0x17c: {  	v40 =	vadd.f32 v40, v34;
	v59 =	vadd.f32 $1.000000000e+00, v58;
	v58 =	vld [tilespmem:s30+$0x0]  }
0x17d: {  	(v2sf) =	vpush v35, $0x0;
	v6 =	vperm.xlane v54, v12;
	v35 =	vmovc v24;
	v24 =	vmov v44;
	v44 =	vld [tilespmem:$0x1FD60]  }
0x17e: {  	v5 =	vmul.f32 v7, v50;
	v7 =	vmul.f32 $1.442695020e+00, v40;
	v40 =	vld [tilespmem:s21+$0x70];
	v32 =	vpop (erf)  }
0x17f: {  	v34 =	vmovc v42;
	(erf) = vrcp.f32 v59;
	v37 =	vmul.f32 v32, v37;
	v32 =	vmov v25;
	v25 =	vld [tilespmem:$0x1FF70]  }
0x180: {  	v50 =	vadd.f32 v54, v6;
	v39 =	vpop (erf);
	v42 =	vmul.f32 v4, v17;
	v4 =	vmov v41;
	v41 =	vld [tilespmem:s30+$0x30]  }
0x181: {  	v21 =	vmov v43;
	v38 =	vmul.f32 v39, v38;
	v39 =	vld [tilespmem:$0x1FDA0]  }
0x182: {  	v43 =	vmul.f32 v5, v62;
	v59 =	vmul.f32 $1.442695020e+00, v50;
	v18 =	vmov v44;
	v44 =	vld [tilespmem:s30+$0x10];
	v22 =	vpop (erf)  }
0x183: {  	(erf) = vpow2.f32 v7;
	v37 =	vmul.f32 v37, v63;
	[tilespmem:$0x1FD60] =	vst v4;
	v4 =	vld [tilespmem:$0x1FD40];
	v63 =	vpop (erf)  }
0x184: {  	v33 =	vmul.f32 v45, v14;
	v61 =	vadd.f32 v43, v42;
	v43 =	vld [tilespmem:s30+$0x20];
	v5 =	vpop (erf);
	(erf) = vpow2.f32 v59  }
0x185: {  	v42 =	vld [tilespmem:s30+$0x40];
	v38 =	vmul.f32 v38, v28  }
0x186: {  	v1 =	vmov v19;
	[tilespmem:s3+$0xFFFFFFE0] =	vst v33;
	v57 =	vadd.f32 v57, v60;
	v62 =	vmul.f32 v22, v52;
	v22 =	vld [tilespmem:$0x1FF80]  }
0x187: {  	[tilespmem:$0x1FD30] =	vst v1;
	v1 =	vadd.f32 v38, v37;
	v38 =	vld [tilespmem:s21+$0xFFFFFF90]  }
0x188: {  	v9 =	vmul.f32 $1.442695020e+00, v57;
	v59 =	vld [tilespmem:s30+$0x60];
	v6 =	vpop (erf);
	v33 =	vmul.f32 v45, v4  }
0x189: {  	v52 =	vmul.f32 v5, v55;
	v5 =	vld [tilespmem:$0x1FD70];
	v7 =	vmul.f32 v6, v47  }
0x18a: {  	v62 =	vmul.f32 v62, v29;
	v37 =	vld [tilespmem:s21+$0xFFFFFFA0];
	v0 =	vmul.f32 v63, v0;
	v54 =	vadd.f32 v44, v49;
	[tilespmem:s3+$0xFFFFFFF0] =	vst v33  }
0x18b: {  	v50 =	vadd.f32 v42, v53;
	v63 =	vmul.f32 v52, v25;
	v3 =	vmul.f32 v7, v22;
	v42 =	vld [tilespmem:s21+$0xFFFFFFB0];
	[tilespmem:s14+$0xFFFFFFF0] =	vst v45;
	s26 =	spop (v2sf)  }
0x18c: {  	v55 =	vmov v23;
	v47 =	vadd.f32 v58, v56;
	v52 =	vadd.f32 v43, v51;
	v4 =	vpop (erf);
	v43 =	vld [tilespmem:s21+$0xFFFFFFC0];
	s2 =	sadd.f32 $1.000000010e-07, s26  }
0x18d: {  	v0 =	vmul.f32 v0, v27;
	v58 =	vadd.f32 v59, v46;
	v3 =	vadd.f32 v3, v63;
	v63 =	vld [tilespmem:$0x1FD80];
	v33 =	vpop (erf)  }
0x18e: {  	[tilespmem:$0x1FD70] =	vst v55;
	v59 =	vadd.f32 v2, v40;
	v6 =	vmovc v5;
	v5 =	vmul.f32 $1.442695020e+00, v47;
	v2 =	vmul.f32 s2, v33;
	v33 =	vld [tilespmem:$0x1FD90]  }
0x18f: {  	v55 =	vadd.f32 v41, v48;
	v8 =	vmul.f32 $1.442695020e+00, v50;
	v44 =	vld [tilespmem:s21+$0xFFFFFFD0];
	[tilespmem:$0x1FD40] =	vst v6;
	v6 =	vmul.f32 $1.442695020e+00, v54  }
0x190: {  	v11 =	vmovc v49;
	v49 =	vmov v51;
	v45 =	vmul.f32 $1.442695020e+00, v52;
	v41 =	vld [tilespmem:s21+$0xFFFFFFE0];
	(erf) = vpow2.f32 v5  }
0x191: {  	v12 =	vmovc v56;
	[tilespmem:$0x1FDA0] =	vst v49;
	v7 =	vmul.f32 $1.442695020e+00, v55;
	v0 =	vadd.f32 v0, v62;
	v56 =	vld [tilespmem:s30+$0xFFFFFF90];
	(erf) = vpow2.f32 v6  }
0x192: {  	[tilespmem:$0x1FD80] =	vst v12;
	(erf) = vpow2.f32 v45;
	v6 =	vmul.f32 v2, v63;
	v63 =	vld [tilespmem:$0x1FDB0]  }
0x193: {  	s3 =	smov.u32 s31;
	s31 =	sadd.s32 $0x100, s31;
	v0 =	vadd.f32 v3, v0;
	[tilespmem:$0x1FD90] =	vst v11;
	(erf) = vpow2.f32 v7;
	v3 =	vmul.f32 v2, v33;
	v33 =	vmovc v48;
	v48 =	vld [tilespmem:$0x1FDD0]  }
0x194: {  	v1 =	vadd.f32 v1, v61;
	v45 =	vld [tilespmem:s30+$0xFFFFFFA0];
	v61 =	vmul.f32 v2, v26;
	(erf) = vpow2.f32 v8;
	v8 =	vmovc v53;
	[tilespmem:s31+$0x0] =	vst v6  }
0x195: {  	v10 =	vmul.f32 $1.442695020e+00, v58;
	v7 =	vld [tilespmem:s30+$0xFFFFFFB0];
	v6 =	vmul.f32 v2, v39;
	[tilespmem:$0x1FDB0] =	vst v8  }
0x196: {  	v23 =	vld [tilespmem:s21+$0xFFFFFFF0];
	v62 =	vmul.f32 $1.442695020e+00, v59;
	(erf) = vpow2.f32 v9;
	[tilespmem:s31+$0x30] =	vst v61  }
0x197: {  	v0 =	vadd.f32 v0, v1;
	v49 =	vmul.f32 v2, v30;
	v39 =	vld [tilespmem:$0x1FDC0];
	[tilespmem:s31+$0x20] =	vst v6;
	v6 =	vmul.f32 v2, v63  }
0x198: {  	(erf) = vpow2.f32 v10;
	[tilespmem:s31+$0x10] =	vst v3;
	v3 =	vld [tilespmem:s30+$0xFFFFFFC0];
	v11 =	vmul.f32 v2, v48  }
0x199: {  	v8 =	vld [tilespmem:s30+$0xFFFFFFD0];
	v9 =	vmovc v60;
	v60 =	vadd.f32 v56, v38;
	v61 =	vperm.xlane v0, v13;
	[tilespmem:s31+$0x70] =	vst v49;
	(erf) = vpow2.f32 v62  }
0x19a: {  	v5 =	vld [tilespmem:s30+$0xFFFFFF80];
	[tilespmem:$0x1FDC0] =	vst v9;
	v10 =	vmov v46;
	v51 =	vadd.f32 v45, v37;
	v53 =	vadd.f32 v7, v42;
	v7 =	vpop (erf)  }
0x19b: {  	v26 =	vld [tilespmem:$0x1FD50];
	v45 =	vmul.f32 s10, v4;
	v0 =	vadd.f32 v0, v61;
	[tilespmem:s31+$0x40] =	vst v6;
	v12 =	vadd.f32 $1.000000000e+00, v7;
	v6 =	vpop (erf)  }
0x19c: {  	v9 =	vld [tilespmem:s30+$0xFFFFFFE0];
	v63 =	vmul.f32 $1.442695020e+00, v60;
	v1 =	vmul.f32 v2, v39;
	[tilespmem:s31+$0x60] =	vst v11;
	v13 =	vadd.f32 $1.000000000e+00, v6;
	v11 =	vpop (erf)  }
0x19d: {  	[tilespmem:$0x1FDD0] =	vst v10;
	v10 =	vld [tilespmem:s30+$0xFFFFFFF0];
	v56 =	vadd.f32 v3, v43;
	(erf) = vrcp.f32 v12;
	v14 =	vadd.f32 $1.000000000e+00, v11;
	v3 =	vpop (erf)  }
0x19e: {  	s14 =	smov.u32 s28;
	s28 =	sadd.s32 $0x20, s28;
	v62 =	vld [tilespmem:s21+$0xFFFFFF80];
	v49 =	vadd.f32 v8, v44;
	[tilespmem:s31+$0x50] =	vst v1;
	(erf) = vrcp.f32 v13;
	v15 =	vadd.f32 $1.000000000e+00, v3;
	v8 =	vpop (erf)  }
0x19f: {  	v4 =	vmul.f32 $1.442695020e+00, v51;
	[tilespmem:s28+$0x0] =	vst v2;
	v19 =	vadd.f32 $1.000000000e+00, v8;
	(erf) = vrcp.f32 v14;
	v2 =	vpop (erf)  }
0x1a0: {  	v61 =	vmul.f32 v45, v26;
	v30 =	vadd.f32 $1.000000000e+00, v2;
	(erf) = vrcp.f32 v15  }
0x1a1: {  	v7 =	vmul.f32 v7, v47;
	v48 =	vadd.f32 v9, v41;
	v9 =	vpop (erf);
	(erf) = vrcp.f32 v19  }
0x1a2: {  	v1 =	vmul.f32 $1.442695020e+00, v53;
	v46 =	vadd.f32 v10, v23;
	v10 =	vpop (erf);
	(erf) = vrcp.f32 v30;
	v30 =	vld [tilespmem:$0x1FFC0]  }
0x1a3: {  	v39 =	vmovc v40;
	v5 =	vadd.f32 v5, v62;
	v40 =	vmul.f32 $1.442695020e+00, v48;
	v14 =	vadd.f32 $1.000000000e+00, v9  }
0x1a4: {  	v6 =	vmul.f32 v6, v54;
	v12 =	vmul.f32 $1.442695020e+00, v56;
	v19 =	vmovc v16;
	v16 =	vadd.f32 $1.000000000e+00, v10  }
0x1a5: {  	v31 =	vmov v31;
	v13 =	vmul.f32 $1.442695020e+00, v5;
	(erf) = vrcp.f32 v14  }
0x1a6: {  	v11 =	vmul.f32 v11, v52;
	(erf) = vrcp.f32 v16  }
0x1a7: {  	(erf) = vpow2.f32 v13;
	v13 =	vperm.xlane v0, v30  }
0x1a8: {  	[tilespmem:$0x1FD50] =	vst v31;
	v31 =	vmov v62;
	v62 =	vld [tilespmem:$0x1FF50];
	v3 =	vmul.f32 v3, v55;
	v8 =	vmul.f32 v8, v50  }
0x1a9: {  	v15 =	vmul.f32 $1.442695020e+00, v49;
	v2 =	vmul.f32 v2, v57;
	v16 =	vpop (erf)  }
0x1aa: {  	(erf) = vpow2.f32 v63;
	v63 =	vld [tilespmem:$0x1FF60];
	v47 =	vpop (erf);
	v7 =	vmul.f32 v16, v7  }
0x1ab: {  	v9 =	vmul.f32 v9, v58;
	v0 =	vadd.f32 v0, v13;
	v6 =	vmul.f32 v47, v6;
	v13 =	vpop (erf)  }
0x1ac: {  	v26 =	vmov v33;
	v10 =	vmul.f32 v10, v59;
	v7 =	vmul.f32 v7, v17;
	v33 =	vpop (erf)  }
0x1ad: {  	v6 =	vmul.f32 v6, v62;
	v11 =	vmul.f32 v13, v11;
	v57 =	vpop (erf)  }
0x1ae: {  	v3 =	vmul.f32 v33, v3;
	v16 =	vpop (erf);
	v8 =	vmul.f32 v57, v8  }
0x1af: {  	v11 =	vmul.f32 v11, v63;
	v13 =	vpop (erf);
	v2 =	vmul.f32 v16, v2  }
0x1b0: {  	v3 =	vmul.f32 v3, v28;
	v16 =	vpop (erf);
	v9 =	vmul.f32 v13, v9  }
0x1b1: {  	v8 =	vmul.f32 v8, v29;
	v10 =	vmul.f32 v16, v10  }
0x1b2: {  	v6 =	vadd.f32 v6, v7;
	v13 =	vpop (erf);
	v2 =	vmul.f32 v2, v27;
	v9 =	vmul.f32 v9, v25  }
0x1b3: {  	v3 =	vadd.f32 v3, v11;
	v58 =	vpop (erf);
	(erf) = vpow2.f32 v4;
	v10 =	vmul.f32 v10, v22  }
0x1b4: {  	v11 =	vld [tilespmem:$0x1FFE0];
	v16 =	vadd.f32 $1.000000000e+00, v13;
	v47 =	vmul.f32 v13, v5;
	(erf) = vpow2.f32 v1  }
0x1b5: {  	[tilespmem:s3+$0xFFFFFF80] =	vst v61;
	v13 =	vld [tilespmem:$0x1FFD0];
	v2 =	vadd.f32 v2, v8;
	(erf) = vpow2.f32 v12;
	v61 =	vadd.f32 v10, v9  }
0x1b6: {  	v14 =	vmul.f32 $1.442695020e+00, v46;
	v59 =	vadd.f32 $1.000000000e+00, v58;
	v50 =	vmul.f32 v58, v60;
	v58 =	vld [tilespmem:$0x1FD30]  }
0x1b7: {  	v55 =	vld [tilespmem:$0x1FD20];
	v7 =	vadd.f32 v3, v6;
	(erf) = vpow2.f32 v15;
	v2 =	vadd.f32 v61, v2  }
0x1b8: {  	v54 =	vmul.f32 v45, v20;
	v12 =	vld [tilespmem:$0x1FFF0];
	(erf) = vpow2.f32 v40  }
0x1b9: {  	v20 =	vmovc v24;
	v24 =	vmovc v37;
	v33 =	vperm.xlane v0, v11;
	(erf) = vpow2.f32 v14;
	v1 =	vadd.f32 v2, v7  }
0x1ba: {  	v17 =	vmovc v35;
	v14 =	vmovc v18;
	v18 =	vmov v34;
	v34 =	vmul.f32 v45, v19;
	(erf) = vrcp.f32 v16  }
0x1bb: {  	s18 =	sadd.s32 $0x2, s18;
	v25 =	vmovc v38;
	v40 =	vadd.f32 v0, v33;
	v4 =	vmul.f32 v45, v58;
	v38 =	vperm.xlane v1, v13  }
0x1bc: {  	p1 =	slt.u32 s18, $0x26;
	v19 =	vmov v21;
	v0 =	vmul.f32 v45, v36;
	(erf) = vrcp.f32 v59;
	v57 =	vpop (erf)  }
.Ltmp3:
0x1bd: {  	[tilespmem:s3+$0xFFFFFF90] =	vst v34;
	v2 =	vmul.f32 v45, v55;
	v34 =	vperm.xlane v40, v12;
	v59 =	vpop (erf);
	v1 =	vadd.f32 v1, v38;
	(pc) =	sbr.rel @p1 .LBB2_5-.Ltmp3, $4  }
0x1be: {  	s26 =	spop (v2sf);
	[tilespmem:s3+$0xFFFFFFA0] =	vst v54;
	v37 =	vmul.f32 v57, v51;
	v3 =	vadd.f32 $1.000000000e+00, v57;
	v38 =	vmul.f32 v59, v53;
	v61 =	vpop (erf)  }
0x1bf: {  	s15 =	sadd.s32 $0x2, s15;
	s26 =	sadd.f32 $1.000000010e-07, s26;
	v16 =	vmovc v32;
	[tilespmem:s3+$0xFFFFFFC0] =	vst v4;
	v5 =	vadd.f32 $1.000000000e+00, v59;
	v52 =	vmul.f32 v61, v56;
	v60 =	vperm.xlane v1, v30  }
0x1c0: {  	v36 =	vld [tilespmem:s15+$0x0];
	[tilespmem:s3+$0xFFFFFFB0] =	vst v2;
	v51 =	vadd.f32 $1.000000000e+00, v61;
	(erf) = vrcp.f32 v3;
	v54 =	vpop (erf);
	v30 =	vmov v39  }
0x1c1: {  	s10 =	smov.u32 s26;
	s21 =	sadd.s32 $0x100, s21;
	v35 =	vld [tilespmem:s15+$0xFFFFFFFF];
	[tilespmem:s3+$0xFFFFFFD0] =	vst v0;
	v57 =	vadd.f32 $1.000000000e+00, v54;
	(erf) = vrcp.f32 v5;
	v55 =	vpop (erf);
	v53 =	vadd.f32 v1, v60  }
0x1c2: {  	v0 =	vadd.f32 $1.000000000e+00, v55;
	(erf) = vrcp.f32 v51  }
0x1c3: {  	v1 =	vpop (erf);
	(erf) = vrcp.f32 v57  }
0x1c4: {  	(erf) = vrcp.f32 v0  }
0x1c5: {  	v2 =	vadd.f32 $1.000000000e+00, v1;
	_ =	sdelay $0x1  }
0x1c6: {  	v56 =	vpop (erf);
	v4 =	vperm.xlane v53, v11;
	(erf) = vrcp.f32 v2  }
0x1c7: {  	v57 =	vpop (erf)  }
0x1c8: {  	v4 =	vadd.f32 v53, v4;
	(v2sf) =	vpush v36, $0x0;
	v6 =	vpop (erf)  }
0x1c9: {  	v7 =	vpop (erf)  }
0x1ca: {  	v60 =	vperm.xlane v4, v12;
	v8 =	vpop (erf)  }
0x1cb: {  	v5 =	vmul.f32 v55, v48;
	v59 =	vadd.f32 v40, v34;
	v9 =	vpop (erf)  }
0x1cc: {  	v22 =	vld [tilespmem:$0x1FF70];
	v1 =	vmul.f32 v1, v46;
	v4 =	vadd.f32 v4, v60;
	v10 =	vpop (erf)  }
0x1cd: {  	v46 =	vld [tilespmem:$0x1FF80];
	v5 =	vmul.f32 v10, v5;
	v10 =	vmul.f32 $1.442695020e+00, v59  }
0x1ce: {  	v28 =	vmul.f32 $1.442695020e+00, v4  }
0x1cf: {  	v34 =	vmul.f32 v45, v14;
	v36 =	vld [tilespmem:$0x1FD40];
	v58 =	vpop (erf);
	(erf) = vpow2.f32 v10  }
0x1d0: {  	v15 =	vld [tilespmem:$0x1FF40];
	v1 =	vmul.f32 v58, v1;
	(erf) = vpow2.f32 v28  }
0x1d1: {  	v27 =	vld [tilespmem:$0x1FFA0];
	v0 =	vmul.f32 v56, v47;
	v6 =	vmul.f32 v6, v37  }
0x1d2: {  	v37 =	vld [tilespmem:$0x1FFB0];
	v5 =	vmul.f32 v5, v22;
	v1 =	vmul.f32 v1, v46  }
0x1d3: {  	v2 =	vmul.f32 v57, v50;
	v7 =	vmul.f32 v7, v38;
	v38 =	vld [tilespmem:$0x1FF90]  }
0x1d4: {  	v3 =	vmul.f32 v54, v49;
	v1 =	vadd.f32 v1, v5;
	v5 =	vmul.f32 v45, v36  }
0x1d5: {  	v29 =	vld [tilespmem:$0x1FFC0];
	v0 =	vmul.f32 v0, v15;
	v2 =	vmul.f32 v2, v62;
	[tilespmem:s3+$0xFFFFFFE0] =	vst v34  }
0x1d6: {  	v8 =	vmul.f32 v8, v52;
	v3 =	vmul.f32 v9, v3;
	[tilespmem:s3+$0xFFFFFFF0] =	vst v5  }
0x1d7: {  	v6 =	vmul.f32 v6, v63;
	v7 =	vmul.f32 v7, v27;
	s2 =	spop (v2sf);
	v39 =	vld [tilespmem:$0x1FD80]  }
0x1d8: {  	v8 =	vmul.f32 v8, v37;
	v3 =	vmul.f32 v3, v38;
	s2 =	sadd.f32 $1.000000010e-07, s2;
	v32 =	vpop (erf)  }
0x1d9: {  	v0 =	vadd.f32 v2, v0;
	v2 =	vpop (erf)  }
0x1da: {  	v61 =	vadd.f32 v7, v6;
	v3 =	vadd.f32 v3, v8;
	v2 =	vmul.f32 s2, v2;
	_ =	sdelay $0x1  }
0x1db: {  	v0 =	vadd.f32 v61, v0;
	v1 =	vadd.f32 v1, v3;
	v3 =	vmul.f32 v2, v39  }
0x1dc: {  	s21 =	sadd.s32 $0x100, s31;
	[tilespmem:s14+$0xFFFFFFF0] =	vst v45  }
0x1dd: {  	v0 =	vadd.f32 v1, v0;
	v5 =	vld [tilespmem:$0x1FD90];
	[tilespmem:s21+$0x0] =	vst v3  }
0x1de: {  	v3 =	vld [tilespmem:$0x1FDA0]  }
0x1df: {  	v1 =	vperm.xlane v0, v13;
	_ =	sdelay $0x1  }
0x1e0: {  	v0 =	vadd.f32 v0, v1  }
0x1e1: {  	v5 =	vmul.f32 v2, v5  }
0x1e2: {  	v1 =	vperm.xlane v0, v29;
	v3 =	vmul.f32 v2, v3  }
0x1e3: {  	[tilespmem:s21+$0x10] =	vst v5  }
0x1e4: {  	v0 =	vadd.f32 v0, v1;
	[tilespmem:s21+$0x20] =	vst v3  }
0x1e5: {  	v3 =	vld [tilespmem:$0x1FDB0]  }
0x1e6: {  	v33 =	vperm.xlane v0, v11;
	_ =	sdelay $0x1  }
0x1e7: {  	(v2sf) =	vpush v35, $0x0;
	v45 =	vmul.f32 v2, v26;
	v0 =	vadd.f32 v0, v33;
	_ =	sdelay $0x1  }
0x1e8: {  	v40 =	vperm.xlane v0, v12;
	[tilespmem:s21+$0x30] =	vst v45;
	v3 =	vmul.f32 v2, v3  }
0x1e9: {  	v4 =	vld [tilespmem:$0x1FDC0]  }
0x1ea: {  	v0 =	vadd.f32 v0, v40;
	[tilespmem:s21+$0x40] =	vst v3  }
0x1eb: {  	v3 =	vld [tilespmem:$0x1FDD0]  }
0x1ec: {  	v0 =	vmul.f32 $1.442695020e+00, v0;
	_ =	sdelay $0x1  }
0x1ed: {  	(erf) = vpow2.f32 v0;
	v4 =	vmul.f32 v2, v4  }
0x1ee: {  	v47 =	vmul.f32 v2, v30  }
0x1ef: {  	[tilespmem:s21+$0x50] =	vst v4;
	v3 =	vmul.f32 v2, v3  }
0x1f0: {  	[tilespmem:s21+$0x70] =	vst v47  }
0x1f1: {  	v1 =	vmul.f32 s10, v32;
	[tilespmem:s21+$0x60] =	vst v3  }
0x1f2: {  	v0 =	vld [tilespmem:$0x1FD50]  }
0x1f3: {  	s26 =	sadd.s32 $0x20, s28;
	v48 =	vmul.f32 v1, v16  }
0x1f4: {  	v49 =	vmul.f32 v1, v17;
	s30 =	spop (v2sf);
	[tilespmem:s26+$0x0] =	vst v2  }
0x1f5: {  	v50 =	vmul.f32 v1, v18;
	s10 =	sadd.f32 $1.000000010e-07, s30;
	[tilespmem:s31+$0xFFFFFF90] =	vst v48  }
0x1f6: {  	v51 =	vmul.f32 v1, v19;
	v53 =	vpop (erf);
	[tilespmem:s31+$0xFFFFFFA0] =	vst v49  }
0x1f7: {  	v3 =	vmul.f32 s10, v53;
	[tilespmem:s31+$0xFFFFFFB0] =	vst v50;
	v0 =	vmul.f32 v1, v0  }
0x1f8: {  	v52 =	vmul.f32 v1, v20;
	[tilespmem:s31+$0xFFFFFFC0] =	vst v51  }
0x1f9: {  	v54 =	vmul.f32 v3, v31;
	[tilespmem:s31+$0xFFFFFF80] =	vst v0  }
0x1fa: {  	v55 =	vmul.f32 v3, v25;
	v2 =	vld [tilespmem:$0x1FD60];
	[tilespmem:s31+$0xFFFFFFD0] =	vst v52  }
0x1fb: {  	v56 =	vmul.f32 v3, v24;
	v0 =	vld [tilespmem:$0x1FD70];
	[tilespmem:s21+$0xFFFFFF80] =	vst v54  }
0x1fc: {  	v57 =	vmul.f32 v3, v42;
	[tilespmem:s21+$0xFFFFFF90] =	vst v55  }
0x1fd: {  	v58 =	vmul.f32 v3, v43;
	[tilespmem:s21+$0xFFFFFFA0] =	vst v56  }
0x1fe: {  	v59 =	vmul.f32 v3, v44;
	[tilespmem:s21+$0xFFFFFFB0] =	vst v57  }
0x1ff: {  	v60 =	vmul.f32 v3, v41;
	[tilespmem:s21+$0xFFFFFFC0] =	vst v58  }
0x200: {  	v61 =	vmul.f32 v3, v23;
	[tilespmem:s21+$0xFFFFFFD0] =	vst v59  }
0x201: {  	p2 =	por $0x1, $0x1;
	[tilespmem:s21+$0xFFFFFFE0] =	vst v60  }
.Ltmp4:
0x202: {  	[tilespmem:s21+$0xFFFFFFF0] =	vst v61;
	v2 =	vmul.f32 v1, v2;
	(pc) =	sbr.rel @!p2 .LBB2_7-.Ltmp4, $4  }
0x203: {  	[tilespmem:s26+$0xFFFFFFF0] =	vst v3;
	v0 =	vmul.f32 v1, v0  }
0x204: {  	[tilespmem:s31+$0xFFFFFFE0] =	vst v2  }
0x205: {  	[tilespmem:s31+$0xFFFFFFF0] =	vst v0  }
0x206: {  	p1 =	por $0x0, $0x0;
	v34 =	vmov v15;
	v35 =	vmov v27;
	v20 =	vmov v22;
	s10 =	simm.s32 $0x0;
	[tilespmem:s28+$0xFFFFFFF0] =	vst v1  }
0x207: {  	v0 =	vld [tilespmem:s10+$0x80];
	_ =	sdelay $0x4  }
0x208: {  	(v2sf) =	vpush v0, $0x0;
	_ =	sdelay $0xd  }
0x209: {  	v0 =	vld [tilespmem:s24+$0xFFFFFFF0]  }
0x20a: {  	s2 =	spop (v2sf)  }
0x20b: {  	v1 =	vld [tilespmem:s2+$0x7F00]  }
0x20c: {  	v2 =	vimm.f32 $0.0e+00  }
0x20d: {  	v13 =	vsel vm0, $0x3F800000, v2  }
0x20e: {  	v0 =	vmul.f32 v13, v0;
	_ =	sdelay $0x1  }
0x20f: {  	v0 =	vadd.f32 v1, v0;
	_ =	sdelay $0x1  }
0x210: {  	v1 =	vld [tilespmem:s24+$0x0];
	[tilespmem:s2+$0x7F00] =	vst v0  }
0x211: {  	v0 =	vld [tilespmem:s10+$0x81];
	_ =	sdelay $0x4  }
0x212: {  	(v2sf) =	vpush v0, $0x0;
	_ =	sdelay $0xe  }
0x213: {  	s31 =	spop (v2sf)  }
0x214: {  	v0 =	vld [tilespmem:s31+$0x7F00];
	_ =	sdelay $0x1  }
0x215: {  	p2 =	por $0x1, $0x1  }
.Ltmp5:
0x216: {  	v1 =	vmul.f32 v13, v1;
	(pc) =	sbr.rel @!p2 .LBB2_9-.Ltmp5, $4  }
0x217: {  	_ = 	snop  }
0x218: {  	v0 =	vadd.f32 v0, v1  }
0x219: {  	s14 =	simm.s32 $0x10  }
0x21a: {  	p1 =	por $0x1, $0x1;
	s3 =	simm.s32 $0x7C10;
	s10 =	simm.s32 $0x2;
	[tilespmem:s31+$0x7F00] =	vst v0  }
.LBB2_10:
0x21b: {  	p2 =	sne.s32 s14, $0x98;
	v0 =	vld [tilespmem:s10+$0x80];
	_ =	sdelay $0x4  }
0x21c: {  	(v2sf) =	vpush v0, $0x0;
	_ =	sdelay $0xc  }
0x21d: {  	s3 =	sadd.s32 $0x20, s3  }
0x21e: {  	v0 =	vld [tilespmem:s3+$0xFFFFFFF0]  }
0x21f: {  	s2 =	spop (v2sf)  }
0x220: {  	v1 =	vld [tilespmem:s2+$0x7F00];
	_ =	sdelay $0x2  }
0x221: {  	v0 =	vmul.f32 v13, v0;
	_ =	sdelay $0x1  }
0x222: {  	v0 =	vadd.f32 v1, v0;
	_ =	sdelay $0x1  }
0x223: {  	v1 =	vld [tilespmem:s3+$0x0];
	[tilespmem:s2+$0x7F00] =	vst v0  }
0x224: {  	v0 =	vld [tilespmem:s10+$0x81];
	_ =	sdelay $0x4  }
0x225: {  	(v2sf) =	vpush v0, $0x0;
	_ =	sdelay $0xe  }
0x226: {  	s2 =	spop (v2sf)  }
0x227: {  	v0 =	vld [tilespmem:s2+$0x7F00];
	_ =	sdelay $0x2  }
.Ltmp6:
0x228: {  	v1 =	vmul.f32 v13, v1;
	(pc) =	sbr.rel @p2 .LBB2_10-.Ltmp6, $3  }
0x229: {  	_ = 	snop  }
0x22a: {  	v0 =	vadd.f32 v0, v1;
	_ =	sdelay $0x1  }
0x22b: {  	s10 =	sshra.s32 s14, $0x2;
	s14 =	sadd.s32 $0x8, s14;
	[tilespmem:s2+$0x7F00] =	vst v0  }
0x22c: {  	v13 =	vld [tilespmem:$0x1FFD0]  }
.LBB2_12:
0x22d: {  	v0 =	vld [tilespmem:s10+$0x80];
	_ =	sdelay $0x4  }
0x22e: {  	(v2sf) =	vpush v0, $0x0;
	_ =	sdelay $0xb  }
0x22f: {  	s2 =	sadd.s32 @p1 $0x20, s3  }
0x230: {  	s24 =	smov.u32 @p1 s2  }
0x231: {  	v36 =	vld [tilespmem:s24+$0xFFFFFFF0]  }
0x232: {  	s18 =	spop (v2sf)  }
0x233: {  	v1 =	vld [tilespmem:s18+$0x7F00];
	_ =	sdelay $0x1  }
0x234: {  	v2 =	vsel vm0, $0x3F800000, v2  }
0x235: {  	v0 =	vmul.f32 v2, v36;
	_ =	sdelay $0x1  }
0x236: {  	v0 =	vadd.f32 v1, v0;
	_ =	sdelay $0x1  }
0x237: {  	v39 =	vld [tilespmem:s24+$0x0];
	[tilespmem:s18+$0x7F00] =	vst v0  }
0x238: {  	v0 =	vld [tilespmem:s10+$0x81];
	_ =	sdelay $0x4  }
0x239: {  	(v2sf) =	vpush v0, $0x0;
	_ =	sdelay $0xe  }
0x23a: {  	s21 =	spop (v2sf)  }
0x23b: {  	v40 =	vld [tilespmem:s21+$0x7F00];
	_ =	sdelay $0x2  }
0x23c: {  	v1 =	vmul.f32 v2, v39;
	_ =	sdelay $0x1  }
0x23d: {  	v0 =	vadd.f32 v40, v1;
	_ =	sdelay $0x1  }
0x23e: {  	[tilespmem:s21+$0x7F00] =	vst v0  }
0x23f: {  	v0 =	vld [tilespmem:$0x80]  }
0x240: {  	v41 =	vld [tilespmem:$0x90]  }
0x241: {  	v42 =	vld [tilespmem:$0x98];
	_ =	sdelay $0x2  }
0x242: {  	p1 =	seq.s32 s12, $0x7C;
	[tilespmem:$0x300] =	vst v0  }
0x243: {  	s2 =	sadd.s32 @!p1 s23, s19;
	[tilespmem:$0x310] =	vst v41  }
0x244: {  	s26 =	simm.s32 $0x5380;
	s24 =	simm.s32 $0x300;
	s2 =	sshrl.u32 @!p1 s2, $0x3;
	[tilespmem:$0x318] =	vst v42  }
0x245: {  	[spmem:s4] =	stream.indirect.scatter.add.f32 [tilespmem:s26], [sflag:$0x7], $0x80, s24, s29, $0xb8;
	[tilespmem:$0x1E780] =	vst v63  }
0x246: {  	s3 =	sadd.s32 @!p1 s8, s2;
	s10 =	simm.s32 @!p1 $0x0  }
0x247: {  	[tilespmem:s10], [sflag:$0x5] =	stream.linear.gather @!p1 [hbm4b:s3+s10], $0x28, $0x38;
	[tilespmem:$0x1E780] =	vst v63  }
0x248: {  	s14 =	simm.s32 @!p1 $0x80;
	s3 =	sadd.s32 @!p1 s9, s2  }
0x249: {  	[tilespmem:s14], [sflag:$0x5] =	stream.linear.gather @!p1 [hbm4b:s3+s10], $0x28, $0x38;
	[tilespmem:$0x1E780] =	vst v63  }
0x24a: {  	[tilespmem:$0x1FB90] =	vst v2;
	s2 =	sadd.s32 @!p1 s20, s2;
	s3 =	simm.s32 @!p1 $0x100  }
0x24b: {  	[tilespmem:s3], [sflag:$0x5] =	stream.linear.gather @!p1 [hbm4b:s2+s10], $0x28, $0x38;
	[tilespmem:$0x1E780] =	vst v63  }
0x24c: {  	_ =	swait.ge [sflag:s16], $0x1400  }
0x24d: {  	[sflag:s16] =	ssyncset.done $0x0  }
0x24e: {  	[sflag:s16] =	ssyncadd.s32 $0xFFFFEC00  }
0x24f: {  	_ =	swait.ge [sflag:s17], $0x1400  }
0x250: {  	[sflag:s17] =	ssyncset.done $0x0  }
0x251: {  	s2 =	simm.s32 @!p0 $0x8;
	[sflag:s17] =	ssyncadd.s32 $0xFFFFEC00  }
0x252: {  	_ =	swait.ge @!p0 [sflag:s2], $0x1400  }
0x253: {  	[sflag:s2] =	ssyncset.done @!p0 $0x0  }
0x254: {  	s3 =	simm.s32 $0x2C00;
	[sflag:s2] =	ssyncadd.s32 @!p0 $0xFFFFEC00  }
0x255: {  	v6 =	vld [tilespmem:s3+$0x0];
	_ =	sdelay $0x4  }
0x256: {  	[tilespmem:$0x1FC40] =	vst v6  }
0x257: {  	v7 =	vld [tilespmem:s3+$0x10];
	_ =	sdelay $0x4  }
0x258: {  	[tilespmem:$0x1FC50] =	vst v7  }
0x259: {  	v9 =	vld [tilespmem:s3+$0x30];
	_ =	sdelay $0x4  }
0x25a: {  	v47 =	vld [tilespmem:s3+$0x20];
	[tilespmem:$0x1FC60] =	vst v9  }
0x25b: {  	v10 =	vld [tilespmem:s3+$0x40];
	_ =	sdelay $0x4  }
0x25c: {  	[tilespmem:$0x1FC70] =	vst v10  }
0x25d: {  	v12 =	vld [tilespmem:s3+$0x50];
	_ =	sdelay $0x4  }
0x25e: {  	[tilespmem:$0x1FC80] =	vst v12  }
0x25f: {  	v14 =	vld [tilespmem:s3+$0x60];
	_ =	sdelay $0x4  }
0x260: {  	[tilespmem:$0x1FC90] =	vst v14  }
0x261: {  	v11 =	vld [tilespmem:s3+$0x70];
	_ =	sdelay $0x4  }
0x262: {  	s14 =	simm.s32 $0x4000;
	[tilespmem:$0x1FCA0] =	vst v11  }
0x263: {  	v43 =	vld [tilespmem:s14+$0x0];
	_ =	sdelay $0x2  }
0x264: {  	v44 =	vld [tilespmem:s14+$0x10]  }
0x265: {  	v45 =	vld [tilespmem:s14+$0x20]  }
0x266: {  	v3 =	vld [tilespmem:s14+$0x30];
	v0 =	vadd.f32 v43, v6  }
0x267: {  	v4 =	vld [tilespmem:s14+$0x40]  }
0x268: {  	v48 =	vld [tilespmem:s14+$0x60];
	v8 =	vmul.f32 $1.442695020e+00, v0  }
0x269: {  	v5 =	vld [tilespmem:s14+$0x50];
	v1 =	vadd.f32 v44, v7  }
0x26a: {  	v2 =	vadd.f32 v45, v47;
	(erf) = vpow2.f32 v8  }
0x26b: {  	v49 =	vld [tilespmem:s14+$0x70];
	v3 =	vadd.f32 v3, v9;
	v9 =	vmul.f32 $1.442695020e+00, v1  }
0x26c: {  	v4 =	vadd.f32 v4, v10;
	v10 =	vmul.f32 $1.442695020e+00, v2  }
0x26d: {  	v6 =	vadd.f32 v48, v14;
	v8 =	vmul.f32 $1.442695020e+00, v3;
	(erf) = vpow2.f32 v9  }
0x26e: {  	v5 =	vadd.f32 v5, v12;
	v9 =	vmul.f32 $1.442695020e+00, v4;
	(erf) = vpow2.f32 v10  }
0x26f: {  	(erf) = vpow2.f32 v8;
	v8 =	vmul.f32 $1.442695020e+00, v6  }
0x270: {  	v7 =	vadd.f32 v49, v11;
	v10 =	vmul.f32 $1.442695020e+00, v5  }
0x271: {  	(erf) = vpow2.f32 v9  }
0x272: {  	v9 =	vmul.f32 $1.442695020e+00, v7;
	(erf) = vpow2.f32 v10  }
0x273: {  	(erf) = vpow2.f32 v8;
	v8 =	vpop (erf)  }
0x274: {  	(erf) = vpow2.f32 v9;
	v9 =	vadd.f32 $1.000000000e+00, v8;
	_ =	sdelay $0x1  }
0x275: {  	v10 =	vpop (erf)  }
0x276: {  	v11 =	vadd.f32 $1.000000000e+00, v10;
	v12 =	vpop (erf)  }
0x277: {  	v14 =	vadd.f32 $1.000000000e+00, v12;
	(erf) = vrcp.f32 v9;
	v9 =	vpop (erf)  }
0x278: {  	v15 =	vadd.f32 $1.000000000e+00, v9;
	_ =	sdelay $0x1  }
0x279: {  	(erf) = vrcp.f32 v11;
	v11 =	vpop (erf)  }
0x27a: {  	(erf) = vrcp.f32 v14;
	v16 =	vadd.f32 $1.000000000e+00, v11;
	v14 =	vpop (erf)  }
0x27b: {  	v17 =	vadd.f32 $1.000000000e+00, v14;
	(erf) = vrcp.f32 v15;
	v15 =	vpop (erf)  }
0x27c: {  	(erf) = vrcp.f32 v16;
	v18 =	vadd.f32 $1.000000000e+00, v15  }
0x27d: {  	(erf) = vrcp.f32 v17  }
0x27e: {  	(erf) = vrcp.f32 v18;
	v18 =	vld [tilespmem:s3+$0xFFFFFF90];
	_ =	sdelay $0x2  }
0x27f: {  	v16 =	vpop (erf)  }
0x280: {  	v19 =	vadd.f32 $1.000000000e+00, v16  }
0x281: {  	[tilespmem:$0x1FCD0] =	vst v18  }
0x282: {  	(erf) = vrcp.f32 v19;
	v19 =	vld [tilespmem:s3+$0xFFFFFFA0];
	_ =	sdelay $0x4  }
0x283: {  	[tilespmem:$0x1FCE0] =	vst v19  }
0x284: {  	v23 =	vld [tilespmem:s3+$0xFFFFFFB0];
	_ =	sdelay $0x4  }
0x285: {  	[tilespmem:$0x1FCF0] =	vst v23  }
0x286: {  	v22 =	vld [tilespmem:s3+$0xFFFFFFC0];
	_ =	sdelay $0x4  }
0x287: {  	[tilespmem:$0x1FD00] =	vst v22  }
0x288: {  	v7 =	vmul.f32 v16, v7;
	v16 =	vld [tilespmem:s3+$0xFFFFFF80];
	_ =	sdelay $0x2  }
0x289: {  	v0 =	vmul.f32 v8, v0  }
0x28a: {  	v1 =	vmul.f32 v10, v1;
	v2 =	vmul.f32 v12, v2;
	v17 =	vpop (erf);
	v12 =	vld [tilespmem:s14+$0xFFFFFF80]  }
0x28b: {  	v3 =	vmul.f32 v9, v3;
	v6 =	vmul.f32 v15, v6;
	v8 =	vpop (erf);
	v15 =	vld [tilespmem:s14+$0xFFFFFF90];
	[tilespmem:$0x1FCC0] =	vst v16  }
0x28c: {  	v4 =	vmul.f32 v11, v4;
	v0 =	vmul.f32 v17, v0;
	v9 =	vpop (erf);
	v17 =	vld [tilespmem:s3+$0xFFFFFFD0]  }
0x28d: {  	v5 =	vmul.f32 v14, v5;
	v1 =	vmul.f32 v8, v1;
	v10 =	vpop (erf)  }
0x28e: {  	v0 =	vmul.f32 v0, v34;
	v2 =	vmul.f32 v9, v2;
	v11 =	vpop (erf)  }
0x28f: {  	v1 =	vmul.f32 v1, v62;
	v3 =	vmul.f32 v10, v3;
	v8 =	vpop (erf)  }
0x290: {  	v2 =	vmul.f32 v2, v63;
	v4 =	vmul.f32 v11, v4;
	v9 =	vpop (erf)  }
0x291: {  	v5 =	vmul.f32 v8, v5;
	v3 =	vmul.f32 v3, v35;
	v8 =	vpop (erf);
	[tilespmem:$0x1FD10] =	vst v17  }
0x292: {  	v6 =	vmul.f32 v9, v6;
	v7 =	vmul.f32 v8, v7;
	v9 =	vld [tilespmem:s14+$0xFFFFFFB0]  }
0x293: {  	v0 =	vadd.f32 v1, v0;
	v4 =	vmul.f32 v4, v37;
	v5 =	vmul.f32 v5, v38;
	v8 =	vld [tilespmem:s14+$0xFFFFFFA0]  }
0x294: {  	v50 =	vadd.f32 v3, v2;
	v6 =	vmul.f32 v6, v20;
	v7 =	vmul.f32 v7, v46;
	v14 =	vld [tilespmem:s3+$0xFFFFFFE0]  }
0x295: {  	v52 =	vadd.f32 v5, v4;
	v12 =	vadd.f32 v12, v16;
	v11 =	vld [tilespmem:s14+$0xFFFFFFC0]  }
0x296: {  	v53 =	vadd.f32 v7, v6;
	v10 =	vadd.f32 v15, v18;
	v15 =	vld [tilespmem:s3+$0xFFFFFFF0]  }
0x297: {  	v54 =	vld [tilespmem:s14+$0xFFFFFFE0];
	v7 =	vadd.f32 v9, v23;
	v9 =	vmul.f32 $1.442695020e+00, v12  }
0x298: {  	v0 =	vadd.f32 v50, v0;
	v55 =	vadd.f32 v53, v52;
	v56 =	vmul.f32 $1.442695020e+00, v10;
	v51 =	vld [tilespmem:s14+$0xFFFFFFD0]  }
0x299: {  	v6 =	vadd.f32 v8, v19;
	(erf) = vpow2.f32 v9  }
0x29a: {  	v0 =	vadd.f32 v55, v0;
	v8 =	vld [tilespmem:s14+$0xFFFFFFF0];
	(erf) = vpow2.f32 v56  }
0x29b: {  	v36 =	vld [tilespmem:$0x1FFE0];
	v11 =	vadd.f32 v11, v22;
	v57 =	vmul.f32 $1.442695020e+00, v6  }
0x29c: {  	v44 =	vperm.xlane v0, v13;
	[tilespmem:$0x1FBA0] =	vst v14;
	v43 =	vadd.f32 v54, v14;
	v14 =	vld [tilespmem:$0x1FFC0];
	v16 =	vmul.f32 $1.442695020e+00, v7  }
0x29d: {  	s15 =	simm.s32 $0x2D00;
	v48 =	vld [tilespmem:$0x1FFF0];
	v58 =	vadd.f32 v51, v17;
	[tilespmem:$0x1FBB0] =	vst v15;
	v42 =	vmul.f32 $1.442695020e+00, v11;
	(erf) = vpow2.f32 v57  }
0x29e: {  	v0 =	vadd.f32 v0, v44;
	v51 =	vld [tilespmem:s15+$0x0];
	(erf) = vpow2.f32 v16  }
0x29f: {  	v53 =	vld [tilespmem:s15+$0x10];
	v45 =	vadd.f32 v8, v15;
	v8 =	vmul.f32 $1.442695020e+00, v58;
	(erf) = vpow2.f32 v42  }
0x2a0: {  	v32 =	vld [tilespmem:s15+$0x70]  }
0x2a1: {  	v54 =	vld [tilespmem:s15+$0x20];
	v9 =	vmul.f32 $1.442695020e+00, v43;
	v4 =	vperm.xlane v0, v14  }
0x2a2: {  	v55 =	vld [tilespmem:s15+$0x30];
	v59 =	vmul.f32 $1.442695020e+00, v45;
	(erf) = vpow2.f32 v8;
	v60 =	vpop (erf)  }
0x2a3: {  	v52 =	vld [tilespmem:s15+$0x40];
	v0 =	vadd.f32 v0, v4;
	(erf) = vpow2.f32 v9;
	v8 =	vpop (erf)  }
0x2a4: {  	v49 =	vld [tilespmem:s15+$0x50];
	(erf) = vpow2.f32 v59;
	v16 =	vadd.f32 $1.000000000e+00, v8  }
0x2a5: {  	s18 =	simm.s32 $0x4100;
	v50 =	vld [tilespmem:s15+$0x60];
	[tilespmem:$0x1FCB0] =	vst v32;
	v9 =	vperm.xlane v0, v36;
	v61 =	vadd.f32 $1.000000000e+00, v60  }
0x2a6: {  	v19 =	vld [tilespmem:s18+$0x10];
	v17 =	vpop (erf)  }
0x2a7: {  	v0 =	vadd.f32 v0, v9;
	(erf) = vrcp.f32 v61;
	v18 =	vpop (erf)  }
0x2a8: {  	v9 =	vld [tilespmem:s18+$0x0];
	v2 =	vmul.f32 v60, v12;
	(erf) = vrcp.f32 v16;
	v12 =	vadd.f32 $1.000000000e+00, v18;
	v16 =	vpop (erf)  }
0x2a9: {  	v15 =	vmov v20;
	v33 =	vadd.f32 $1.000000000e+00, v17;
	v20 =	vadd.f32 $1.000000000e+00, v16  }
0x2aa: {  	v22 =	vld [tilespmem:s18+$0x20];
	v21 =	vperm.xlane v0, v48  }
0x2ab: {  	v23 =	vld [tilespmem:s18+$0x30];
	v19 =	vadd.f32 v19, v53;
	v8 =	vmul.f32 v8, v10;
	(erf) = vrcp.f32 v33;
	v39 =	vpop (erf)  }
0x2ac: {  	v0 =	vadd.f32 v0, v21;
	v21 =	vld [tilespmem:s18+$0x40];
	(erf) = vrcp.f32 v12;
	v10 =	vadd.f32 $1.000000000e+00, v39;
	v12 =	vpop (erf)  }
0x2ad: {  	v9 =	vadd.f32 v9, v51;
	v24 =	vadd.f32 $1.000000000e+00, v12;
	(erf) = vrcp.f32 v20;
	v20 =	vpop (erf)  }
0x2ae: {  	v0 =	vmul.f32 $1.442695020e+00, v0;
	(erf) = vrcp.f32 v10;
	v25 =	vadd.f32 $1.000000000e+00, v20  }
0x2af: {  	v22 =	vadd.f32 v22, v54;
	v26 =	vmul.f32 $1.442695020e+00, v9;
	(erf) = vrcp.f32 v24  }
0x2b0: {  	v40 =	vadd.f32 v23, v55;
	v23 =	vmul.f32 $1.442695020e+00, v19;
	(erf) = vrcp.f32 v25  }
0x2b1: {  	v28 =	vmul.f32 $1.442695020e+00, v22;
	v21 =	vadd.f32 v21, v52;
	(erf) = vpow2.f32 v0  }
0x2b2: {  	v29 =	vmul.f32 $1.442695020e+00, v40;
	v10 =	vld [tilespmem:s18+$0x50];
	v27 =	vpop (erf);
	(erf) = vpow2.f32 v26  }
0x2b3: {  	v24 =	vld [tilespmem:s18+$0x60];
	v30 =	vmul.f32 $1.442695020e+00, v21;
	v26 =	vpop (erf)  }
0x2b4: {  	v25 =	vld [tilespmem:s18+$0x70];
	(erf) = vpow2.f32 v23;
	v23 =	vpop (erf)  }
0x2b5: {  	(erf) = vpow2.f32 v28;
	v28 =	vpop (erf)  }
0x2b6: {  	v6 =	vmul.f32 v17, v6;
	(erf) = vpow2.f32 v29;
	v29 =	vpop (erf)  }
0x2b7: {  	v7 =	vmul.f32 v18, v7;
	v10 =	vadd.f32 v10, v49;
	(erf) = vpow2.f32 v30;
	v30 =	vpop (erf)  }
0x2b8: {  	v11 =	vmul.f32 v16, v11;
	v1 =	vmul.f32 v39, v58;
	v24 =	vadd.f32 v24, v50;
	v17 =	vpop (erf)  }
0x2b9: {  	v3 =	vmul.f32 v12, v43;
	v31 =	vmul.f32 $1.442695020e+00, v10;
	v25 =	vadd.f32 v25, v32;
	v18 =	vpop (erf)  }
0x2ba: {  	v42 =	vmul.f32 v26, v8;
	v41 =	vmul.f32 $1.442695020e+00, v24;
	v56 =	vpop (erf)  }
0x2bb: {  	v33 =	vmul.f32 $1.442695020e+00, v25;
	(erf) = vpow2.f32 v31;
	v8 =	vpop (erf)  }
0x2bc: {  	v2 =	vmul.f32 v27, v2;
	(erf) = vpow2.f32 v41;
	v12 =	vadd.f32 $1.000000000e+00, v8  }
0x2bd: {  	v5 =	vmul.f32 v20, v45;
	(erf) = vpow2.f32 v33  }
0x2be: {  	v2 =	vmul.f32 v2, v34;
	v6 =	vmul.f32 v23, v6;
	v20 =	vpop (erf)  }
0x2bf: {  	v4 =	vmul.f32 v42, v62;
	v7 =	vmul.f32 v28, v7;
	v26 =	vpop (erf)  }
0x2c0: {  	v6 =	vmul.f32 v6, v63;
	v23 =	vadd.f32 $1.000000000e+00, v26;
	(erf) = vrcp.f32 v12;
	v12 =	vpop (erf)  }
0x2c1: {  	v11 =	vmul.f32 v29, v11;
	v16 =	vadd.f32 $1.000000000e+00, v20;
	v27 =	vadd.f32 $1.000000000e+00, v12  }
0x2c2: {  	v1 =	vmul.f32 v30, v1;
	v7 =	vmul.f32 v7, v35  }
0x2c3: {  	v2 =	vadd.f32 v4, v2;
	v3 =	vmul.f32 v17, v3;
	(erf) = vrcp.f32 v16;
	v28 =	vpop (erf)  }
0x2c4: {  	v11 =	vmul.f32 v11, v37;
	(erf) = vrcp.f32 v23;
	v16 =	vadd.f32 $1.000000000e+00, v28;
	v23 =	vpop (erf)  }
0x2c5: {  	v1 =	vmul.f32 v1, v38;
	v29 =	vadd.f32 $1.000000000e+00, v23;
	(erf) = vrcp.f32 v27;
	v27 =	vpop (erf)  }
0x2c6: {  	v5 =	vmul.f32 v18, v5;
	(erf) = vrcp.f32 v16;
	v30 =	vadd.f32 $1.000000000e+00, v27;
	v31 =	vpop (erf)  }
0x2c7: {  	v3 =	vmul.f32 v3, v15;
	(erf) = vrcp.f32 v29;
	v16 =	vadd.f32 $1.000000000e+00, v31  }
0x2c8: {  	v57 =	vld [tilespmem:s18+$0xFFFFFFA0];
	v6 =	vadd.f32 v7, v6;
	v5 =	vmul.f32 v5, v46;
	(erf) = vrcp.f32 v30  }
0x2c9: {  	v17 =	vld [tilespmem:s15+$0xFFFFFFA0];
	v1 =	vadd.f32 v1, v11;
	v8 =	vmul.f32 v8, v9;
	(erf) = vrcp.f32 v16  }
0x2ca: {  	v11 =	vld [tilespmem:s18+$0xFFFFFF80];
	v9 =	vmul.f32 v20, v19;
	v43 =	vmul.f32 v26, v22;
	v3 =	vadd.f32 v5, v3  }
0x2cb: {  	v2 =	vadd.f32 v6, v2;
	v0 =	vmul.f32 v12, v40;
	v10 =	vmul.f32 v23, v10;
	v29 =	vpop (erf);
	v16 =	vld [tilespmem:s15+$0xFFFFFF90]  }
0x2cc: {  	v1 =	vadd.f32 v3, v1;
	v23 =	vmul.f32 v31, v25;
	v25 =	vld [tilespmem:s15+$0xFFFFFF80];
	v8 =	vmul.f32 v29, v8;
	v20 =	vpop (erf)  }
0x2cd: {  	v45 =	vld [tilespmem:s18+$0xFFFFFF90];
	v44 =	vmul.f32 v28, v21;
	v12 =	vpop (erf);
	v9 =	vmul.f32 v20, v9  }
0x2ce: {  	v1 =	vadd.f32 v1, v2;
	v22 =	vmul.f32 v27, v24;
	v60 =	vmul.f32 v8, v34;
	v21 =	vpop (erf)  }
0x2cf: {  	v18 =	vld [tilespmem:s15+$0xFFFFFFB0];
	v4 =	vmul.f32 v12, v43;
	v43 =	vadd.f32 v57, v17;
	v8 =	vmul.f32 v9, v62;
	v24 =	vpop (erf)  }
0x2d0: {  	v0 =	vmul.f32 v21, v0;
	v19 =	vmov v16;
	v16 =	vld [tilespmem:s15+$0xFFFFFFC0];
	v20 =	vpop (erf);
	v58 =	vmul.f32 v24, v44  }
0x2d1: {  	v7 =	vadd.f32 v11, v25;
	v4 =	vmul.f32 v4, v63;
	v24 =	vld [tilespmem:s18+$0xFFFFFFB0];
	v59 =	vmul.f32 v20, v10;
	v12 =	vpop (erf)  }
0x2d2: {  	v27 =	vld [tilespmem:s15+$0xFFFFFFE0];
	v44 =	vadd.f32 v45, v19;
	v0 =	vmul.f32 v0, v35;
	v3 =	vmul.f32 v58, v37;
	v10 =	vpop (erf)  }
0x2d3: {  	v9 =	vld [tilespmem:s18+$0xFFFFFFC0];
	v2 =	vadd.f32 v8, v60;
	v12 =	vmul.f32 v12, v22;
	v10 =	vmul.f32 v10, v23  }
0x2d4: {  	v62 =	vld [tilespmem:s18+$0xFFFFFFD0];
	v61 =	vmul.f32 v59, v38;
	v0 =	vadd.f32 v0, v4;
	v8 =	vmul.f32 $1.442695020e+00, v44  }
0x2d5: {  	v21 =	vmov v16;
	v16 =	vld [tilespmem:s15+$0xFFFFFFD0];
	[tilespmem:$0x1FBC0] =	vst v25;
	v11 =	vmul.f32 v12, v15;
	v10 =	vmul.f32 v10, v46  }
0x2d6: {  	v3 =	vadd.f32 v61, v3;
	v42 =	vadd.f32 v24, v18;
	v24 =	vmul.f32 $1.442695020e+00, v7;
	v26 =	vld [tilespmem:s15+$0xFFFFFFF0]  }
0x2d7: {  	v25 =	vmul.f32 $1.442695020e+00, v43;
	v0 =	vadd.f32 v0, v2;
	v63 =	vld [tilespmem:s18+$0xFFFFFFE0];
	v34 =	vadd.f32 v10, v11  }
0x2d8: {  	v12 =	vperm.xlane v1, v13;
	v41 =	vadd.f32 v9, v21;
	(erf) = vpow2.f32 v24;
	v10 =	vld [tilespmem:s18+$0xFFFFFFF0]  }
0x2d9: {  	v57 =	vmul.f32 $1.442695020e+00, v42;
	(erf) = vpow2.f32 v8;
	v45 =	vadd.f32 v34, v3  }
0x2da: {  	v58 =	vmul.f32 $1.442695020e+00, v41;
	v1 =	vadd.f32 v1, v12;
	(erf) = vpow2.f32 v25  }
0x2db: {  	v33 =	vadd.f32 v62, v16;
	(erf) = vpow2.f32 v57;
	v0 =	vadd.f32 v45, v0  }
0x2dc: {  	v22 =	vmovc v16;
	v62 =	vperm.xlane v1, v14;
	v16 =	vadd.f32 v63, v27;
	(erf) = vpow2.f32 v58  }
0x2dd: {  	v59 =	vmul.f32 $1.442695020e+00, v33;
	v40 =	vadd.f32 v10, v26;
	v60 =	vperm.xlane v0, v13  }
0x2de: {  	s21 =	simm.s32 $0x2E00;
	v1 =	vadd.f32 v1, v62;
	v10 =	vmul.f32 $1.442695020e+00, v16  }
0x2df: {  	v2 =	vld [tilespmem:s21+$0x0];
	(erf) = vpow2.f32 v59;
	v61 =	vmul.f32 $1.442695020e+00, v40;
	v0 =	vadd.f32 v0, v60  }
0x2e0: {  	v20 =	vmov v17;
	v17 =	vld [tilespmem:s21+$0x10];
	(erf) = vpow2.f32 v10;
	v10 =	vperm.xlane v1, v36  }
0x2e1: {  	v6 =	vld [tilespmem:s21+$0x30];
	v32 =	vpop (erf);
	(erf) = vpow2.f32 v61;
	v63 =	vperm.xlane v0, v14  }
0x2e2: {  	v9 =	vld [tilespmem:s21+$0x40];
	v34 =	vadd.f32 $1.000000000e+00, v32;
	v11 =	vpop (erf)  }
0x2e3: {  	v23 =	vld [tilespmem:s21+$0x50];
	v45 =	vmul.f32 v32, v7;
	v12 =	vadd.f32 $1.000000000e+00, v11;
	v7 =	vpop (erf);
	v0 =	vadd.f32 v0, v63  }
0x2e4: {  	v28 =	vld [tilespmem:s21+$0x60];
	v1 =	vadd.f32 v1, v10;
	(erf) = vrcp.f32 v34;
	v10 =	vpop (erf)  }
0x2e5: {  	v31 =	vld [tilespmem:s21+$0x70];
	(erf) = vrcp.f32 v12;
	v12 =	vadd.f32 $1.000000000e+00, v10;
	v58 =	vpop (erf);
	v57 =	vperm.xlane v0, v36  }
0x2e6: {  	s30 =	simm.s32 $0x4200;
	v8 =	vld [tilespmem:s21+$0x20];
	v39 =	vadd.f32 $1.000000000e+00, v7;
	v60 =	vadd.f32 $1.000000000e+00, v58  }
0x2e7: {  	v61 =	vld [tilespmem:s30+$0x10];
	v0 =	vadd.f32 v0, v57  }
0x2e8: {  	v30 =	vmov v36;
	v59 =	vperm.xlane v1, v48;
	(erf) = vrcp.f32 v39;
	v5 =	vpop (erf);
	v57 =	vld [tilespmem:s30+$0x0]  }
0x2e9: {  	(erf) = vrcp.f32 v12;
	v36 =	vld [tilespmem:s30+$0x20];
	v32 =	vadd.f32 $1.000000000e+00, v5;
	v12 =	vpop (erf);
	v34 =	vperm.xlane v0, v48  }
0x2ea: {  	v3 =	vld [tilespmem:s30+$0x30];
	v1 =	vadd.f32 v1, v59;
	(erf) = vrcp.f32 v60;
	v39 =	vadd.f32 $1.000000000e+00, v12;
	v60 =	vpop (erf)  }
0x2eb: {  	v63 =	vld [tilespmem:s30+$0x40];
	[tilespmem:$0x1FBD0] =	vst v2;
	(erf) = vrcp.f32 v32;
	v32 =	vadd.f32 $1.000000000e+00, v60;
	v0 =	vadd.f32 v0, v34  }
0x2ec: {  	v1 =	vmul.f32 $1.442695020e+00, v1;
	v59 =	vld [tilespmem:s30+$0x50];
	[tilespmem:$0x1FBE0] =	vst v17;
	(erf) = vrcp.f32 v39  }
0x2ed: {  	v62 =	vld [tilespmem:s30+$0x60];
	[tilespmem:$0x1FBF0] =	vst v8;
	v57 =	vadd.f32 v57, v2;
	(erf) = vrcp.f32 v32;
	v34 =	vmul.f32 $1.442695020e+00, v0  }
0x2ee: {  	s24 =	simm.s32 $0x281;
	v61 =	vadd.f32 v61, v17;
	v36 =	vadd.f32 v36, v8;
	v4 =	vld [tilespmem:s30+$0x70];
	[tilespmem:$0x1FC00] =	vst v6;
	(erf) = vpow2.f32 v1  }
0x2ef: {  	v39 =	vmul.f32 $1.442695020e+00, v57;
	(erf) = vpow2.f32 v34;
	v34 =	vadd.f32 v3, v6;
	v3 =	vld [tilespmem:s24+$0x0]  }
0x2f0: {  	v0 =	vmul.f32 $1.442695020e+00, v61  }
0x2f1: {  	v25 =	vmovc v35;
	v24 =	vmov v38;
	v32 =	vmul.f32 $1.442695020e+00, v36;
	(erf) = vpow2.f32 v39  }
0x2f2: {  	v6 =	vpop (erf);
	v39 =	vadd.f32 v59, v23;
	(erf) = vpow2.f32 v0;
	v35 =	vmul.f32 $1.442695020e+00, v34  }
0x2f3: {  	v38 =	vadd.f32 v63, v9;
	v62 =	vadd.f32 v62, v28;
	v63 =	vpop (erf);
	(erf) = vpow2.f32 v32  }
0x2f4: {  	[tilespmem:$0x1FC10] =	vst v9;
	v59 =	vpop (erf);
	(erf) = vpow2.f32 v35;
	v35 =	vmul.f32 $1.442695020e+00, v39;
	(v2sf) =	vpush v3, $0x0  }
0x2f5: {  	[tilespmem:$0x1FC20] =	vst v23;
	v1 =	vmul.f32 $1.442695020e+00, v62;
	v8 =	vpop (erf);
	v32 =	vmul.f32 $1.442695020e+00, v38  }
0x2f6: {  	[tilespmem:$0x1FC30] =	vst v28;
	v9 =	vpop (erf)  }
0x2f7: {  	v29 =	vmov v37;
	v37 =	vadd.f32 v4, v31;
	(erf) = vpow2.f32 v32;
	v3 =	vld [tilespmem:s24+$0xFFFFFFFF];
	v4 =	vpop (erf)  }
0x2f8: {  	s26 =	simm.s32 $0x283;
	(erf) = vpow2.f32 v35;
	v35 =	vpop (erf)  }
0x2f9: {  	v11 =	vmul.f32 v11, v44;
	v2 =	vld [tilespmem:s26+$0x0];
	(erf) = vpow2.f32 v1;
	v1 =	vpop (erf)  }
0x2fa: {  	v7 =	vmul.f32 v7, v43;
	v10 =	vmul.f32 v10, v42;
	v17 =	vpop (erf)  }
0x2fb: {  	v41 =	vmul.f32 v58, v41;
	v32 =	vmul.f32 $1.442695020e+00, v37;
	v42 =	vpop (erf)  }
0x2fc: {  	(v2sf) =	vpush v3, $0x0;
	v3 =	vmul.f32 v5, v33;
	v5 =	vmul.f32 v12, v16;
	v12 =	vpop (erf)  }
0x2fd: {  	v40 =	vmul.f32 v60, v40;
	(erf) = vpow2.f32 v32;
	v16 =	vld [tilespmem:s21+$0xFFFFFF80];
	v58 =	vadd.f32 $1.000000000e+00, v12;
	v44 =	vpop (erf)  }
0x2fe: {  	(v2sf) =	vpush v2, $0x0;
	v2 =	vmul.f32 v6, v45;
	v6 =	vld [tilespmem:s30+$0xFFFFFF80];
	v0 =	vadd.f32 $1.000000000e+00, v44;
	v60 =	vpop (erf)  }
0x2ff: {  	v11 =	vmul.f32 v63, v11;
	(erf) = vrcp.f32 v58;
	v32 =	vadd.f32 $1.000000000e+00, v60;
	v63 =	vpop (erf)  }
0x300: {  	v8 =	vmul.f32 v8, v10;
	(erf) = vrcp.f32 v0;
	v10 =	vadd.f32 $1.000000000e+00, v63;
	v45 =	vpop (erf)  }
0x301: {  	v7 =	vmul.f32 v59, v7;
	(erf) = vrcp.f32 v32;
	v59 =	vadd.f32 $1.000000000e+00, v45  }
0x302: {  	(erf) = vrcp.f32 v10  }
0x303: {  	v23 =	vmov v16;
	v0 =	vpop (erf);
	(erf) = vrcp.f32 v59;
	v59 =	vadd.f32 v6, v16;
	v16 =	vld [tilespmem:$0x1FC40];
	s10 =	spop (v2sf)  }
0x304: {  	s2 =	sadd.f32 $1.000000010e-07, s10;
	_ =	sdelay $0x1  }
0x305: {  	v6 =	vmul.f32 s2, v56  }
0x306: {  	v43 =	vld [tilespmem:s30+$0xFFFFFF90];
	v9 =	vmul.f32 v9, v41  }
0x307: {  	v1 =	vmul.f32 v1, v40;
	v40 =	vmul.f32 v6, v16;
	v16 =	vld [tilespmem:$0x1FC50]  }
0x308: {  	v8 =	vmul.f32 v8, v25;
	v33 =	vld [tilespmem:s21+$0xFFFFFF90];
	v3 =	vmul.f32 v4, v3  }
0x309: {  	v5 =	vmul.f32 v35, v5;
	v35 =	vmul.f32 v60, v36;
	v60 =	vld [tilespmem:$0x1FF40]  }
0x30a: {  	v9 =	vmul.f32 v9, v29;
	v1 =	vmul.f32 v1, v46  }
0x30b: {  	v3 =	vmul.f32 v3, v24;
	v36 =	vmul.f32 v63, v34;
	v63 =	vld [tilespmem:$0x1FF60]  }
0x30c: {  	v5 =	vmul.f32 v5, v15;
	v4 =	vadd.f32 $1.000000000e+00, v0;
	v56 =	vmul.f32 v6, v16;
	v16 =	vld [tilespmem:$0x1FF50]  }
0x30d: {  	v58 =	vadd.f32 v43, v33;
	v38 =	vmul.f32 v45, v38;
	v0 =	vmul.f32 v0, v39;
	v10 =	vpop (erf)  }
0x30e: {  	v2 =	vmul.f32 v2, v60;
	v32 =	vadd.f32 $1.000000000e+00, v10;
	(erf) = vrcp.f32 v4  }
0x30f: {  	v3 =	vadd.f32 v3, v9;
	v9 =	vld [tilespmem:$0x1FC70];
	v41 =	vpop (erf);
	v4 =	vmul.f32 v12, v57;
	v12 =	vmul.f32 v44, v61  }
0x310: {  	v7 =	vmul.f32 v7, v63;
	v44 =	vld [tilespmem:$0x1FC80];
	v43 =	vadd.f32 $1.000000000e+00, v41;
	(erf) = vrcp.f32 v32  }
0x311: {  	v1 =	vadd.f32 v1, v5;
	v32 =	vmul.f32 $1.442695020e+00, v59;
	v11 =	vmul.f32 v11, v16  }
0x312: {  	v10 =	vmul.f32 v10, v62;
	v7 =	vadd.f32 v8, v7;
	v8 =	vld [tilespmem:$0x1FC60];
	(erf) = vrcp.f32 v43;
	s15 =	spop (v2sf)  }
0x313: {  	v37 =	vmul.f32 v41, v37;
	v57 =	vpop (erf);
	(erf) = vpow2.f32 v32;
	s18 =	spop (v2sf);
	v2 =	vadd.f32 v11, v2  }
0x314: {  	v1 =	vadd.f32 v1, v3;
	v62 =	vld [tilespmem:$0x1FF50];
	v47 =	vmul.f32 v6, v47;
	v4 =	vmul.f32 v57, v4;
	s2 =	sadd.f32 $1.000000010e-07, s18  }
0x315: {  	s31 =	simm.s32 $0x6800;
	v9 =	vmul.f32 v6, v9;
	v5 =	vmul.f32 v6, v44;
	v11 =	vld [tilespmem:$0x1FC90];
	v2 =	vadd.f32 v7, v2  }
0x316: {  	v4 =	vmul.f32 v4, v60;
	v16 =	vld [tilespmem:$0x1FCA0];
	[tilespmem:s31+$0x0] =	vst v40;
	v7 =	vmul.f32 s2, v42;
	v42 =	vpop (erf)  }
0x317: {  	v8 =	vmul.f32 v6, v8;
	[tilespmem:s31+$0x10] =	vst v56;
	v45 =	vpop (erf);
	v12 =	vmul.f32 v42, v12;
	v1 =	vadd.f32 v1, v2  }
0x318: {  	[tilespmem:s31+$0x20] =	vst v47;
	v35 =	vmul.f32 v45, v35;
	v39 =	vmul.f32 v7, v51  }
0x319: {  	[tilespmem:s31+$0x30] =	vst v8;
	v41 =	vpop (erf);
	v51 =	vmul.f32 v7, v54;
	v32 =	vperm.xlane v1, v13  }
0x31a: {  	[tilespmem:s31+$0x40] =	vst v9;
	v11 =	vmul.f32 v6, v11;
	v36 =	vmul.f32 v41, v36  }
0x31b: {  	s3 =	simm.s32 $0x6900;
	v3 =	vld [tilespmem:s26+$0xFFFFFFFF];
	[tilespmem:s31+$0x50] =	vst v5;
	v57 =	vpop (erf);
	v41 =	vmul.f32 v7, v53;
	v53 =	vmul.f32 v7, v55;
	v1 =	vadd.f32 v1, v32  }
0x31c: {  	v8 =	vld [tilespmem:s30+$0xFFFFFFE0];
	v12 =	vmul.f32 v12, v62;
	v61 =	vpop (erf);
	v2 =	vmul.f32 v57, v38;
	[tilespmem:s3+$0x0] =	vst v39  }
0x31d: {  	v42 =	vld [tilespmem:s21+$0xFFFFFFE0];
	[tilespmem:s3+$0x20] =	vst v51;
	v0 =	vmul.f32 v61, v0;
	v45 =	vpop (erf);
	v61 =	vperm.xlane v1, v14  }
0x31e: {  	v57 =	vmul.f32 v6, v16;
	[tilespmem:s31+$0x60] =	vst v11;
	v10 =	vmul.f32 v45, v10;
	v45 =	vld [tilespmem:s21+$0xFFFFFFD0]  }
0x31f: {  	v35 =	vmul.f32 v35, v63;
	v36 =	vmul.f32 v36, v25;
	[tilespmem:s3+$0x10] =	vst v41;
	v1 =	vadd.f32 v1, v61;
	v61 =	vld [tilespmem:s30+$0xFFFFFFD0]  }
0x320: {  	v43 =	vmul.f32 $1.442695020e+00, v58;
	v56 =	vmul.f32 v7, v50;
	[tilespmem:s3+$0x30] =	vst v53  }
0x321: {  	s24 =	simm.s32 $0x7C10;
	v55 =	vmul.f32 v7, v49;
	v4 =	vadd.f32 v12, v4;
	[tilespmem:s31+$0x70] =	vst v57;
	v36 =	vadd.f32 v36, v35;
	v32 =	vpop (erf)  }
0x322: {  	v34 =	vld [tilespmem:s21+$0xFFFFFFA0];
	(v2sf) =	vpush v3, $0x0;
	v2 =	vmul.f32 v2, v29;
	[tilespmem:s24+$0x0] =	vst v6;
	v37 =	vmul.f32 v32, v37  }
0x323: {  	v49 =	vadd.f32 v8, v42;
	v0 =	vmul.f32 v0, v24;
	v4 =	vadd.f32 v36, v4;
	v36 =	vld [tilespmem:$0x1FCB0]  }
0x324: {  	v3 =	vld [tilespmem:s30+$0xFFFFFFC0];
	v8 =	vmul.f32 v37, v46;
	v50 =	vadd.f32 v61, v45;
	v61 =	vmul.f32 v10, v15  }
0x325: {  	(erf) = vpow2.f32 v43;
	v43 =	vld [tilespmem:s21+$0xFFFFFFB0];
	v52 =	vmul.f32 v7, v52  }
0x326: {  	v44 =	vld [tilespmem:s21+$0xFFFFFFC0];
	v0 =	vadd.f32 v0, v2;
	v6 =	vadd.f32 v8, v61  }
0x327: {  	v38 =	vld [tilespmem:s30+$0xFFFFFFA0];
	[tilespmem:s3+$0x40] =	vst v52  }
0x328: {  	v54 =	vld [tilespmem:s30+$0xFFFFFFB0];
	[tilespmem:s3+$0x50] =	vst v55;
	v0 =	vadd.f32 v6, v0;
	v6 =	vmul.f32 v7, v36  }
0x329: {  	[tilespmem:s3+$0x60] =	vst v56  }
0x32a: {  	v40 =	vld [tilespmem:s21+$0xFFFFFFF0];
	[tilespmem:s3+$0x70] =	vst v6  }
0x32b: {  	v52 =	vld [tilespmem:$0x1FCC0]  }
0x32c: {  	v9 =	vld [tilespmem:s30+$0xFFFFFFF0];
	s21 =	sadd.f32 $1.000000010e-07, s15;
	v38 =	vadd.f32 v38, v34  }
0x32d: {  	v3 =	vadd.f32 v3, v44;
	v54 =	vadd.f32 v54, v43  }
0x32e: {  	v12 =	vmul.f32 $1.442695020e+00, v38;
	v46 =	vmul.f32 s21, v17  }
0x32f: {  	v57 =	vmul.f32 $1.442695020e+00, v3;
	v11 =	vmul.f32 $1.442695020e+00, v54  }
0x330: {  	s28 =	simm.s32 $0x7C30;
	(erf) = vpow2.f32 v12;
	v0 =	vadd.f32 v0, v4;
	v4 =	vmul.f32 v46, v52  }
0x331: {  	v47 =	vadd.f32 v9, v40;
	(erf) = vpow2.f32 v11;
	v9 =	vmul.f32 $1.442695020e+00, v50;
	[tilespmem:s28+$0x0] =	vst v7  }
0x332: {  	v32 =	vmul.f32 $1.442695020e+00, v49;
	(erf) = vpow2.f32 v57;
	v53 =	vld [tilespmem:$0x1FCD0];
	[tilespmem:s31+$0xFFFFFF80] =	vst v4  }
0x333: {  	v35 =	vmul.f32 $1.442695020e+00, v47;
	v37 =	vpop (erf);
	(erf) = vpow2.f32 v9;
	v56 =	vld [tilespmem:$0x1FCE0]  }
0x334: {  	v2 =	vadd.f32 $1.000000000e+00, v37;
	v39 =	vpop (erf);
	(erf) = vpow2.f32 v32  }
0x335: {  	v5 =	vadd.f32 $1.000000000e+00, v39;
	(erf) = vpow2.f32 v35  }
0x336: {  	(erf) = vrcp.f32 v2  }
0x337: {  	(erf) = vrcp.f32 v5;
	v5 =	vmul.f32 v46, v53  }
0x338: {  	v2 =	vmul.f32 v46, v56  }
0x339: {  	v41 =	vperm.xlane v1, v30;
	v4 =	vld [tilespmem:$0x1FCF0];
	[tilespmem:s31+$0xFFFFFF90] =	vst v5  }
0x33a: {  	v5 =	vld [tilespmem:$0x1FD00];
	[tilespmem:s31+$0xFFFFFFA0] =	vst v2  }
0x33b: {  	v41 =	vadd.f32 v1, v41;
	v2 =	vld [tilespmem:$0x1FD10]  }
0x33c: {  	v12 =	vmov v48;
	v48 =	vmul.f32 v37, v59;
	v55 =	vperm.xlane v0, v13  }
0x33d: {  	v51 =	vmul.f32 v39, v58;
	v35 =	vperm.xlane v41, v12;
	v57 =	vpop (erf)  }
0x33e: {  	v38 =	vmul.f32 v57, v38;
	v58 =	vpop (erf);
	v0 =	vadd.f32 v0, v55;
	v4 =	vmul.f32 v46, v4  }
0x33f: {  	v11 =	vmovc v30;
	v1 =	vadd.f32 $1.000000000e+00, v57;
	v39 =	vmul.f32 v58, v54;
	v5 =	vmul.f32 v46, v5  }
0x340: {  	s15 =	simm.s32 $0x285;
	v6 =	vadd.f32 $1.000000000e+00, v58;
	v61 =	vpop (erf);
	v59 =	vperm.xlane v0, v14;
	[tilespmem:s31+$0xFFFFFFB0] =	vst v4;
	v2 =	vmul.f32 v46, v2  }
0x341: {  	s14 =	simm.s32 $0x7C10;
	s26 =	spop (v2sf);
	v37 =	vld [tilespmem:s15+$0x0];
	(erf) = vrcp.f32 v1;
	v52 =	vadd.f32 $1.000000000e+00, v61;
	v53 =	vmul.f32 v61, v3;
	v55 =	vpop (erf);
	[tilespmem:s31+$0xFFFFFFC0] =	vst v5  }
0x342: {  	s18 =	simm.s32 $0x4;
	s10 =	sadd.f32 $1.000000010e-07, s26;
	s21 =	simm.s32 $0x2F00;
	v36 =	vld [tilespmem:s15+$0xFFFFFFFF];
	(erf) = vrcp.f32 v6;
	v54 =	vadd.f32 v0, v59;
	v58 =	vadd.f32 $1.000000000e+00, v55;
	v56 =	vpop (erf);
	[tilespmem:s31+$0xFFFFFFD0] =	vst v2  }
.LBB2_13:
0x343: {  	v57 =	vld [tilespmem:s21+$0x0]  }
0x344: {  	v0 =	vmul.f32 v55, v50;
	v50 =	vld [tilespmem:s21+$0x10]  }
0x345: {  	v6 =	vmul.f32 v56, v49;
	v49 =	vld [tilespmem:s21+$0x30]  }
0x346: {  	v61 =	vld [tilespmem:s21+$0x50]  }
0x347: {  	v32 =	vld [tilespmem:$0x1FFA0]  }
0x348: {  	v1 =	vadd.f32 $1.000000000e+00, v56;
	v30 =	vld [tilespmem:$0x1FFB0];
	(erf) = vrcp.f32 v52;
	v4 =	vperm.xlane v54, v11;
	v2 =	vpop (erf)  }
0x349: {  	v29 =	vld [tilespmem:$0x1FF90];
	v5 =	vpop (erf);
	(erf) = vrcp.f32 v58  }
0x34a: {  	s30 =	sadd.s32 $0x100, s30;
	v52 =	vld [tilespmem:s21+$0x20];
	v41 =	vadd.f32 v41, v35;
	v4 =	vadd.f32 v54, v4;
	v7 =	vpop (erf);
	(erf) = vrcp.f32 v1  }
0x34b: {  	v9 =	vld [tilespmem:s30+$0x0];
	(v2sf) =	vpush v37, $0x0;
	v8 =	vadd.f32 $1.000000000e+00, v2  }
0x34c: {  	v54 =	vld [tilespmem:s21+$0x40];
	v11 =	vmul.f32 $1.442695020e+00, v41  }
0x34d: {  	v41 =	vld [tilespmem:s21+$0x70];
	(erf) = vrcp.f32 v8;
	v8 =	vperm.xlane v4, v12  }
0x34e: {  	v3 =	vmovc v43;
	v37 =	vmov v22;
	v22 =	vmov v20;
	v20 =	vld [tilespmem:$0x1FF80];
	v48 =	vmul.f32 v5, v48  }
0x34f: {  	v2 =	vmul.f32 v2, v47;
	v47 =	vld [tilespmem:s21+$0x60];
	v51 =	vmul.f32 v7, v51;
	v55 =	vpop (erf);
	v4 =	vadd.f32 v4, v8  }
0x350: {  	[tilespmem:$0x1FB80] =	vst v3;
	(v2sf) =	vpush v36, $0x0;
	v58 =	vld [tilespmem:s30+$0x10];
	v3 =	vmul.f32 v48, v60;
	v7 =	vmul.f32 v55, v38;
	v10 =	vpop (erf)  }
0x351: {  	v36 =	vmov v21;
	(erf) = vpow2.f32 v11;
	v8 =	vld [tilespmem:$0x1FBA0];
	v59 =	vpop (erf);
	v4 =	vmul.f32 $1.442695020e+00, v4  }
0x352: {  	v21 =	vmov v19;
	v19 =	vld [tilespmem:$0x1FF70];
	v12 =	vmul.f32 v51, v62;
	v10 =	vmul.f32 v10, v39;
	v11 =	vpop (erf)  }
0x353: {  	v60 =	vld [tilespmem:s30+$0x40];
	v0 =	vmul.f32 v11, v0;
	v11 =	vpop (erf);
	(erf) = vpow2.f32 v4  }
0x354: {  	v48 =	vadd.f32 v9, v57;
	v9 =	vld [tilespmem:s30+$0x70];
	v7 =	vmul.f32 v7, v63;
	v10 =	vmul.f32 v10, v32  }
0x355: {  	v62 =	vld [tilespmem:s30+$0x50];
	v3 =	vadd.f32 v12, v3  }
0x356: {  	v7 =	vadd.f32 v10, v7;
	v10 =	vld [tilespmem:$0x1FBB0];
	v8 =	vmul.f32 v46, v8  }
0x357: {  	v63 =	vld [tilespmem:$0x1FBD0]  }
0x358: {  	v14 =	vmov v26;
	v5 =	vmul.f32 v59, v53;
	[tilespmem:s31+$0xFFFFFFE0] =	vst v8;
	v8 =	vld [tilespmem:s30+$0x20]  }
0x359: {  	v12 =	vld [tilespmem:s30+$0x30];
	[tilespmem:$0x1FBB0] =	vst v14;
	v14 =	vadd.f32 v7, v3;
	v3 =	vmov v57;
	v6 =	vmul.f32 v11, v6;
	v11 =	vpop (erf)  }
0x35a: {  	v55 =	vadd.f32 v58, v50;
	v5 =	vmul.f32 v5, v30;
	[tilespmem:$0x1FBD0] =	vst v3;
	v3 =	vld [tilespmem:$0x1FBF0];
	v2 =	vmul.f32 v11, v2;
	s2 =	spop (v2sf)  }
0x35b: {  	v51 =	vadd.f32 v60, v54;
	v11 =	vld [tilespmem:s30+$0x60];
	v0 =	vmul.f32 v0, v29;
	v1 =	vpop (erf);
	v10 =	vmul.f32 v46, v10;
	s2 =	sadd.f32 $1.000000010e-07, s2  }
0x35c: {  	v60 =	vadd.f32 v9, v41;
	v39 =	vld [tilespmem:s21+$0xFFFFFF90];
	v6 =	vmul.f32 v6, v19;
	v2 =	vmul.f32 v2, v20;
	v9 =	vpop (erf)  }
0x35d: {  	v38 =	vld [tilespmem:s21+$0xFFFFFFA0];
	v0 =	vadd.f32 v0, v5;
	[tilespmem:s31+$0xFFFFFFF0] =	vst v10;
	v53 =	vadd.f32 v8, v52;
	v5 =	vmul.f32 s2, v9  }
0x35e: {  	v4 =	vmul.f32 $1.442695020e+00, v48;
	v43 =	vld [tilespmem:s21+$0xFFFFFFB0];
	v8 =	vmul.f32 $1.442695020e+00, v55  }
0x35f: {  	v56 =	vmovc v27;
	[tilespmem:s14+$0xFFFFFFF0] =	vst v46;
	v2 =	vadd.f32 v2, v6;
	v10 =	vmul.f32 $1.442695020e+00, v53;
	v6 =	vmul.f32 v5, v63;
	v63 =	vld [tilespmem:$0x1FBE0]  }
0x360: {  	v25 =	vmov v45;
	[tilespmem:$0x1FBA0] =	vst v56;
	v56 =	vadd.f32 v12, v49;
	v45 =	vld [tilespmem:s21+$0xFFFFFFD0]  }
0x361: {  	v28 =	vmov v42;
	v58 =	vadd.f32 v62, v61;
	v42 =	vld [tilespmem:s21+$0xFFFFFFE0];
	(erf) = vpow2.f32 v4  }
0x362: {  	v12 =	vmul.f32 $1.442695020e+00, v56;
	v7 =	vld [tilespmem:s30+$0xFFFFFF90];
	(erf) = vpow2.f32 v8;
	v8 =	vmov v50  }
0x363: {  	v46 =	vmul.f32 $1.442695020e+00, v58;
	v59 =	vadd.f32 v11, v47;
	v50 =	vld [tilespmem:$0x1FC00];
	(erf) = vpow2.f32 v10;
	[tilespmem:$0x1FBE0] =	vst v8;
	v10 =	vmovc v52  }
0x364: {  	v11 =	vmul.f32 $1.442695020e+00, v51;
	v0 =	vadd.f32 v2, v0;
	v52 =	vmovc v49;
	[tilespmem:$0x1FBF0] =	vst v10;
	v2 =	vmul.f32 v5, v63;
	v63 =	vld [tilespmem:$0x1FC10]  }
0x365: {  	s31 =	smov.u32 s3;
	s3 =	sadd.s32 $0x100, s3;
	v9 =	vmul.f32 $1.442695020e+00, v60;
	v8 =	vld [tilespmem:s30+$0xFFFFFFA0];
	(erf) = vpow2.f32 v12;
	[tilespmem:$0x1FC00] =	vst v52  }
0x366: {  	v12 =	vmov v61;
	v10 =	vld [tilespmem:s30+$0xFFFFFFB0];
	(erf) = vpow2.f32 v11;
	[tilespmem:s3+$0x0] =	vst v6;
	v6 =	vmul.f32 v5, v3  }
0x367: {  	v62 =	vmul.f32 $1.442695020e+00, v59;
	(erf) = vpow2.f32 v46;
	v46 =	vld [tilespmem:$0x1FC20];
	[tilespmem:$0x1FC20] =	vst v12  }
0x368: {  	v49 =	vld [tilespmem:$0x1FC30];
	v11 =	vmov v54;
	[tilespmem:s3+$0x20] =	vst v6  }
0x369: {  	(erf) = vpow2.f32 v62;
	[tilespmem:$0x1FC10] =	vst v11;
	v11 =	vld [tilespmem:s30+$0xFFFFFFD0];
	v6 =	vmul.f32 v5, v63  }
0x36a: {  	v27 =	vmovc v40;
	v40 =	vld [tilespmem:s21+$0xFFFFFFF0];
	(erf) = vpow2.f32 v9;
	v9 =	vmov v47;
	[tilespmem:s3+$0x10] =	vst v2;
	v2 =	vmul.f32 v5, v50  }
0x36b: {  	v24 =	vmovc v44;
	v35 =	vmov v18;
	v0 =	vadd.f32 v0, v14;
	[tilespmem:$0x1FC30] =	vst v9;
	v52 =	vadd.f32 v8, v38;
	v8 =	vld [tilespmem:s30+$0xFFFFFFF0]  }
0x36c: {  	v61 =	vadd.f32 v7, v39;
	v7 =	vld [tilespmem:s30+$0xFFFFFFE0];
	v54 =	vadd.f32 v10, v43;
	v10 =	vpop (erf);
	v50 =	vmul.f32 v5, v31;
	[tilespmem:s3+$0x30] =	vst v2  }
0x36d: {  	v14 =	vmul.f32 v5, v49;
	v9 =	vperm.xlane v0, v13;
	v13 =	vadd.f32 $1.000000000e+00, v10;
	[tilespmem:s3+$0x40] =	vst v6;
	v6 =	vpop (erf)  }
0x36e: {  	v44 =	vld [tilespmem:s21+$0xFFFFFFC0];
	v2 =	vmul.f32 v5, v46;
	[tilespmem:s3+$0x70] =	vst v50;
	v50 =	vadd.f32 v11, v45;
	v11 =	vadd.f32 $1.000000000e+00, v6;
	v63 =	vpop (erf)  }
0x36f: {  	v4 =	vld [tilespmem:s30+$0xFFFFFF80];
	v62 =	vmul.f32 $1.442695020e+00, v61;
	[tilespmem:s3+$0x60] =	vst v14;
	(erf) = vrcp.f32 v13;
	v14 =	vadd.f32 $1.000000000e+00, v63;
	v3 =	vpop (erf)  }
0x370: {  	s14 =	smov.u32 s28;
	s28 =	sadd.s32 $0x20, s28;
	v12 =	vld [tilespmem:s21+$0xFFFFFF80];
	v47 =	vadd.f32 v8, v40;
	[tilespmem:s3+$0x50] =	vst v2;
	v15 =	vadd.f32 $1.000000000e+00, v3;
	(erf) = vrcp.f32 v11;
	v8 =	vpop (erf)  }
0x371: {  	v57 =	vld [tilespmem:s30+$0xFFFFFFC0];
	v49 =	vadd.f32 v7, v42;
	[tilespmem:s28+$0x0] =	vst v5;
	v16 =	vadd.f32 $1.000000000e+00, v8;
	(erf) = vrcp.f32 v14;
	v5 =	vpop (erf)  }
0x372: {  	v31 =	vmov v41;
	v18 =	vadd.f32 $1.000000000e+00, v5;
	(erf) = vrcp.f32 v15;
	v7 =	vpop (erf)  }
0x373: {  	v41 =	vmul.f32 $1.442695020e+00, v49;
	v15 =	vadd.f32 $1.000000000e+00, v7;
	(erf) = vrcp.f32 v16;
	v11 =	vpop (erf)  }
0x374: {  	v10 =	vmul.f32 v10, v48;
	v17 =	vadd.f32 $1.000000000e+00, v11;
	(erf) = vrcp.f32 v18  }
0x375: {  	v4 =	vadd.f32 v4, v12;
	v46 =	vmul.f32 s10, v1;
	v18 =	vld [tilespmem:$0x1FFC0];
	(erf) = vrcp.f32 v15  }
0x376: {  	v57 =	vadd.f32 v57, v44;
	v1 =	vmul.f32 $1.442695020e+00, v52;
	(erf) = vrcp.f32 v17;
	v17 =	vld [tilespmem:$0x1FBC0]  }
0x377: {  	v2 =	vmul.f32 $1.442695020e+00, v54;
	v14 =	vmul.f32 $1.442695020e+00, v4  }
0x378: {  	v13 =	vmul.f32 $1.442695020e+00, v57;
	v6 =	vmul.f32 v6, v55  }
0x379: {  	v0 =	vadd.f32 v0, v9;
	v3 =	vmul.f32 v3, v56;
	(erf) = vpow2.f32 v14  }
0x37a: {  	v11 =	vmul.f32 v11, v60;
	v60 =	vld [tilespmem:$0x1FF40];
	(erf) = vpow2.f32 v62  }
0x37b: {  	v23 =	vmov v23;
	v15 =	vpop (erf);
	v62 =	vld [tilespmem:$0x1FF50];
	v14 =	vperm.xlane v0, v18;
	v17 =	vmul.f32 v46, v17  }
0x37c: {  	v8 =	vmul.f32 v8, v51;
	v5 =	vmul.f32 v5, v58;
	v48 =	vpop (erf)  }
0x37d: {  	v10 =	vmul.f32 v15, v10;
	v56 =	vpop (erf);
	v0 =	vadd.f32 v0, v14;
	v14 =	vmul.f32 v63, v53;
	v63 =	vld [tilespmem:$0x1FF60]  }
0x37e: {  	v7 =	vmul.f32 v7, v59;
	[tilespmem:$0x1FBC0] =	vst v23;
	v23 =	vmov v12;
	v6 =	vmul.f32 v48, v6;
	v12 =	vpop (erf)  }
0x37f: {  	v10 =	vmul.f32 v10, v60;
	v3 =	vmul.f32 v12, v3;
	[tilespmem:s31+$0xFFFFFF80] =	vst v17;
	v17 =	vpop (erf)  }
0x380: {  	v14 =	vmul.f32 v56, v14;
	v6 =	vmul.f32 v6, v62;
	v15 =	vpop (erf)  }
0x381: {  	v3 =	vmul.f32 v3, v32;
	v8 =	vmul.f32 v17, v8;
	v12 =	vpop (erf)  }
0x382: {  	v14 =	vmul.f32 v14, v63;
	v5 =	vmul.f32 v15, v5;
	v15 =	vpop (erf)  }
0x383: {  	v7 =	vmul.f32 v12, v7;
	v11 =	vmul.f32 v15, v11  }
0x384: {  	v8 =	vmul.f32 v8, v30;
	v5 =	vmul.f32 v5, v29  }
0x385: {  	v12 =	vpop (erf);
	v7 =	vmul.f32 v7, v19;
	v11 =	vmul.f32 v11, v20  }
0x386: {  	v6 =	vadd.f32 v6, v10;
	v3 =	vadd.f32 v3, v14;
	v17 =	vpop (erf);
	(erf) = vpow2.f32 v1  }
0x387: {  	v32 =	vadd.f32 v5, v8;
	(erf) = vpow2.f32 v2;
	v55 =	vadd.f32 v11, v7;
	v11 =	vld [tilespmem:$0x1FFE0]  }
0x388: {  	v16 =	vmul.f32 $1.442695020e+00, v50;
	(erf) = vpow2.f32 v13;
	v13 =	vld [tilespmem:$0x1FFD0]  }
0x389: {  	v9 =	vmul.f32 $1.442695020e+00, v47;
	v56 =	vadd.f32 v3, v6;
	v1 =	vadd.f32 v55, v32  }
0x38a: {  	v59 =	vmul.f32 v46, v21;
	(erf) = vpow2.f32 v16  }
0x38b: {  	v48 =	vmul.f32 v12, v4;
	(erf) = vpow2.f32 v41;
	v1 =	vadd.f32 v1, v56  }
0x38c: {  	v26 =	vmovc v27;
	v15 =	vadd.f32 $1.000000000e+00, v12;
	v12 =	vld [tilespmem:$0x1FFF0];
	v51 =	vmul.f32 v17, v61;
	v58 =	vperm.xlane v0, v11  }
0x38d: {  	v27 =	vmovc v28;
	v21 =	vmovc v24;
	v53 =	vadd.f32 $1.000000000e+00, v17;
	(erf) = vpow2.f32 v9;
	v61 =	vperm.xlane v1, v13  }
0x38e: {  	s18 =	sadd.s32 $0x2, s18;
	[tilespmem:s31+$0xFFFFFF90] =	vst v59;
	v59 =	vmul.f32 v46, v36;
	v19 =	vmovc v33;
	v33 =	vmovc v39;
	v20 =	vmov v34;
	(erf) = vrcp.f32 v15  }
0x38f: {  	p0 =	slt.u32 s18, $0x26;
	v34 =	vmovc v38;
	v55 =	vmul.f32 v46, v22;
	v22 =	vmovc v25;
	(erf) = vrcp.f32 v53;
	v41 =	vadd.f32 v0, v58  }
.Ltmp7:
0x390: {  	[tilespmem:s31+$0xFFFFFFC0] =	vst v59;
	v56 =	vmul.f32 v46, v35;
	v0 =	vmul.f32 v46, v37;
	v1 =	vadd.f32 v1, v61;
	v58 =	vpop (erf);
	(pc) =	sbr.rel @p0 .LBB2_13-.Ltmp7, $4  }
0x391: {  	s15 =	sadd.s32 $0x2, s15;
	s26 =	spop (v2sf);
	[tilespmem:s31+$0xFFFFFFA0] =	vst v55;
	v35 =	vperm.xlane v41, v12;
	v38 =	vmul.f32 v58, v52;
	v3 =	vadd.f32 $1.000000000e+00, v58;
	v61 =	vpop (erf)  }
0x392: {  	s26 =	sadd.f32 $1.000000010e-07, s26;
	[tilespmem:s31+$0xFFFFFFB0] =	vst v56;
	v37 =	vld [tilespmem:s15+$0x0];
	v32 =	vperm.xlane v1, v18;
	v39 =	vmul.f32 v61, v54;
	v5 =	vadd.f32 $1.000000000e+00, v61;
	v61 =	vpop (erf)  }
0x393: {  	v36 =	vld [tilespmem:s15+$0xFFFFFFFF];
	v53 =	vmul.f32 v61, v57;
	v52 =	vadd.f32 $1.000000000e+00, v61;
	(erf) = vrcp.f32 v3;
	v55 =	vpop (erf)  }
0x394: {  	s21 =	sadd.s32 $0x100, s21;
	s10 =	smov.u32 s26;
	[tilespmem:s31+$0xFFFFFFD0] =	vst v0;
	v18 =	vld [tilespmem:$0x1FB80];
	v54 =	vadd.f32 v1, v32;
	v58 =	vadd.f32 $1.000000000e+00, v55;
	(erf) = vrcp.f32 v5;
	v56 =	vpop (erf)  }
0x395: {  	_ = 	snop  }
0x396: {  	v0 =	vadd.f32 $1.000000000e+00, v56;
	(erf) = vrcp.f32 v52;
	v1 =	vpop (erf)  }
0x397: {  	(erf) = vrcp.f32 v58;
	v2 =	vadd.f32 $1.000000000e+00, v1  }
0x398: {  	(erf) = vrcp.f32 v0  }
0x399: {  	(erf) = vrcp.f32 v2;
	_ =	sdelay $0x1  }
0x39a: {  	v0 =	vpop (erf)  }
0x39b: {  	v3 =	vmul.f32 v55, v50;
	v17 =	vld [tilespmem:$0x1FFA0];
	v2 =	vpop (erf)  }
0x39c: {  	v5 =	vmul.f32 v56, v49;
	v24 =	vld [tilespmem:$0x1FFB0];
	v0 =	vmul.f32 v0, v48;
	v6 =	vpop (erf)  }
0x39d: {  	v16 =	vld [tilespmem:$0x1FF90];
	v1 =	vmul.f32 v1, v47;
	v2 =	vmul.f32 v2, v51;
	v7 =	vpop (erf)  }
0x39e: {  	v14 =	vld [tilespmem:$0x1FF70];
	v0 =	vmul.f32 v0, v60;
	v6 =	vmul.f32 v6, v38;
	v8 =	vpop (erf)  }
0x39f: {  	v15 =	vld [tilespmem:$0x1FF80];
	v2 =	vmul.f32 v2, v62;
	v7 =	vmul.f32 v7, v39;
	v9 =	vpop (erf)  }
0x3a0: {  	v6 =	vmul.f32 v6, v63;
	v8 =	vmul.f32 v8, v53;
	v10 =	vpop (erf)  }
0x3a1: {  	v3 =	vmul.f32 v9, v3;
	v7 =	vmul.f32 v7, v17;
	v9 =	vpop (erf)  }
0x3a2: {  	v5 =	vmul.f32 v10, v5;
	v1 =	vmul.f32 v9, v1  }
0x3a3: {  	v8 =	vmul.f32 v8, v24;
	v3 =	vmul.f32 v3, v16  }
0x3a4: {  	v5 =	vmul.f32 v5, v14;
	v1 =	vmul.f32 v1, v15  }
0x3a5: {  	v4 =	vperm.xlane v54, v11;
	v0 =	vadd.f32 v2, v0;
	v2 =	vadd.f32 v7, v6  }
0x3a6: {  	v3 =	vadd.f32 v3, v8;
	v1 =	vadd.f32 v1, v5  }
0x3a7: {  	(v2sf) =	vpush v37, $0x0;
	v4 =	vadd.f32 v54, v4  }
0x3a8: {  	v0 =	vadd.f32 v2, v0;
	v1 =	vadd.f32 v1, v3  }
0x3a9: {  	v10 =	vperm.xlane v4, v12  }
0x3aa: {  	v9 =	vadd.f32 v41, v35;
	v0 =	vadd.f32 v1, v0  }
0x3ab: {  	v6 =	vld [tilespmem:$0x1FFC0];
	v4 =	vadd.f32 v4, v10  }
0x3ac: {  	v5 =	vmul.f32 $1.442695020e+00, v9;
	v1 =	vperm.xlane v0, v13  }
0x3ad: {  	v2 =	vmul.f32 $1.442695020e+00, v4;
	v4 =	vld [tilespmem:$0x1FBA0]  }
0x3ae: {  	(erf) = vpow2.f32 v5;
	v5 =	vld [tilespmem:$0x1FBB0];
	v0 =	vadd.f32 v0, v1  }
0x3af: {  	(erf) = vpow2.f32 v2  }
0x3b0: {  	v1 =	vperm.xlane v0, v6;
	_ =	sdelay $0x1  }
0x3b1: {  	v4 =	vmul.f32 v46, v4;
	v0 =	vadd.f32 v0, v1  }
0x3b2: {  	v5 =	vmul.f32 v46, v5  }
0x3b3: {  	[tilespmem:s31+$0xFFFFFFE0] =	vst v4;
	v3 =	vperm.xlane v0, v11  }
0x3b4: {  	[tilespmem:s31+$0xFFFFFFF0] =	vst v5  }
0x3b5: {  	s2 =	spop (v2sf);
	v0 =	vadd.f32 v0, v3;
	v3 =	vld [tilespmem:$0x1FBD0]  }
0x3b6: {  	s2 =	sadd.f32 $1.000000010e-07, s2;
	v1 =	vpop (erf)  }
0x3b7: {  	v2 =	vpop (erf)  }
0x3b8: {  	v2 =	vmul.f32 s2, v2;
	_ =	sdelay $0x1  }
0x3b9: {  	[tilespmem:s14+$0xFFFFFFF0] =	vst v46;
	v3 =	vmul.f32 v2, v3  }
0x3ba: {  	s26 =	sadd.s32 $0x100, s3;
	v5 =	vld [tilespmem:$0x1FBE0]  }
0x3bb: {  	[tilespmem:s26+$0x0] =	vst v3  }
0x3bc: {  	v3 =	vld [tilespmem:$0x1FBF0];
	_ =	sdelay $0x2  }
0x3bd: {  	v5 =	vmul.f32 v2, v5  }
0x3be: {  	v4 =	vperm.xlane v0, v12  }
0x3bf: {  	[tilespmem:s26+$0x10] =	vst v5;
	v3 =	vmul.f32 v2, v3  }
0x3c0: {  	v0 =	vadd.f32 v0, v4;
	v4 =	vld [tilespmem:$0x1FC00]  }
0x3c1: {  	[tilespmem:s26+$0x20] =	vst v3  }
0x3c2: {  	v3 =	vld [tilespmem:$0x1FC10];
	_ =	sdelay $0x2  }
0x3c3: {  	v4 =	vmul.f32 v2, v4;
	_ =	sdelay $0x1  }
0x3c4: {  	[tilespmem:s26+$0x30] =	vst v4;
	v3 =	vmul.f32 v2, v3  }
0x3c5: {  	(v2sf) =	vpush v36, $0x0;
	v4 =	vld [tilespmem:$0x1FC20]  }
0x3c6: {  	[tilespmem:s26+$0x40] =	vst v3  }
0x3c7: {  	v3 =	vld [tilespmem:$0x1FC30];
	_ =	sdelay $0x1  }
0x3c8: {  	v0 =	vmul.f32 $1.442695020e+00, v0  }
0x3c9: {  	v4 =	vmul.f32 v2, v4  }
0x3ca: {  	(erf) = vpow2.f32 v0;
	v0 =	vmul.f32 v2, v31  }
0x3cb: {  	[tilespmem:s26+$0x50] =	vst v4;
	v3 =	vmul.f32 v2, v3  }
0x3cc: {  	[tilespmem:s26+$0x70] =	vst v0  }
0x3cd: {  	[tilespmem:s26+$0x60] =	vst v3  }
0x3ce: {  	v0 =	vld [tilespmem:$0x1FBC0]  }
0x3cf: {  	v1 =	vmul.f32 s10, v1;
	_ =	sdelay $0x1  }
0x3d0: {  	s30 =	sadd.s32 $0x20, s28;
	v3 =	vmul.f32 v1, v21  }
0x3d1: {  	[tilespmem:s30+$0x0] =	vst v2;
	v2 =	vmul.f32 v1, v19  }
0x3d2: {  	s31 =	spop (v2sf);
	[tilespmem:s3+$0xFFFFFFC0] =	vst v3;
	v0 =	vmul.f32 v1, v0  }
0x3d3: {  	s14 =	sadd.f32 $1.000000010e-07, s31;
	[tilespmem:s3+$0xFFFFFF90] =	vst v2;
	v2 =	vmul.f32 v1, v18  }
0x3d4: {  	v3 =	vpop (erf);
	[tilespmem:s3+$0xFFFFFF80] =	vst v0;
	v0 =	vmul.f32 v1, v20  }
0x3d5: {  	[tilespmem:s3+$0xFFFFFFB0] =	vst v2;
	v2 =	vmul.f32 v1, v27;
	v3 =	vmul.f32 s14, v3  }
0x3d6: {  	[tilespmem:s3+$0xFFFFFFA0] =	vst v0;
	v0 =	vmul.f32 v1, v22  }
0x3d7: {  	[tilespmem:s3+$0xFFFFFFE0] =	vst v2;
	v2 =	vmul.f32 v3, v44  }
0x3d8: {  	[tilespmem:s3+$0xFFFFFFD0] =	vst v0;
	v0 =	vmul.f32 v1, v26  }
0x3d9: {  	[tilespmem:s26+$0xFFFFFFC0] =	vst v2  }
0x3da: {  	[tilespmem:s3+$0xFFFFFFF0] =	vst v0;
	v0 =	vmul.f32 v3, v23  }
0x3db: {  	[tilespmem:s28+$0xFFFFFFF0] =	vst v1;
	v1 =	vmul.f32 v3, v33  }
0x3dc: {  	[tilespmem:s26+$0xFFFFFF80] =	vst v0;
	v0 =	vmul.f32 v3, v34  }
0x3dd: {  	[tilespmem:s26+$0xFFFFFF90] =	vst v1;
	v1 =	vmul.f32 v3, v43  }
0x3de: {  	p2 =	por $0x1, $0x1;
	[tilespmem:s26+$0xFFFFFFA0] =	vst v0;
	v0 =	vmul.f32 v3, v45  }
.Ltmp8:
0x3df: {  	[tilespmem:s26+$0xFFFFFFB0] =	vst v1;
	v1 =	vmul.f32 v3, v42;
	(pc) =	sbr.rel @!p2 .LBB2_15-.Ltmp8, $4  }
0x3e0: {  	[tilespmem:s26+$0xFFFFFFD0] =	vst v0;
	v0 =	vmul.f32 v3, v40  }
0x3e1: {  	[tilespmem:s26+$0xFFFFFFE0] =	vst v1  }
0x3e2: {  	v7 =	vmov v16;
	[tilespmem:s26+$0xFFFFFFF0] =	vst v0  }
0x3e3: {  	p0 =	por $0x0, $0x0;
	v9 =	vmovc v14;
	v46 =	vmovc v15;
	v5 =	vmov v24;
	v4 =	vmov v6;
	s14 =	simm.s32 $0x0;
	[tilespmem:s30+$0xFFFFFFF0] =	vst v3;
	v3 =	vmov v17  }
0x3e4: {  	v0 =	vld [tilespmem:s14+$0x200];
	_ =	sdelay $0x4  }
0x3e5: {  	(v2sf) =	vpush v0, $0x0;
	_ =	sdelay $0xc  }
0x3e6: {  	v2 =	vld [tilespmem:$0x1FB90]  }
0x3e7: {  	v0 =	vld [tilespmem:s24+$0xFFFFFFF0]  }
0x3e8: {  	s2 =	spop (v2sf)  }
0x3e9: {  	v1 =	vld [tilespmem:s2+$0x7F00];
	_ =	sdelay $0x2  }
0x3ea: {  	v0 =	vmul.f32 v2, v0;
	_ =	sdelay $0x1  }
0x3eb: {  	v0 =	vadd.f32 v1, v0;
	_ =	sdelay $0x1  }
0x3ec: {  	v1 =	vld [tilespmem:s24+$0x0];
	[tilespmem:s2+$0x7F00] =	vst v0  }
0x3ed: {  	v0 =	vld [tilespmem:s14+$0x201];
	_ =	sdelay $0x4  }
0x3ee: {  	(v2sf) =	vpush v0, $0x0;
	_ =	sdelay $0xe  }
0x3ef: {  	s31 =	spop (v2sf)  }
0x3f0: {  	v0 =	vld [tilespmem:s31+$0x7F00];
	_ =	sdelay $0x1  }
0x3f1: {  	p2 =	por $0x1, $0x1  }
.Ltmp9:
0x3f2: {  	v1 =	vmul.f32 v2, v1;
	(pc) =	sbr.rel @!p2 .LBB2_17-.Ltmp9, $4  }
0x3f3: {  	_ = 	snop  }
0x3f4: {  	v0 =	vadd.f32 v0, v1  }
0x3f5: {  	s10 =	simm.s32 $0x10  }
0x3f6: {  	p0 =	por $0x1, $0x1;
	s3 =	simm.s32 $0x7C10;
	v6 =	vimm.f32 $0.0e+00;
	s14 =	simm.s32 $0x2;
	[tilespmem:s31+$0x7F00] =	vst v0  }
.LBB2_18:
0x3f7: {  	p2 =	sne.s32 s10, $0x98;
	v0 =	vld [tilespmem:s14+$0x200];
	_ =	sdelay $0x4  }
0x3f8: {  	(v2sf) =	vpush v0, $0x0;
	_ =	sdelay $0xc  }
0x3f9: {  	s3 =	sadd.s32 $0x20, s3  }
0x3fa: {  	v0 =	vld [tilespmem:s3+$0xFFFFFFF0]  }
0x3fb: {  	s2 =	spop (v2sf)  }
0x3fc: {  	v1 =	vld [tilespmem:s2+$0x7F00];
	_ =	sdelay $0x2  }
0x3fd: {  	v0 =	vmul.f32 v2, v0;
	_ =	sdelay $0x1  }
0x3fe: {  	v0 =	vadd.f32 v1, v0;
	_ =	sdelay $0x1  }
0x3ff: {  	v1 =	vld [tilespmem:s3+$0x0];
	[tilespmem:s2+$0x7F00] =	vst v0  }
0x400: {  	v0 =	vld [tilespmem:s14+$0x201];
	_ =	sdelay $0x4  }
0x401: {  	(v2sf) =	vpush v0, $0x0;
	_ =	sdelay $0xe  }
0x402: {  	s2 =	spop (v2sf)  }
0x403: {  	v0 =	vld [tilespmem:s2+$0x7F00];
	_ =	sdelay $0x2  }
.Ltmp10:
0x404: {  	v1 =	vmul.f32 v2, v1;
	(pc) =	sbr.rel @p2 .LBB2_18-.Ltmp10, $3  }
0x405: {  	_ = 	snop  }
0x406: {  	v0 =	vadd.f32 v0, v1;
	_ =	sdelay $0x1  }
0x407: {  	s14 =	sshra.s32 s10, $0x2;
	s10 =	sadd.s32 $0x8, s10;
	[tilespmem:s2+$0x7F00] =	vst v0  }
.LBB2_19:
0x408: {  	v0 =	vld [tilespmem:s14+$0x200];
	_ =	sdelay $0x4  }
0x409: {  	(v2sf) =	vpush v0, $0x0;
	_ =	sdelay $0xb  }
0x40a: {  	s2 =	sadd.s32 @p0 $0x20, s3  }
0x40b: {  	s24 =	smov.u32 @p0 s2  }
0x40c: {  	v0 =	vld [tilespmem:s24+$0xFFFFFFF0]  }
0x40d: {  	s26 =	spop (v2sf)  }
0x40e: {  	v1 =	vld [tilespmem:s26+$0x7F00];
	_ =	sdelay $0x2  }
0x40f: {  	v0 =	vmul.f32 v2, v0;
	_ =	sdelay $0x1  }
0x410: {  	v0 =	vadd.f32 v1, v0;
	_ =	sdelay $0x1  }
0x411: {  	v1 =	vld [tilespmem:s24+$0x0];
	[tilespmem:s26+$0x7F00] =	vst v0  }
0x412: {  	v0 =	vld [tilespmem:s14+$0x201];
	_ =	sdelay $0x4  }
0x413: {  	(v2sf) =	vpush v0, $0x0;
	_ =	sdelay $0xe  }
0x414: {  	s28 =	spop (v2sf)  }
0x415: {  	v0 =	vld [tilespmem:s28+$0x7F00];
	_ =	sdelay $0x2  }
0x416: {  	v1 =	vmul.f32 v2, v1;
	_ =	sdelay $0x1  }
0x417: {  	v0 =	vadd.f32 v0, v1;
	_ =	sdelay $0x1  }
0x418: {  	[tilespmem:s28+$0x7F00] =	vst v0  }
0x419: {  	v0 =	vld [tilespmem:$0x200]  }
0x41a: {  	v1 =	vld [tilespmem:$0x210]  }
0x41b: {  	v2 =	vld [tilespmem:$0x218];
	_ =	sdelay $0x1  }
.Ltmp11:
0x41c: {  	_ = 	snop;
	(pc) =	sbr.rel @p1 .LBB2_21-.Ltmp11, $4  }
0x41d: {  	[tilespmem:$0x7B80] =	vst v0  }
0x41e: {  	[tilespmem:$0x7B90] =	vst v1  }
0x41f: {  	s30 =	simm.s32 $0x7B80;
	s31 =	simm.s32 $0x6780;
	[tilespmem:$0x7B98] =	vst v2  }
0x420: {  	[spmem:s4] =	stream.indirect.scatter.add.f32 [tilespmem:s31], [sflag:$0x8], $0x80, s30, s29, $0xb8;
	[tilespmem:$0x1E780] =	vst v63  }
0x421: {  	_ =	swait.ge [sflag:s22], $0x28  }
0x422: {  	[sflag:s22] =	ssyncset.done $0x0  }
0x423: {  	[sflag:s22] =	ssyncadd.s32 $0xFFFFFFD8  }
0x424: {  	_ =	swait.ge [sflag:s22], $0x28  }
0x425: {  	[sflag:s22] =	ssyncset.done $0x0  }
0x426: {  	[sflag:s22] =	ssyncadd.s32 $0xFFFFFFD8  }
0x427: {  	_ =	swait.ge [sflag:s22], $0x28  }
0x428: {  	[sflag:s22] =	ssyncset.done $0x0  }
0x429: {  	s2 =	simm.s32 $0x380;
	s26 =	rddreg [dreg:$0xf];
	[sflag:s22] =	ssyncadd.s32 $0xFFFFFFD8  }
0x42a: {  	[tilespmem:s2], [sflag:$0x1] =	stream.indirect.gather [hbm4b:s1+s29], $0x80, s5, s29, $0xb8;
	[tilespmem:$0x1E780] =	vst v63  }
0x42b: {  	s2 =	sadd.s32 s23, s26  }
0x42c: {  	s24 =	simm.s32 $0x80;
	s3 =	simm.s32 $0x1780;
	s2 =	sshrl.u32 s2, $0x3  }
0x42d: {  	[tilespmem:s3], [sflag:$0x2] =	stream.indirect.gather [hbm4b:s7+s29], $0x80, s24, s29, $0xb8;
	[tilespmem:$0x1E780] =	vst v63  }
0x42e: {  	s28 =	sadd.s32 s8, s2  }
0x42f: {  	[tilespmem:s0], [sflag:$0x6] =	stream.linear.gather [hbm4b:s28+s5], $0x28, $0x38;
	[tilespmem:$0x1E780] =	vst v63  }
.Ltmp12:
0x430: {  	_ = 	snop;
	(pc) =	sbr.rel .LBB2_4-.Ltmp12, $4  }
0x431: {  	s30 =	sadd.s32 s9, s2  }
0x432: {  	[tilespmem:s6], [sflag:$0x6] =	stream.linear.gather [hbm4b:s30+s5], $0x28, $0x38;
	[tilespmem:$0x1E780] =	vst v63  }
0x433: {  	s31 =	simm.s32 $0x280;
	s12 =	sadd.s32 $0x1, s12;
	s2 =	sadd.s32 s20, s2  }
0x434: {  	[tilespmem:s31], [sflag:$0x6] =	stream.linear.gather [hbm4b:s2+s5], $0x28, $0x38;
	[tilespmem:$0x1E780] =	vst v63  }
.LBB2_7:
.Ltmp13:
0x435: {  	(pc) =	sbr.rel .LBB2_12-.Ltmp13, $2  }
0x436: {  	_ =	sdelay $0x2  }
0x437: {  	s3 =	simm.s32 $0x7C10;
	v2 =	vimm.f32 $0.0e+00  }
.LBB2_15:
.Ltmp14:
0x438: {  	(pc) =	sbr.rel .LBB2_19-.Ltmp14, $2  }
0x439: {  	_ =	sdelay $0x2  }
0x43a: {  	s3 =	simm.s32 $0x7C10;
	v6 =	vimm.f32 $0.0e+00;
	v2 =	vld [tilespmem:$0x1FB90]  }
.LBB2_9:
.Ltmp15:
0x43b: {  	(pc) =	sbr.rel .LBB2_12-.Ltmp15, $2  }
0x43c: {  	_ =	sdelay $0x2  }
0x43d: {  	s3 =	simm.s32 $0x7C10;
	v13 =	vld [tilespmem:$0x1FFD0]  }
.LBB2_17:
.Ltmp16:
0x43e: {  	(pc) =	sbr.rel .LBB2_19-.Ltmp16, $2  }
0x43f: {  	_ =	sdelay $0x2  }
0x440: {  	s3 =	simm.s32 $0x7C10  }
.LBB2_22:
0x441: {  	_ =	sfence.sel $0x180000  }
0x442: {  	[bflag:$0x0] =	sbarrier.arrive $0xFFFF  }
0x443: {  	_ =	strace $0x90000047  }
0x444: {  	s0 =	stileid.u32;
	[bflag:$0x2] =	sbarrier.arrive $0xFFFF  }
0x445: {  	p0 =	sne.s32 s0, $0x0;
	s0 =	rddreg [dreg:$0x5]  }
0x446: {  	s0 =	sadd.s32 @!p0 $0x100000, s0  }
0x447: {  	[sflag:s0] =	ssyncadd.tile.s32 @!p0 $0x1;
	_ =	shalt  }
.Lfunc_end2:
_tile_overlayer_lowered:
.L_overlay_start_2:
0x448: {  	(tag) =	ssettag $0x2  }
0x449: {  	s0 =	rddreg [dreg:$0x0];
	s2 =	stileid.u32  }
0x44a: {  	s1 =	rddreg [dreg:$0x1];
	p0 =	sne.s32 s2, $0x0  }
0x44b: {  	s3 =	rddreg [dreg:$0x2];
	[bflag:$0x3] =	sbarrier.arrive $0xFFFF;
	s2 =	simm.s32 @!p0 $0x1C09  }
0x44c: {  	[timem:s3], [sflag:s2] =	dma.local @!p0 [hbm:s0], s1  }
0x44d: {  	s0 =	simm.s32 @!p0 $0x9  }
0x44e: {  	_ =	swait.ge @!p0 [sflag:s0], s1  }
0x44f: {  	s1 =	ssub.s32 @!p0 $0x0, s1;
	[sflag:s0] =	ssyncset.done @!p0 $0x0  }
0x450: {  	[sflag:s0] =	ssyncadd.s32 @!p0 s1  }
0x451: {  	[bflag:$0x3] =	sbarrier.arrive $0xFFFF  }
0x452: {  	_ =	shalt  }

</sc_bundles>
